<compile_context>
chip_gen: v7x
topology: tpu7x:2x2x1
jax: 0.10.2.dev20260603
libtpu: 0.0.44.dev20260713+nightly
codegen_flags: <defaults>
</compile_context>

<pallas_src>
import jax
import jax.numpy as jnp
from jax import lax
from jax.experimental import pallas as pl
from jax.experimental.pallas import tpu as pltpu
from jax.experimental.pallas import tpu_sc as plsc

N = 50000
D = 128
R = 4
E = 150000
L = 2 * R

C = 960
CHUNKS = 160
EP = CHUNKS * C
CPT = CHUNKS // 16
NQ = 4
Q = 12544
QP = 12576
RPT = Q // 16
G = 32
NBMAX = (C + G - 1) // G
CPAD = NBMAX * G + G
NSLOT = 4
CP = CPAD
HB = Q // 2
MB = 2000


def _mm_body(x_ref, w_ref, b_ref, y_ref):
    y_ref[0] = (
        jnp.dot(x_ref[...], w_ref[0], preferred_element_type=jnp.float32)
        + b_ref[0]
    )


def _mm_stage(x, w_all, b_all):
    return pl.pallas_call(
        _mm_body,
        grid=(N // MB, L),
        in_specs=[
            pl.BlockSpec((MB, D), lambda nb, l: (nb, 0)),
            pl.BlockSpec((1, D, D), lambda nb, l: (l, 0, 0)),
            pl.BlockSpec((1, 1, D), lambda nb, l: (l, 0, 0)),
        ],
        out_specs=pl.BlockSpec((1, MB, D), lambda nb, l: (l, nb, 0)),
        out_shape=jax.ShapeDtypeStruct((L, N, D), jnp.float32),
    )(x, w_all, b_all.reshape(L, 1, D))


def _norm_body(o_ref, d_ref, ones_ref, out_ref):
    degb = lax.dot_general(
        d_ref[0], ones_ref[...], (((0,), (0,)), ((), ())),
        preferred_element_type=jnp.float32,
    )
    inv = 1.0 / jnp.where(degb == 0.0, 1.0, degb)
    out_ref[...] = o_ref[...] * inv


def _norm_stage(out_u, deg):
    ones = jnp.ones((1, D), jnp.float32)
    return pl.pallas_call(
        _norm_body,
        grid=(NQ * 2,),
        in_specs=[
            pl.BlockSpec((HB, D), lambda nb: (nb, 0)),
            pl.BlockSpec((1, 1, HB), lambda nb: (nb, 0, 0)),
            pl.BlockSpec((1, D), lambda nb: (0, 0)),
        ],
        out_specs=pl.BlockSpec((HB, D), lambda nb: (nb, 0)),
        out_shape=jax.ShapeDtypeStruct((N, D), jnp.float32),
    )(out_u, deg.reshape(NQ * 2, 1, HB), ones)


def _sc_body(y, rows, cols, z2d,
             out_u, deg,
             acc_sp, deg_sp, zidx, zv, dv, ridx, cidx, fridx, fcidx, sidx,
             gbuf, ones_g, sem, semg, sems, semi):
    c = lax.axis_index("c")
    t = lax.axis_index("s")
    for j in range(G // 16):
        ones_g[pl.ds(16 * j, 16)] = jnp.ones((16,), jnp.float32)
    t0 = pl.multiple_of(lax.axis_index("s") * RPT, 16)

    def zfill(i, _):
        zidx[pl.ds(16 * i, 16)] = t0 + 16 * i + lax.iota(jnp.int32, 16)
        zv[pl.ds(16 * i, 16)] = jnp.zeros((16,), jnp.float32)
        return 0
    lax.fori_loop(0, RPT // 16, zfill, 0)

    for jj in range(2):
        s = 2 * c + jj
        lo = s * Q
        tr0 = pl.multiple_of(t * RPT, 16)
        pltpu.sync_copy(z2d, acc_sp.at[pl.ds(tr0, RPT)])
        pltpu.sync_copy(zv, deg_sp.at[zidx])
        plsc.subcore_barrier()

        def idx_base(cc):
            l = cc // CPT
            k = cc - l * CPT
            return l, pl.multiple_of(l * EP + (t * CPT + k) * C, 128)

        def fire_idx(cc, islot):
            _l, base = idx_base(cc)
            ro = pl.multiple_of(islot * C, 64)
            pltpu.async_copy(rows.at[pl.ds(base, C)], ridx.at[pl.ds(ro, C)],
                             semi.at[islot])
            pltpu.async_copy(cols.at[pl.ds(base, C)], cidx.at[pl.ds(ro, C)],
                             semi.at[islot])

        fire_idx(0, 0)

        if True:
            def chunk_body(cc, nb_prev):
                l, base = idx_base(cc)
                islot = cc % 2
                @pl.when(cc + 1 < L * CPT)
                def _():
                    fire_idx(cc + 1, 1 - islot)
                ro = pl.multiple_of(islot * C, 64)
                pltpu.make_async_copy(rows.at[pl.ds(0, C)],
                                     ridx.at[pl.ds(ro, C)],
                                     semi.at[islot]).wait()
                pltpu.make_async_copy(cols.at[pl.ds(0, C)],
                                     cidx.at[pl.ds(ro, C)],
                                     semi.at[islot]).wait()
                rid = ridx.at[pl.ds(ro, C)]
                cid = cidx.at[pl.ds(ro, C)]

                def fvreg(i, p):
                    rv = rid[pl.ds(16 * i, 16)]
                    cv = cid[pl.ds(16 * i, 16)]
                    loc = rv - lo
                    m = (loc >= 0) & (loc < Q)
                    mi = jnp.where(m, jnp.int32(1), jnp.int32(0))
                    cs = plsc.cumsum(mi)
                    pos = p + cs - mi
                    plsc.store_scatter(fridx, [pos], loc, mask=m)
                    plsc.store_scatter(fcidx, [pos], cv, mask=m)
                    return p + cs[15]

                p = lax.fori_loop(0, C // 16, fvreg, 0)
                iota = lax.iota(jnp.int32, 16)
                for j in range(G // 16):
                    fridx[pl.ds(p + 16 * j, 16)] = Q + 16 * j + iota
                    fcidx[pl.ds(p + 16 * j, 16)] = iota * 3000 + 750 * j + 7
                nb = (p + G - 1) // G

                def sidx_fill(b, _):
                    o = pl.multiple_of(b * G, G)
                    srow = sidx.at[b]
                    for j in range(G // 16):
                        srow[pl.ds(16 * j, 16)] = fridx[pl.ds(o + 16 * j, 16)]
                    return 0
                lax.fori_loop(0, nb, sidx_fill, 0)

                def fire_gather(b, slot):
                    o = pl.multiple_of(b * G, G)
                    pltpu.async_copy(
                        y.at[l].at[fcidx.at[pl.ds(o, G)]],
                        gbuf.at[slot], semg.at[slot],
                    )

                for pre in range(NSLOT):
                    @pl.when(pre < nb_prev)
                    def _():
                        pltpu.make_async_copy(
                            gbuf.at[pre], acc_sp.at[sidx.at[0]],
                            sems.at[pre]).wait()
                        pltpu.make_async_copy(
                            ones_g, deg_sp.at[sidx.at[0]],
                            sems.at[pre]).wait()
                    @pl.when(pre < nb)
                    def _():
                        fire_gather(pre, pre)

                def batch_body(b, _):
                    slot = b % NSLOT
                    gslot = gbuf.at[slot]
                    pltpu.make_async_copy(
                        y.at[l].at[fcidx.at[pl.ds(0, G)]], gslot,
                        semg.at[slot]).wait()
                    pltpu.async_copy(gslot, acc_sp.at[sidx.at[b]],
                                     sems.at[slot], add=True)
                    pltpu.async_copy(ones_g, deg_sp.at[sidx.at[b]],
                                     sems.at[slot], add=True)
                    @pl.when(b + NSLOT < nb)
                    def _():
                        pltpu.make_async_copy(
                            gslot, acc_sp.at[sidx.at[b]],
                            sems.at[slot]).wait()
                        pltpu.make_async_copy(
                            ones_g, deg_sp.at[sidx.at[b]],
                            sems.at[slot]).wait()
                        fire_gather(b + NSLOT, slot)
                    return 0
                lax.fori_loop(0, nb, batch_body, 0)
                return jnp.minimum(nb, NSLOT)
            nb_last = lax.fori_loop(0, L * CPT, chunk_body, 0)

            def tail_drain(e, _):
                @pl.when(e < nb_last)
                def _():
                    pltpu.make_async_copy(
                        gbuf.at[e], acc_sp.at[sidx.at[0]],
                        sems.at[e]).wait()
                    pltpu.make_async_copy(
                        ones_g, deg_sp.at[sidx.at[0]],
                        sems.at[e]).wait()
                return 0
            lax.fori_loop(0, NSLOT, tail_drain, 0)

        plsc.subcore_barrier()
        w0 = pl.multiple_of(s * Q + tr0, 16)
        last = (s == NQ - 1) & (t == 15)
        @pl.when(~last)
        def _():
            pltpu.sync_copy(acc_sp.at[pl.ds(tr0, RPT)],
                            out_u.at[pl.ds(w0, RPT)])
        @pl.when(last)
        def _():
            nl = N - (NQ - 1) * Q - 15 * RPT
            pltpu.sync_copy(acc_sp.at[pl.ds(tr0, nl)],
                            out_u.at[pl.ds(w0, nl)])
        pltpu.async_copy(deg_sp.at[zidx], dv, sem).wait()
        pltpu.sync_copy(dv, deg.at[pl.ds(w0, RPT)])
        plsc.subcore_barrier()


def _sc_stage(y, rows, cols):
    z2d = jnp.zeros((RPT, D), jnp.float32)
    f = pl.kernel(
        _sc_body,
        out_type=[
            jax.ShapeDtypeStruct((N, D), jnp.float32),
            jax.ShapeDtypeStruct((NQ * Q,), jnp.float32),
        ],
        mesh=plsc.VectorSubcoreMesh(core_axis_name="c", subcore_axis_name="s"),
        scratch_types=[
            pltpu.VMEM_SHARED((QP, D), jnp.float32),
            pltpu.VMEM_SHARED((QP,), jnp.float32),
            pltpu.VMEM((RPT,), jnp.int32),
            pltpu.VMEM((RPT,), jnp.float32),
            pltpu.VMEM((RPT,), jnp.float32),
            pltpu.VMEM((2 * C,), jnp.int32),
            pltpu.VMEM((2 * C,), jnp.int32),
            pltpu.VMEM((CP,), jnp.int32),
            pltpu.VMEM((CP,), jnp.int32),
            pltpu.VMEM((NBMAX, G), jnp.int32),
            pltpu.VMEM((NSLOT, G, D), jnp.float32),
            pltpu.VMEM((G,), jnp.float32),
            pltpu.SemaphoreType.DMA,
            pltpu.SemaphoreType.DMA((NSLOT,)),
            pltpu.SemaphoreType.DMA((NSLOT,)),
            pltpu.SemaphoreType.DMA((2,)),
        ],
        compiler_params=pltpu.CompilerParams(needs_layout_passes=False),
    )
    return f(y, rows, cols, z2d)


def kernel(features, adjacencies, adjacencies_t, w, bias, w_t, bias_t):
    w_all = jnp.concatenate([w, w_t], axis=0)
    b_all = jnp.concatenate([bias, bias_t], axis=0)

    pad_r = jnp.broadcast_to(jnp.int32(2 * N), (L, EP - E))
    pad_c = jnp.broadcast_to(
        (jnp.arange(EP - E, dtype=jnp.int32) * 977) % N, (L, EP - E))
    rows = jnp.concatenate(
        [adjacencies[:, 0, :], adjacencies_t[:, 0, :]], axis=0)
    cols = jnp.concatenate(
        [adjacencies[:, 1, :], adjacencies_t[:, 1, :]], axis=0)
    rows_p = jnp.concatenate([rows, pad_r], axis=1).reshape(L * EP)
    cols_p = jnp.concatenate([cols, pad_c], axis=1).reshape(L * EP)

    y = _mm_stage(features, w_all, b_all)
    out_u, deg = _sc_stage(y, rows_p, cols_p)
    return _norm_stage(out_u, deg)

# --- scband reference (transcript-rebuilt; emitter-appended) ---
"""Pipeline reference for scband-navi-diego-69827578298542 (READ-ONLY COPY).

The authoritative reference and input builder live on the scoring server;
editing this copy changes nothing except your own understanding.
"""

import jax, jax.numpy as jnp
import numpy as np

N = 50000
R = 4
D = 128
E = 150000

def setup_inputs(seed: int = 0) -> dict:
    key = jax.random.key(seed)
    k1, k2, k3, k4, k5, k6, k7 = jax.random.split(key, 7)
    features = jax.random.normal(k1, (N, D), dtype=jnp.float32)
    adjacencies = jax.random.randint(k2, (R, 2, E), 0, N, dtype=jnp.int32)
    adjacencies_t = jax.random.randint(k3, (R, 2, E), 0, N, dtype=jnp.int32)
    # learned params (torch inits w/w_t to eye, bias to zeros; use eye + small noise for nontrivial grads)
    w = jnp.tile(jnp.eye(D, dtype=jnp.float32)[None], (R, 1, 1)) + 0.02 * jax.random.normal(k4, (R, D, D), dtype=jnp.float32)
    bias = 0.02 * jax.random.normal(k5, (R, D), dtype=jnp.float32)
    w_t = jnp.tile(jnp.eye(D, dtype=jnp.float32)[None], (R, 1, 1)) + 0.02 * jax.random.normal(k6, (R, D, D), dtype=jnp.float32)
    bias_t = 0.02 * jax.random.normal(k7, (R, D), dtype=jnp.float32)
    return {"features": features, "adjacencies": adjacencies, "adjacencies_t": adjacencies_t,
            "w": w, "bias": bias, "w_t": w_t, "bias_t": bias_t}

def reference(features, adjacencies, adjacencies_t, w, bias, w_t, bias_t):
    # adjacencies[i] is an edge list [2, E] of (row, col) pairs representing the
    # sparse [N, N] adjacency of relation i (all values 1.0), so that
    # (A @ features)[row] = sum over edges (row, col) of features[col].
    Nn = features.shape[0]
    Dd = features.shape[1]
    out = jnp.zeros((Nn, Dd), dtype=jnp.float32)
    deg_total = jnp.zeros((Nn,), dtype=jnp.float32)
    Rr = adjacencies.shape[0]
    for i in range(Rr):
        row = adjacencies[i, 0]
        col = adjacencies[i, 1]
        agg = jnp.zeros((Nn, Dd), dtype=jnp.float32).at[row].add(features[col])
        out = out + agg @ w[i]
        deg = jnp.zeros((Nn,), dtype=jnp.float32).at[row].add(1.0)
        out = out + deg[:, None] * bias[i][None, :]
        deg_total = deg_total + deg
        row_t = adjacencies_t[i, 0]
        col_t = adjacencies_t[i, 1]
        agg_t = jnp.zeros((Nn, Dd), dtype=jnp.float32).at[row_t].add(features[col_t])
        out = out + agg_t @ w_t[i]
        deg_t = jnp.zeros((Nn,), dtype=jnp.float32).at[row_t].add(1.0)
        out = out + deg_t[:, None] * bias_t[i][None, :]
        deg_total = deg_total + deg_t
    full = jnp.where(deg_total == 0, 1.0, deg_total)
    inv = 1.0 / full
    return inv[:, None] * out

if __name__ == "__main__":
    import jax
    _d = setup_inputs()
    print(jax.jit(kernel)(*tuple(_d.values())))

</pallas_src>

<mosaic_0001>
#map = affine_map<(d0, d1) -> (0, 0, 0)>
#map1 = affine_map<(d0, d1) -> (0)>
#map2 = affine_map<(d0, d1) -> (0, 0)>
module attributes {stable_mosaic.version = 14 : i64} {
  func.func @_sc_body(%arg0: i32, %arg1: i32, %arg2: memref<8x50000x128xf32, #tpu.memory_space<hbm>>, %arg3: memref<1228800xi32, #tpu.memory_space<hbm>>, %arg4: memref<1228800xi32, #tpu.memory_space<hbm>>, %arg5: memref<784x128xf32, #tpu.memory_space<hbm>>, %arg6: memref<50000x128xf32, #tpu.memory_space<hbm>>, %arg7: memref<50176xf32, #tpu.memory_space<hbm>>, %arg8: memref<12576x128xf32, #tpu.memory_space<vmem_shared>>, %arg9: memref<12576xf32, #tpu.memory_space<vmem_shared>>, %arg10: memref<784xi32, #tpu.memory_space<vmem>>, %arg11: memref<784xf32, #tpu.memory_space<vmem>>, %arg12: memref<784xf32, #tpu.memory_space<vmem>>, %arg13: memref<1920xi32, #tpu.memory_space<vmem>>, %arg14: memref<1920xi32, #tpu.memory_space<vmem>>, %arg15: memref<992xi32, #tpu.memory_space<vmem>>, %arg16: memref<992xi32, #tpu.memory_space<vmem>>, %arg17: memref<30x32xi32, #tpu.memory_space<vmem>>, %arg18: memref<4x32x128xf32, #tpu.memory_space<vmem>>, %arg19: memref<32xf32, #tpu.memory_space<vmem>>, %arg20: memref<!tpu.dma_semaphore, #tpu.memory_space<semaphore_mem>>, %arg21: memref<4x!tpu.dma_semaphore, #tpu.memory_space<semaphore_mem>>, %arg22: memref<4x!tpu.dma_semaphore, #tpu.memory_space<semaphore_mem>>, %arg23: memref<2x!tpu.dma_semaphore, #tpu.memory_space<semaphore_mem>>) attributes {dimension_semantics = [#tpu.dimension_semantics<core_parallel>, #tpu.dimension_semantics<subcore_parallel>], iteration_bounds = array<i64: 2, 16>, scalar_prefetch = 0 : i64, scratch_operands = 16 : i64, tpu.core_type = #tpu.core_type<sc_vector_subcore>, window_params = [{transform_indices = #map}, {transform_indices = #map1}, {transform_indices = #map1}, {transform_indices = #map2}, {transform_indices = #map2}, {transform_indices = #map1}]} {
    %broadcast_in_dim3A = arith.constant 1.000000e+00 : f32
    %broadcast_in_dim3A_0 = vector.broadcast %broadcast_in_dim3A : f32 to vector<16xf32>
    %swap3A = arith.constant 0 : index
    %swap3A_1 = tpu.vector_load %arg19[%swap3A] {strides = array<i32>} : memref<32xf32, #tpu.memory_space<vmem>>, vector<16xf32>,
    tpu.vector_store %arg19[%swap3A], %broadcast_in_dim3A_0 {strides = array<i32>} : memref<32xf32, #tpu.memory_space<vmem>>, vector<16xf32>,
    %broadcast_in_dim3A_2 = arith.constant 1.000000e+00 : f32
    %broadcast_in_dim3A_3 = vector.broadcast %broadcast_in_dim3A_2 : f32 to vector<16xf32>
    %swap3A_4 = arith.constant 16 : index
    %swap3A_5 = tpu.vector_load %arg19[%swap3A_4] {strides = array<i32>} : memref<32xf32, #tpu.memory_space<vmem>>, vector<16xf32>,
    tpu.vector_store %arg19[%swap3A_4], %broadcast_in_dim3A_3 {strides = array<i32>} : memref<32xf32, #tpu.memory_space<vmem>>, vector<16xf32>,
    %mul3A = arith.constant 784 : i32
    %mul3A_6 = arith.muli %arg1, %mul3A : i32
    %multiple_of3A = tpu.assume_multiple %mul3A_6, 16 : i32
    %scan3A = arith.constant 0 : i32
    %scan3A_7 = arith.constant 0 : i32
    %scan3A_8 = arith.constant 49 : i32
    %scan3A_9 = arith.addi %scan3A_7, %scan3A_8 : i32
    %scan3A_10 = arith.constant 1 : i32
    %scan3A_11 = scf.for %scan3A_148 = %scan3A_7 to %scan3A_9 step %scan3A_10 iter_args(%scan3A_149 = %scan3A) -> (i32)  : i32 {
      %mul3A_150 = arith.constant 16 : i32
      %mul3A_151 = arith.muli %mul3A_150, %scan3A_148 : i32
      %add3A_152 = arith.addi %multiple_of3A, %mul3A_151 : i32
      %iota3A = tpu.iota {dimensions = array<i32: 0>} : vector<16xi32>
      %add3A_153 = vector.broadcast %add3A_152 : i32 to vector<16xi32>
      %add3A_154 = arith.addi %add3A_153, %iota3A : vector<16xi32>
      %mul3A_155 = arith.constant 16 : i32
      %mul3A_156 = arith.muli %mul3A_155, %scan3A_148 : i32
      %swap3A_157 = arith.index_cast %mul3A_156 : i32 to index
      %swap3A_158 = tpu.vector_load %arg10[%swap3A_157] {strides = array<i32>} : memref<784xi32, #tpu.memory_space<vmem>>, vector<16xi32>,
      tpu.vector_store %arg10[%swap3A_157], %add3A_154 {strides = array<i32>} : memref<784xi32, #tpu.memory_space<vmem>>, vector<16xi32>,
      %broadcast_in_dim3A_159 = arith.constant 0.000000e+00 : f32
      %broadcast_in_dim3A_160 = vector.broadcast %broadcast_in_dim3A_159 : f32 to vector<16xf32>
      %mul3A_161 = arith.constant 16 : i32
      %mul3A_162 = arith.muli %mul3A_161, %scan3A_148 : i32
      %swap3A_163 = arith.index_cast %mul3A_162 : i32 to index
      %swap3A_164 = tpu.vector_load %arg11[%swap3A_163] {strides = array<i32>} : memref<784xf32, #tpu.memory_space<vmem>>, vector<16xf32>,
      tpu.vector_store %arg11[%swap3A_163], %broadcast_in_dim3A_160 {strides = array<i32>} : memref<784xf32, #tpu.memory_space<vmem>>, vector<16xf32>,
      %scan3A_165 = arith.constant 0 : i32
      scf.yield %scan3A_165 : i32
    }
    %scan3A_12 = arith.constant 49 : i32
    %mul3A_13 = arith.constant 2 : i32
    %mul3A_14 = arith.muli %mul3A_13, %arg0 : i32
    %add3A = arith.constant 0 : i32
    %add3A_15 = arith.addi %mul3A_14, %add3A : i32
    %mul3A_16 = arith.constant 12544 : i32
    %mul3A_17 = arith.muli %add3A_15, %mul3A_16 : i32
    %mul3A_18 = arith.constant 784 : i32
    %mul3A_19 = arith.muli %arg1, %mul3A_18 : i32
    %multiple_of3A_20 = tpu.assume_multiple %mul3A_19, 16 : i32
    "tpu.region"() ({
      %run_scoped3A = tpu.sem_alloc : memref<!tpu.dma_semaphore, #tpu.memory_space<semaphore_mem>>
      %dma_start3A_148 = arith.constant 0 : i32
      %dma_start3A_149 = tpu.memref_slice %arg8[%multiple_of3A_20, %dma_start3A_148] : memref<12576x128xf32, #tpu.memory_space<vmem_shared>> -> memref<784x128xf32, #tpu.memory_space<vmem_shared>>
      tpu.enqueue_dma source(%arg5 : memref<784x128xf32, #tpu.memory_space<hbm>>) target(%dma_start3A_149 : memref<784x128xf32, #tpu.memory_space<vmem_shared>>) target_semaphore(%run_scoped3A : memref<!tpu.dma_semaphore, #tpu.memory_space<semaphore_mem>>)
      %dma_wait3A_150 = arith.constant 0 : i32
      %dma_wait3A_151 = tpu.memref_slice %arg8[%multiple_of3A_20, %dma_wait3A_150] : memref<12576x128xf32, #tpu.memory_space<vmem_shared>> -> memref<784x128xf32, #tpu.memory_space<vmem_shared>>
      tpu.wait_dma2 semaphore(%run_scoped3A : memref<!tpu.dma_semaphore, #tpu.memory_space<semaphore_mem>>) src(%arg5 : memref<784x128xf32, #tpu.memory_space<hbm>>) dst(%dma_wait3A_151 : memref<784x128xf32, #tpu.memory_space<vmem_shared>>)
      tpu.yield
    }) : () -> ()
    "tpu.region"() ({
      %run_scoped3A = tpu.sem_alloc : memref<!tpu.dma_semaphore, #tpu.memory_space<semaphore_mem>>
      %dma_start3A_148 = arith.constant 0 : i32
      %dma_start3A_149 = tpu.memref_slice %arg9[%dma_start3A_148] : memref<12576xf32, #tpu.memory_space<vmem_shared>> -> memref<12576xf32, #tpu.memory_space<vmem_shared>>
      tpu.enqueue_indirect_dma source(%arg11 : memref<784xf32, #tpu.memory_space<vmem>>) target(%dma_start3A_149 : memref<12576xf32, #tpu.memory_space<vmem_shared>>) offsets(%arg10 : memref<784xi32, #tpu.memory_space<vmem>>) semaphore(%run_scoped3A : memref<!tpu.dma_semaphore, #tpu.memory_space<semaphore_mem>>)
      %dma_wait3A_150 = arith.constant 0 : i32
      %dma_wait3A_151 = tpu.memref_slice %arg9[%dma_wait3A_150] : memref<12576xf32, #tpu.memory_space<vmem_shared>> -> memref<12576xf32, #tpu.memory_space<vmem_shared>>
      tpu.wait_indirect_dma semaphore(%run_scoped3A : memref<!tpu.dma_semaphore, #tpu.memory_space<semaphore_mem>>) src(%arg11 : memref<784xf32, #tpu.memory_space<vmem>>) dst(%dma_wait3A_151 : memref<12576xf32, #tpu.memory_space<vmem_shared>>)
      tpu.yield
    }) : () -> ()
    %barrier3A = arith.constant 0 : index
    tpu.barrier barrier_id(%barrier3A)
    %mul3A_21 = arith.constant 10 : i32
    %mul3A_22 = arith.muli %arg1, %mul3A_21 : i32
    %add3A_23 = arith.constant 0 : i32
    %add3A_24 = arith.addi %mul3A_22, %add3A_23 : i32
    %mul3A_25 = arith.constant 960 : i32
    %mul3A_26 = arith.muli %add3A_24, %mul3A_25 : i32
    %add3A_27 = arith.constant 0 : i32
    %add3A_28 = arith.addi %add3A_27, %mul3A_26 : i32
    %multiple_of3A_29 = tpu.assume_multiple %add3A_28, 128 : i32
    %multiple_of3A_30 = arith.constant 0 : i32
    %multiple_of3A_31 = tpu.assume_multiple %multiple_of3A_30, 64 : i32
    %dma_start3A = arith.constant 0 : i32
    %dma_start3A_32 = tpu.memref_slice %arg13[%multiple_of3A_31] : memref<1920xi32, #tpu.memory_space<vmem>> -> memref<960xi32, #tpu.memory_space<vmem>>
    %dma_start3A_33 = tpu.memref_slice %arg3[%multiple_of3A_29] : memref<1228800xi32, #tpu.memory_space<hbm>> -> memref<960xi32, #tpu.memory_space<hbm>>
    %dma_start3A_34 = tpu.memref_slice %arg23[%dma_start3A] : memref<2x!tpu.dma_semaphore, #tpu.memory_space<semaphore_mem>> -> memref<1x!tpu.dma_semaphore, #tpu.memory_space<semaphore_mem>>
    %dma_start3A_35 = tpu.memref_squeeze %dma_start3A_34 : memref<1x!tpu.dma_semaphore, #tpu.memory_space<semaphore_mem>> -> memref<!tpu.dma_semaphore, #tpu.memory_space<semaphore_mem>>
    %dma_start3A_36 = tpu.memref_slice %arg13[%multiple_of3A_31] : memref<1920xi32, #tpu.memory_space<vmem>> -> memref<960xi32, #tpu.memory_space<vmem>>
    %dma_start3A_37 = tpu.memref_slice %arg3[%multiple_of3A_29] : memref<1228800xi32, #tpu.memory_space<hbm>> -> memref<960xi32, #tpu.memory_space<hbm>>
    tpu.enqueue_dma source(%dma_start3A_37 : memref<960xi32, #tpu.memory_space<hbm>>) target(%dma_start3A_36 : memref<960xi32, #tpu.memory_space<vmem>>) target_semaphore(%dma_start3A_35 : memref<!tpu.dma_semaphore, #tpu.memory_space<semaphore_mem>>)
    %dma_start3A_38 = arith.constant 0 : i32
    %dma_start3A_39 = tpu.memref_slice %arg14[%multiple_of3A_31] : memref<1920xi32, #tpu.memory_space<vmem>> -> memref<960xi32, #tpu.memory_space<vmem>>
    %dma_start3A_40 = tpu.memref_slice %arg4[%multiple_of3A_29] : memref<1228800xi32, #tpu.memory_space<hbm>> -> memref<960xi32, #tpu.memory_space<hbm>>
    %dma_start3A_41 = tpu.memref_slice %arg23[%dma_start3A_38] : memref<2x!tpu.dma_semaphore, #tpu.memory_space<semaphore_mem>> -> memref<1x!tpu.dma_semaphore, #tpu.memory_space<semaphore_mem>>
    %dma_start3A_42 = tpu.memref_squeeze %dma_start3A_41 : memref<1x!tpu.dma_semaphore, #tpu.memory_space<semaphore_mem>> -> memref<!tpu.dma_semaphore, #tpu.memory_space<semaphore_mem>>
    %dma_start3A_43 = tpu.memref_slice %arg14[%multiple_of3A_31] : memref<1920xi32, #tpu.memory_space<vmem>> -> memref<960xi32, #tpu.memory_space<vmem>>
    %dma_start3A_44 = tpu.memref_slice %arg4[%multiple_of3A_29] : memref<1228800xi32, #tpu.memory_space<hbm>> -> memref<960xi32, #tpu.memory_space<hbm>>
    tpu.enqueue_dma source(%dma_start3A_44 : memref<960xi32, #tpu.memory_space<hbm>>) target(%dma_start3A_43 : memref<960xi32, #tpu.memory_space<vmem>>) target_semaphore(%dma_start3A_42 : memref<!tpu.dma_semaphore, #tpu.memory_space<semaphore_mem>>)
    %scan3A_45 = arith.constant 0 : i32
    %scan3A_46 = arith.constant 0 : i32
    %scan3A_47 = arith.constant 80 : i32
    %scan3A_48 = arith.addi %scan3A_46, %scan3A_47 : i32
    %scan3A_49 = arith.constant 1 : i32
    %scan3A_50 = scf.for %scan3A_148 = %scan3A_46 to %scan3A_48 step %scan3A_49 iter_args(%scan3A_149 = %scan3A_45) -> (i32)  : i32 {
      %jit3A = arith.constant 10 : i32
      %div3A = arith.divsi %scan3A_148, %jit3A : i32
      %sign3A = arith.constant 0 : i32
      %sign3A_150 = arith.cmpi sgt, %scan3A_148, %sign3A : i32
      %sign3A_151 = arith.extui %sign3A_150 : i1 to i32
      %sign3A_152 = arith.constant 0 : i32
      %sign3A_153 = arith.cmpi slt, %scan3A_148, %sign3A_152 : i32
      %sign3A_154 = arith.extui %sign3A_153 : i1 to i32
      %sign3A_155 = arith.subi %sign3A_151, %sign3A_154 : i32
      %sign3A_156 = arith.constant 0 : i32
      %sign3A_157 = arith.cmpi sgt, %jit3A, %sign3A_156 : i32
      %sign3A_158 = arith.extui %sign3A_157 : i1 to i32
      %sign3A_159 = arith.constant 0 : i32
      %sign3A_160 = arith.cmpi slt, %jit3A, %sign3A_159 : i32
      %sign3A_161 = arith.extui %sign3A_160 : i1 to i32
      %sign3A_162 = arith.subi %sign3A_158, %sign3A_161 : i32
      %ne3A = arith.cmpi ne, %sign3A_155, %sign3A_162 : i32
      %rem3A = arith.remsi %scan3A_148, %jit3A : i32
      %ne3A_163 = arith.constant 0 : i32
      %ne3A_164 = arith.cmpi ne, %rem3A, %ne3A_163 : i32
      %and3A_165 = arith.andi %ne3A, %ne3A_164 : i1
      %sub3A = arith.constant 1 : i32
      %sub3A_166 = arith.subi %div3A, %sub3A : i32
      %select_n3A = arith.select %and3A_165, %sub3A_166, %div3A : i32
      %mul3A_167 = arith.constant 10 : i32
      %mul3A_168 = arith.muli %select_n3A, %mul3A_167 : i32
      %sub3A_169 = arith.subi %scan3A_148, %mul3A_168 : i32
      %mul3A_170 = arith.constant 153600 : i32
      %mul3A_171 = arith.muli %select_n3A, %mul3A_170 : i32
      %mul3A_172 = arith.constant 10 : i32
      %mul3A_173 = arith.muli %arg1, %mul3A_172 : i32
      %add3A_174 = arith.addi %mul3A_173, %sub3A_169 : i32
      %mul3A_175 = arith.constant 960 : i32
      %mul3A_176 = arith.muli %add3A_174, %mul3A_175 : i32
      %add3A_177 = arith.addi %mul3A_171, %mul3A_176 : i32
      %multiple_of3A_178 = tpu.assume_multiple %add3A_177, 128 : i32
      %jit3A_179 = arith.constant 2 : i32
      %eq3A_180 = arith.constant 0 : i32
      %eq3A_181 = arith.cmpi eq, %jit3A_179, %eq3A_180 : i32
      %jit3A_182 = arith.constant 1 : i32
      %select_n3A_183 = arith.select %eq3A_181, %jit3A_182, %jit3A_179 : i32
      %rem3A_184 = arith.remsi %scan3A_148, %select_n3A_183 : i32
      %ne3A_185 = arith.constant 0 : i32
      %ne3A_186 = arith.cmpi ne, %rem3A_184, %ne3A_185 : i32
      %lt3A = arith.constant 0 : i32
      %lt3A_187 = arith.cmpi slt, %rem3A_184, %lt3A : i32
      %lt3A_188 = arith.constant 0 : i32
      %lt3A_189 = arith.cmpi slt, %select_n3A_183, %lt3A_188 : i32
      %ne3A_190 = arith.xori %lt3A_187, %lt3A_189 : i1
      %and3A_191 = arith.andi %ne3A_190, %ne3A_186 : i1
      %add3A_192 = arith.addi %rem3A_184, %select_n3A_183 : i32
      %select_n3A_193 = arith.select %and3A_191, %add3A_192, %rem3A_184 : i32
      %add3A_194 = arith.constant 1 : i32
      %add3A_195 = arith.addi %scan3A_148, %add3A_194 : i32
      %lt3A_196 = arith.constant 80 : i32
      %lt3A_197 = arith.cmpi slt, %add3A_195, %lt3A_196 : i32
      %convert_element_type3A_198 = arith.extui %lt3A_197 : i1 to i32
      %cond3A_199 = arith.constant 0 : i32
      %cond3A_200 = arith.cmpi ne, %convert_element_type3A_198, %cond3A_199 : i32
      scf.if %cond3A_200 {
        %add3A_358 = arith.constant 1 : i32
        %add3A_359 = arith.addi %scan3A_148, %add3A_358 : i32
        %sub3A_360 = arith.constant 1 : i32
        %sub3A_361 = arith.subi %sub3A_360, %select_n3A_193 : i32
        %jit3A_362 = arith.constant 10 : i32
        %div3A_363 = arith.divsi %add3A_359, %jit3A_362 : i32
        %sign3A_364 = arith.constant 0 : i32
        %sign3A_365 = arith.cmpi sgt, %add3A_359, %sign3A_364 : i32
        %sign3A_366 = arith.extui %sign3A_365 : i1 to i32
        %sign3A_367 = arith.constant 0 : i32
        %sign3A_368 = arith.cmpi slt, %add3A_359, %sign3A_367 : i32
        %sign3A_369 = arith.extui %sign3A_368 : i1 to i32
        %sign3A_370 = arith.subi %sign3A_366, %sign3A_369 : i32
        %sign3A_371 = arith.constant 0 : i32
        %sign3A_372 = arith.cmpi sgt, %jit3A_362, %sign3A_371 : i32
        %sign3A_373 = arith.extui %sign3A_372 : i1 to i32
        %sign3A_374 = arith.constant 0 : i32
        %sign3A_375 = arith.cmpi slt, %jit3A_362, %sign3A_374 : i32
        %sign3A_376 = arith.extui %sign3A_375 : i1 to i32
        %sign3A_377 = arith.subi %sign3A_373, %sign3A_376 : i32
        %ne3A_378 = arith.cmpi ne, %sign3A_370, %sign3A_377 : i32
        %rem3A_379 = arith.remsi %add3A_359, %jit3A_362 : i32
        %ne3A_380 = arith.constant 0 : i32
        %ne3A_381 = arith.cmpi ne, %rem3A_379, %ne3A_380 : i32
        %and3A_382 = arith.andi %ne3A_378, %ne3A_381 : i1
        %sub3A_383 = arith.constant 1 : i32
        %sub3A_384 = arith.subi %div3A_363, %sub3A_383 : i32
        %select_n3A_385 = arith.select %and3A_382, %sub3A_384, %div3A_363 : i32
        %mul3A_386 = arith.constant 10 : i32
        %mul3A_387 = arith.muli %select_n3A_385, %mul3A_386 : i32
        %sub3A_388 = arith.subi %add3A_359, %mul3A_387 : i32
        %mul3A_389 = arith.constant 153600 : i32
        %mul3A_390 = arith.muli %select_n3A_385, %mul3A_389 : i32
        %mul3A_391 = arith.constant 10 : i32
        %mul3A_392 = arith.muli %arg1, %mul3A_391 : i32
        %add3A_393 = arith.addi %mul3A_392, %sub3A_388 : i32
        %mul3A_394 = arith.constant 960 : i32
        %mul3A_395 = arith.muli %add3A_393, %mul3A_394 : i32
        %add3A_396 = arith.addi %mul3A_390, %mul3A_395 : i32
        %multiple_of3A_397 = tpu.assume_multiple %add3A_396, 128 : i32
        %mul3A_398 = arith.constant 960 : i32
        %mul3A_399 = arith.muli %sub3A_361, %mul3A_398 : i32
        %multiple_of3A_400 = tpu.assume_multiple %mul3A_399, 64 : i32
        %dma_start3A_401 = tpu.memref_slice %arg13[%multiple_of3A_400] : memref<1920xi32, #tpu.memory_space<vmem>> -> memref<960xi32, #tpu.memory_space<vmem>>
        %dma_start3A_402 = tpu.memref_slice %arg3[%multiple_of3A_397] : memref<1228800xi32, #tpu.memory_space<hbm>> -> memref<960xi32, #tpu.memory_space<hbm>>
        %dma_start3A_403 = tpu.memref_slice %arg23[%sub3A_361] : memref<2x!tpu.dma_semaphore, #tpu.memory_space<semaphore_mem>> -> memref<1x!tpu.dma_semaphore, #tpu.memory_space<semaphore_mem>>
        %dma_start3A_404 = tpu.memref_squeeze %dma_start3A_403 : memref<1x!tpu.dma_semaphore, #tpu.memory_space<semaphore_mem>> -> memref<!tpu.dma_semaphore, #tpu.memory_space<semaphore_mem>>
        %dma_start3A_405 = tpu.memref_slice %arg13[%multiple_of3A_400] : memref<1920xi32, #tpu.memory_space<vmem>> -> memref<960xi32, #tpu.memory_space<vmem>>
        %dma_start3A_406 = tpu.memref_slice %arg3[%multiple_of3A_397] : memref<1228800xi32, #tpu.memory_space<hbm>> -> memref<960xi32, #tpu.memory_space<hbm>>
        tpu.enqueue_dma source(%dma_start3A_406 : memref<960xi32, #tpu.memory_space<hbm>>) target(%dma_start3A_405 : memref<960xi32, #tpu.memory_space<vmem>>) target_semaphore(%dma_start3A_404 : memref<!tpu.dma_semaphore, #tpu.memory_space<semaphore_mem>>)
        %dma_start3A_407 = tpu.memref_slice %arg14[%multiple_of3A_400] : memref<1920xi32, #tpu.memory_space<vmem>> -> memref<960xi32, #tpu.memory_space<vmem>>
        %dma_start3A_408 = tpu.memref_slice %arg4[%multiple_of3A_397] : memref<1228800xi32, #tpu.memory_space<hbm>> -> memref<960xi32, #tpu.memory_space<hbm>>
        %dma_start3A_409 = tpu.memref_slice %arg23[%sub3A_361] : memref<2x!tpu.dma_semaphore, #tpu.memory_space<semaphore_mem>> -> memref<1x!tpu.dma_semaphore, #tpu.memory_space<semaphore_mem>>
        %dma_start3A_410 = tpu.memref_squeeze %dma_start3A_409 : memref<1x!tpu.dma_semaphore, #tpu.memory_space<semaphore_mem>> -> memref<!tpu.dma_semaphore, #tpu.memory_space<semaphore_mem>>
        %dma_start3A_411 = tpu.memref_slice %arg14[%multiple_of3A_400] : memref<1920xi32, #tpu.memory_space<vmem>> -> memref<960xi32, #tpu.memory_space<vmem>>
        %dma_start3A_412 = tpu.memref_slice %arg4[%multiple_of3A_397] : memref<1228800xi32, #tpu.memory_space<hbm>> -> memref<960xi32, #tpu.memory_space<hbm>>
        tpu.enqueue_dma source(%dma_start3A_412 : memref<960xi32, #tpu.memory_space<hbm>>) target(%dma_start3A_411 : memref<960xi32, #tpu.memory_space<vmem>>) target_semaphore(%dma_start3A_410 : memref<!tpu.dma_semaphore, #tpu.memory_space<semaphore_mem>>)
      } else {
      }
      %mul3A_201 = arith.constant 960 : i32
      %mul3A_202 = arith.muli %select_n3A_193, %mul3A_201 : i32
      %multiple_of3A_203 = tpu.assume_multiple %mul3A_202, 64 : i32
      %dma_wait3A_204 = tpu.memref_slice %arg13[%multiple_of3A_203] : memref<1920xi32, #tpu.memory_space<vmem>> -> memref<960xi32, #tpu.memory_space<vmem>>
      %dma_wait3A_205 = arith.constant 0 : i32
      %dma_wait3A_206 = tpu.memref_slice %arg3[%dma_wait3A_205] : memref<1228800xi32, #tpu.memory_space<hbm>> -> memref<960xi32, #tpu.memory_space<hbm>>
      %dma_wait3A_207 = tpu.memref_slice %arg23[%select_n3A_193] : memref<2x!tpu.dma_semaphore, #tpu.memory_space<semaphore_mem>> -> memref<1x!tpu.dma_semaphore, #tpu.memory_space<semaphore_mem>>
      %dma_wait3A_208 = tpu.memref_squeeze %dma_wait3A_207 : memref<1x!tpu.dma_semaphore, #tpu.memory_space<semaphore_mem>> -> memref<!tpu.dma_semaphore, #tpu.memory_space<semaphore_mem>>
      %dma_wait3A_209 = tpu.memref_slice %arg13[%multiple_of3A_203] : memref<1920xi32, #tpu.memory_space<vmem>> -> memref<960xi32, #tpu.memory_space<vmem>>
      %dma_wait3A_210 = arith.constant 0 : i32
      %dma_wait3A_211 = tpu.memref_slice %arg3[%dma_wait3A_210] : memref<1228800xi32, #tpu.memory_space<hbm>> -> memref<960xi32, #tpu.memory_space<hbm>>
      tpu.wait_dma2 semaphore(%dma_wait3A_208 : memref<!tpu.dma_semaphore, #tpu.memory_space<semaphore_mem>>) src(%dma_wait3A_211 : memref<960xi32, #tpu.memory_space<hbm>>) dst(%dma_wait3A_209 : memref<960xi32, #tpu.memory_space<vmem>>)
      %dma_wait3A_212 = tpu.memref_slice %arg14[%multiple_of3A_203] : memref<1920xi32, #tpu.memory_space<vmem>> -> memref<960xi32, #tpu.memory_space<vmem>>
      %dma_wait3A_213 = arith.constant 0 : i32
      %dma_wait3A_214 = tpu.memref_slice %arg4[%dma_wait3A_213] : memref<1228800xi32, #tpu.memory_space<hbm>> -> memref<960xi32, #tpu.memory_space<hbm>>
      %dma_wait3A_215 = tpu.memref_slice %arg23[%select_n3A_193] : memref<2x!tpu.dma_semaphore, #tpu.memory_space<semaphore_mem>> -> memref<1x!tpu.dma_semaphore, #tpu.memory_space<semaphore_mem>>
      %dma_wait3A_216 = tpu.memref_squeeze %dma_wait3A_215 : memref<1x!tpu.dma_semaphore, #tpu.memory_space<semaphore_mem>> -> memref<!tpu.dma_semaphore, #tpu.memory_space<semaphore_mem>>
      %dma_wait3A_217 = tpu.memref_slice %arg14[%multiple_of3A_203] : memref<1920xi32, #tpu.memory_space<vmem>> -> memref<960xi32, #tpu.memory_space<vmem>>
      %dma_wait3A_218 = arith.constant 0 : i32
      %dma_wait3A_219 = tpu.memref_slice %arg4[%dma_wait3A_218] : memref<1228800xi32, #tpu.memory_space<hbm>> -> memref<960xi32, #tpu.memory_space<hbm>>
      tpu.wait_dma2 semaphore(%dma_wait3A_216 : memref<!tpu.dma_semaphore, #tpu.memory_space<semaphore_mem>>) src(%dma_wait3A_219 : memref<960xi32, #tpu.memory_space<hbm>>) dst(%dma_wait3A_217 : memref<960xi32, #tpu.memory_space<vmem>>)
      %scan3A_220 = arith.constant 0 : i32
      %scan3A_221 = arith.constant 0 : i32
      %scan3A_222 = arith.constant 60 : i32
      %scan3A_223 = arith.addi %scan3A_221, %scan3A_222 : i32
      %scan3A_224 = arith.constant 1 : i32
      %scan3A_225 = scf.for %scan3A_358 = %scan3A_221 to %scan3A_223 step %scan3A_224 iter_args(%scan3A_359 = %scan3A_220) -> (i32)  : i32 {
        %mul3A_360 = arith.constant 16 : i32
        %mul3A_361 = arith.muli %mul3A_360, %scan3A_358 : i32
        %get3A = tpu.memref_slice %arg13[%multiple_of3A_203] : memref<1920xi32, #tpu.memory_space<vmem>> -> memref<960xi32, #tpu.memory_space<vmem>>
        %get3A_362 = arith.index_cast %mul3A_361 : i32 to index
        %get3A_363 = tpu.vector_load %get3A[%get3A_362] {strides = array<i32>} : memref<960xi32, #tpu.memory_space<vmem>>, vector<16xi32>,
        %mul3A_364 = arith.constant 16 : i32
        %mul3A_365 = arith.muli %mul3A_364, %scan3A_358 : i32
        %get3A_366 = tpu.memref_slice %arg14[%multiple_of3A_203] : memref<1920xi32, #tpu.memory_space<vmem>> -> memref<960xi32, #tpu.memory_space<vmem>>
        %get3A_367 = arith.index_cast %mul3A_365 : i32 to index
        %get3A_368 = tpu.vector_load %get3A_366[%get3A_367] {strides = array<i32>} : memref<960xi32, #tpu.memory_space<vmem>>, vector<16xi32>,
        %sub3A_369 = vector.broadcast %mul3A_17 : i32 to vector<16xi32>
        %sub3A_370 = arith.subi %get3A_363, %sub3A_369 : vector<16xi32>
        %ge3A = arith.constant 0 : i32
        %ge3A_371 = vector.broadcast %ge3A : i32 to vector<16xi32>
        %ge3A_372 = arith.cmpi sge, %sub3A_370, %ge3A_371 : vector<16xi32>
        %lt3A_373 = arith.constant 12544 : i32
        %lt3A_374 = vector.broadcast %lt3A_373 : i32 to vector<16xi32>
        %lt3A_375 = arith.cmpi slt, %sub3A_370, %lt3A_374 : vector<16xi32>
        %and3A_376 = arith.andi %ge3A_372, %lt3A_375 : vector<16xi1>
        %jit3A_377 = arith.constant 1 : i32
        %jit3A_378 = arith.constant 0 : i32
        %broadcast_in_dim3A_379 = vector.broadcast %jit3A_377 : i32 to vector<16xi32>
        %broadcast_in_dim3A_380 = vector.broadcast %jit3A_378 : i32 to vector<16xi32>
        %select_n3A_381 = arith.select %and3A_376, %broadcast_in_dim3A_379, %broadcast_in_dim3A_380 : vector<16xi1>, vector<16xi32>
        %broadcast_in_dim3A_382 = arith.constant true
        %broadcast_in_dim3A_383 = vector.broadcast %broadcast_in_dim3A_382 : i1 to vector<16xi1>
        %masked_cumsum3A = tpu.scan <sum>, %select_n3A_381 masked %broadcast_in_dim3A_383 : vector<16xi32>, vector<16xi1> -> vector<16xi32>
        %add3A_384 = vector.broadcast %scan3A_359 : i32 to vector<16xi32>
        %add3A_385 = arith.addi %add3A_384, %masked_cumsum3A : vector<16xi32>
        %sub3A_386 = arith.subi %add3A_385, %select_n3A_381 : vector<16xi32>
        tpu.vector_store_idx %arg15[%sub3A_386], %sub3A_370 masked %and3A_376 : memref<992xi32, #tpu.memory_space<vmem>>[vector<16xi32>], vector<16xi32>, vector<16xi1>
        tpu.vector_store_idx %arg16[%sub3A_386], %get3A_368 masked %and3A_376 : memref<992xi32, #tpu.memory_space<vmem>>[vector<16xi32>], vector<16xi32>, vector<16xi1>
        %slice3A = vector.extract_strided_slice %masked_cumsum3A {offsets = [15], sizes = [1], strides = [1]} : vector<16xi32> to vector<1xi32>
        %squeeze3A = vector.extract %slice3A[0] : i32 from vector<1xi32>
        %add3A_387 = arith.addi %scan3A_359, %squeeze3A : i32
        scf.yield %add3A_387 : i32
      }
      %scan3A_226 = arith.constant 60 : i32
      %iota3A = tpu.iota {dimensions = array<i32: 0>} : vector<16xi32>
      %add3A_227 = arith.constant 12544 : i32
      %add3A_228 = vector.broadcast %add3A_227 : i32 to vector<16xi32>
      %add3A_229 = arith.addi %add3A_228, %iota3A : vector<16xi32>
      %add3A_230 = arith.constant 0 : i32
      %add3A_231 = arith.addi %scan3A_225, %add3A_230 : i32
      %swap3A_232 = arith.index_cast %add3A_231 : i32 to index
      %swap3A_233 = tpu.vector_load %arg15[%swap3A_232] {strides = array<i32>} : memref<992xi32, #tpu.memory_space<vmem>>, vector<16xi32>,
      tpu.vector_store %arg15[%swap3A_232], %add3A_229 {strides = array<i32>} : memref<992xi32, #tpu.memory_space<vmem>>, vector<16xi32>,
      %mul3A_234 = arith.constant 3000 : i32
      %mul3A_235 = vector.broadcast %mul3A_234 : i32 to vector<16xi32>
      %mul3A_236 = arith.muli %iota3A, %mul3A_235 : vector<16xi32>
      %add3A_237 = arith.constant 0 : i32
      %add3A_238 = vector.broadcast %add3A_237 : i32 to vector<16xi32>
      %add3A_239 = arith.addi %mul3A_236, %add3A_238 : vector<16xi32>
      %add3A_240 = arith.constant 7 : i32
      %add3A_241 = vector.broadcast %add3A_240 : i32 to vector<16xi32>
      %add3A_242 = arith.addi %add3A_239, %add3A_241 : vector<16xi32>
      %add3A_243 = arith.constant 0 : i32
      %add3A_244 = arith.addi %scan3A_225, %add3A_243 : i32
      %swap3A_245 = arith.index_cast %add3A_244 : i32 to index
      %swap3A_246 = tpu.vector_load %arg16[%swap3A_245] {strides = array<i32>} : memref<992xi32, #tpu.memory_space<vmem>>, vector<16xi32>,
      tpu.vector_store %arg16[%swap3A_245], %add3A_242 {strides = array<i32>} : memref<992xi32, #tpu.memory_space<vmem>>, vector<16xi32>,
      %add3A_247 = arith.constant 12560 : i32
      %add3A_248 = vector.broadcast %add3A_247 : i32 to vector<16xi32>
      %add3A_249 = arith.addi %add3A_248, %iota3A : vector<16xi32>
      %add3A_250 = arith.constant 16 : i32
      %add3A_251 = arith.addi %scan3A_225, %add3A_250 : i32
      %swap3A_252 = arith.index_cast %add3A_251 : i32 to index
      %swap3A_253 = tpu.vector_load %arg15[%swap3A_252] {strides = array<i32>} : memref<992xi32, #tpu.memory_space<vmem>>, vector<16xi32>,
      tpu.vector_store %arg15[%swap3A_252], %add3A_249 {strides = array<i32>} : memref<992xi32, #tpu.memory_space<vmem>>, vector<16xi32>,
      %mul3A_254 = arith.constant 3000 : i32
      %mul3A_255 = vector.broadcast %mul3A_254 : i32 to vector<16xi32>
      %mul3A_256 = arith.muli %iota3A, %mul3A_255 : vector<16xi32>
      %add3A_257 = arith.constant 750 : i32
      %add3A_258 = vector.broadcast %add3A_257 : i32 to vector<16xi32>
      %add3A_259 = arith.addi %mul3A_256, %add3A_258 : vector<16xi32>
      %add3A_260 = arith.constant 7 : i32
      %add3A_261 = vector.broadcast %add3A_260 : i32 to vector<16xi32>
      %add3A_262 = arith.addi %add3A_259, %add3A_261 : vector<16xi32>
      %add3A_263 = arith.constant 16 : i32
      %add3A_264 = arith.addi %scan3A_225, %add3A_263 : i32
      %swap3A_265 = arith.index_cast %add3A_264 : i32 to index
      %swap3A_266 = tpu.vector_load %arg16[%swap3A_265] {strides = array<i32>} : memref<992xi32, #tpu.memory_space<vmem>>, vector<16xi32>,
      tpu.vector_store %arg16[%swap3A_265], %add3A_262 {strides = array<i32>} : memref<992xi32, #tpu.memory_space<vmem>>, vector<16xi32>,
      %add3A_267 = arith.constant 32 : i32
      %add3A_268 = arith.addi %scan3A_225, %add3A_267 : i32
      %sub3A_269 = arith.constant 1 : i32
      %sub3A_270 = arith.subi %add3A_268, %sub3A_269 : i32
      %jit3A_271 = arith.constant 32 : i32
      %div3A_272 = arith.divsi %sub3A_270, %jit3A_271 : i32
      %sign3A_273 = arith.constant 0 : i32
      %sign3A_274 = arith.cmpi sgt, %sub3A_270, %sign3A_273 : i32
      %sign3A_275 = arith.extui %sign3A_274 : i1 to i32
      %sign3A_276 = arith.constant 0 : i32
      %sign3A_277 = arith.cmpi slt, %sub3A_270, %sign3A_276 : i32
      %sign3A_278 = arith.extui %sign3A_277 : i1 to i32
      %sign3A_279 = arith.subi %sign3A_275, %sign3A_278 : i32
      %sign3A_280 = arith.constant 0 : i32
      %sign3A_281 = arith.cmpi sgt, %jit3A_271, %sign3A_280 : i32
      %sign3A_282 = arith.extui %sign3A_281 : i1 to i32
      %sign3A_283 = arith.constant 0 : i32
      %sign3A_284 = arith.cmpi slt, %jit3A_271, %sign3A_283 : i32
      %sign3A_285 = arith.extui %sign3A_284 : i1 to i32
      %sign3A_286 = arith.subi %sign3A_282, %sign3A_285 : i32
      %ne3A_287 = arith.cmpi ne, %sign3A_279, %sign3A_286 : i32
      %rem3A_288 = arith.remsi %sub3A_270, %jit3A_271 : i32
      %ne3A_289 = arith.constant 0 : i32
      %ne3A_290 = arith.cmpi ne, %rem3A_288, %ne3A_289 : i32
      %and3A_291 = arith.andi %ne3A_287, %ne3A_290 : i1
      %sub3A_292 = arith.constant 1 : i32
      %sub3A_293 = arith.subi %div3A_272, %sub3A_292 : i32
      %select_n3A_294 = arith.select %and3A_291, %sub3A_293, %div3A_272 : i32
      %while3A = arith.constant 0 : i32
      %while3A_295 = arith.constant 0 : i32
      %while3A_296 = arith.subi %select_n3A_294, %while3A : i32
      %while3A_297 = arith.addi %while3A, %while3A_296 : i32
      %while3A_298 = arith.constant 1 : i32
      %while3A_299 = arith.divsi %while3A_296, %while3A_298 : i32
      %while3A_300 = arith.muli %while3A_299, %while3A_298 : i32
      %while3A_301 = arith.addi %while3A, %while3A_300 : i32
      %while3A_302 = arith.constant 1 : i32
      %while3A_303 = scf.for %while3A_358 = %while3A to %while3A_301 step %while3A_302 iter_args(%while3A_359 = %while3A_295) -> (i32)  : i32 {
        %mul3A_360 = arith.constant 32 : i32
        %mul3A_361 = arith.muli %while3A_358, %mul3A_360 : i32
        %multiple_of3A_362 = tpu.assume_multiple %mul3A_361, 32 : i32
        %add3A_363 = arith.constant 0 : i32
        %add3A_364 = arith.addi %multiple_of3A_362, %add3A_363 : i32
        %get3A = arith.index_cast %add3A_364 : i32 to index
        %get3A_365 = tpu.vector_load %arg15[%get3A] {strides = array<i32>} : memref<992xi32, #tpu.memory_space<vmem>>, vector<16xi32>,
        %swap3A_366 = arith.constant 0 : i32
        %swap3A_367 = tpu.memref_slice %arg17[%while3A_358, %swap3A_366] : memref<30x32xi32, #tpu.memory_space<vmem>> -> memref<1x32xi32, #tpu.memory_space<vmem>>
        %swap3A_368 = tpu.memref_squeeze %swap3A_367 : memref<1x32xi32, #tpu.memory_space<vmem>> -> memref<32xi32, #tpu.memory_space<vmem>>
        %swap3A_369 = arith.constant 0 : index
        %swap3A_370 = tpu.vector_load %swap3A_368[%swap3A_369] {strides = array<i32>} : memref<32xi32, #tpu.memory_space<vmem>>, vector<16xi32>,
        tpu.vector_store %swap3A_368[%swap3A_369], %get3A_365 {strides = array<i32>} : memref<32xi32, #tpu.memory_space<vmem>>, vector<16xi32>,
        %add3A_371 = arith.constant 16 : i32
        %add3A_372 = arith.addi %multiple_of3A_362, %add3A_371 : i32
        %get3A_373 = arith.index_cast %add3A_372 : i32 to index
        %get3A_374 = tpu.vector_load %arg15[%get3A_373] {strides = array<i32>} : memref<992xi32, #tpu.memory_space<vmem>>, vector<16xi32>,
        %swap3A_375 = arith.constant 0 : i32
        %swap3A_376 = tpu.memref_slice %arg17[%while3A_358, %swap3A_375] : memref<30x32xi32, #tpu.memory_space<vmem>> -> memref<1x32xi32, #tpu.memory_space<vmem>>
        %swap3A_377 = tpu.memref_squeeze %swap3A_376 : memref<1x32xi32, #tpu.memory_space<vmem>> -> memref<32xi32, #tpu.memory_space<vmem>>
        %swap3A_378 = arith.constant 16 : index
        %swap3A_379 = tpu.vector_load %swap3A_377[%swap3A_378] {strides = array<i32>} : memref<32xi32, #tpu.memory_space<vmem>>, vector<16xi32>,
        tpu.vector_store %swap3A_377[%swap3A_378], %get3A_374 {strides = array<i32>} : memref<32xi32, #tpu.memory_space<vmem>>, vector<16xi32>,
        %while3A_380 = arith.constant 0 : i32
        scf.yield %while3A_380 : i32
      }
      %while3A_304 = arith.constant 1 : i32
      %while3A_305 = scf.for %while3A_358 = %while3A_301 to %while3A_297 step %while3A_304 iter_args(%while3A_359 = %while3A_303) -> (i32)  : i32 {
        %mul3A_360 = arith.constant 32 : i32
        %mul3A_361 = arith.muli %while3A_358, %mul3A_360 : i32
        %multiple_of3A_362 = tpu.assume_multiple %mul3A_361, 32 : i32
        %add3A_363 = arith.constant 0 : i32
        %add3A_364 = arith.addi %multiple_of3A_362, %add3A_363 : i32
        %get3A = arith.index_cast %add3A_364 : i32 to index
        %get3A_365 = tpu.vector_load %arg15[%get3A] {strides = array<i32>} : memref<992xi32, #tpu.memory_space<vmem>>, vector<16xi32>,
        %swap3A_366 = arith.constant 0 : i32
        %swap3A_367 = tpu.memref_slice %arg17[%while3A_358, %swap3A_366] : memref<30x32xi32, #tpu.memory_space<vmem>> -> memref<1x32xi32, #tpu.memory_space<vmem>>
        %swap3A_368 = tpu.memref_squeeze %swap3A_367 : memref<1x32xi32, #tpu.memory_space<vmem>> -> memref<32xi32, #tpu.memory_space<vmem>>
        %swap3A_369 = arith.constant 0 : index
        %swap3A_370 = tpu.vector_load %swap3A_368[%swap3A_369] {strides = array<i32>} : memref<32xi32, #tpu.memory_space<vmem>>, vector<16xi32>,
        tpu.vector_store %swap3A_368[%swap3A_369], %get3A_365 {strides = array<i32>} : memref<32xi32, #tpu.memory_space<vmem>>, vector<16xi32>,
        %add3A_371 = arith.constant 16 : i32
        %add3A_372 = arith.addi %multiple_of3A_362, %add3A_371 : i32
        %get3A_373 = arith.index_cast %add3A_372 : i32 to index
        %get3A_374 = tpu.vector_load %arg15[%get3A_373] {strides = array<i32>} : memref<992xi32, #tpu.memory_space<vmem>>, vector<16xi32>,
        %swap3A_375 = arith.constant 0 : i32
        %swap3A_376 = tpu.memref_slice %arg17[%while3A_358, %swap3A_375] : memref<30x32xi32, #tpu.memory_space<vmem>> -> memref<1x32xi32, #tpu.memory_space<vmem>>
        %swap3A_377 = tpu.memref_squeeze %swap3A_376 : memref<1x32xi32, #tpu.memory_space<vmem>> -> memref<32xi32, #tpu.memory_space<vmem>>
        %swap3A_378 = arith.constant 16 : index
        %swap3A_379 = tpu.vector_load %swap3A_377[%swap3A_378] {strides = array<i32>} : memref<32xi32, #tpu.memory_space<vmem>>, vector<16xi32>,
        tpu.vector_store %swap3A_377[%swap3A_378], %get3A_374 {strides = array<i32>} : memref<32xi32, #tpu.memory_space<vmem>>, vector<16xi32>,
        %while3A_380 = arith.constant 0 : i32
        scf.yield %while3A_380 : i32
      }
      %gt3A = arith.constant 0 : i32
      %gt3A_306 = arith.cmpi sgt, %scan3A_149, %gt3A : i32
      %convert_element_type3A_307 = arith.extui %gt3A_306 : i1 to i32
      %cond3A_308 = arith.constant 0 : i32
      %cond3A_309 = arith.cmpi ne, %convert_element_type3A_307, %cond3A_308 : i32
      scf.if %cond3A_309 {
        %dma_wait3A_358 = arith.constant 0 : i32
        %dma_wait3A_359 = arith.constant 0 : i32
        %dma_wait3A_360 = arith.constant 0 : i32
        %dma_wait3A_361 = arith.constant 0 : i32
        %dma_wait3A_362 = arith.constant 0 : i32
        %dma_wait3A_363 = tpu.memref_slice %arg18[%dma_wait3A_358, %dma_wait3A_361, %dma_wait3A_362] : memref<4x32x128xf32, #tpu.memory_space<vmem>> -> memref<1x32x128xf32, #tpu.memory_space<vmem>>
        %dma_wait3A_364 = tpu.memref_squeeze %dma_wait3A_363 : memref<1x32x128xf32, #tpu.memory_space<vmem>> -> memref<32x128xf32, #tpu.memory_space<vmem>>
        %dma_wait3A_365 = arith.constant 0 : i32
        %dma_wait3A_366 = tpu.memref_slice %arg17[%dma_wait3A_359, %dma_wait3A_365] : memref<30x32xi32, #tpu.memory_space<vmem>> -> memref<1x32xi32, #tpu.memory_space<vmem>>
        %dma_wait3A_367 = tpu.memref_squeeze %dma_wait3A_366 : memref<1x32xi32, #tpu.memory_space<vmem>> -> memref<32xi32, #tpu.memory_space<vmem>>
        %dma_wait3A_368 = arith.constant 0 : i32
        %dma_wait3A_369 = arith.constant 0 : i32
        %dma_wait3A_370 = tpu.memref_slice %arg8[%dma_wait3A_368, %dma_wait3A_369] : memref<12576x128xf32, #tpu.memory_space<vmem_shared>> -> memref<12576x128xf32, #tpu.memory_space<vmem_shared>>
        %dma_wait3A_371 = tpu.memref_slice %arg22[%dma_wait3A_360] : memref<4x!tpu.dma_semaphore, #tpu.memory_space<semaphore_mem>> -> memref<1x!tpu.dma_semaphore, #tpu.memory_space<semaphore_mem>>
        %dma_wait3A_372 = tpu.memref_squeeze %dma_wait3A_371 : memref<1x!tpu.dma_semaphore, #tpu.memory_space<semaphore_mem>> -> memref<!tpu.dma_semaphore, #tpu.memory_space<semaphore_mem>>
        tpu.wait_indirect_dma semaphore(%dma_wait3A_372 : memref<!tpu.dma_semaphore, #tpu.memory_space<semaphore_mem>>) src(%dma_wait3A_364 : memref<32x128xf32, #tpu.memory_space<vmem>>) dst(%dma_wait3A_370 : memref<12576x128xf32, #tpu.memory_space<vmem_shared>>)
        %dma_wait3A_373 = arith.constant 0 : i32
        %dma_wait3A_374 = arith.constant 0 : i32
        %dma_wait3A_375 = arith.constant 0 : i32
        %dma_wait3A_376 = tpu.memref_slice %arg17[%dma_wait3A_373, %dma_wait3A_375] : memref<30x32xi32, #tpu.memory_space<vmem>> -> memref<1x32xi32, #tpu.memory_space<vmem>>
        %dma_wait3A_377 = tpu.memref_squeeze %dma_wait3A_376 : memref<1x32xi32, #tpu.memory_space<vmem>> -> memref<32xi32, #tpu.memory_space<vmem>>
        %dma_wait3A_378 = arith.constant 0 : i32
        %dma_wait3A_379 = tpu.memref_slice %arg9[%dma_wait3A_378] : memref<12576xf32, #tpu.memory_space<vmem_shared>> -> memref<12576xf32, #tpu.memory_space<vmem_shared>>
        %dma_wait3A_380 = tpu.memref_slice %arg22[%dma_wait3A_374] : memref<4x!tpu.dma_semaphore, #tpu.memory_space<semaphore_mem>> -> memref<1x!tpu.dma_semaphore, #tpu.memory_space<semaphore_mem>>
        %dma_wait3A_381 = tpu.memref_squeeze %dma_wait3A_380 : memref<1x!tpu.dma_semaphore, #tpu.memory_space<semaphore_mem>> -> memref<!tpu.dma_semaphore, #tpu.memory_space<semaphore_mem>>
        tpu.wait_indirect_dma semaphore(%dma_wait3A_381 : memref<!tpu.dma_semaphore, #tpu.memory_space<semaphore_mem>>) src(%arg19 : memref<32xf32, #tpu.memory_space<vmem>>) dst(%dma_wait3A_379 : memref<12576xf32, #tpu.memory_space<vmem_shared>>)
      } else {
      }
      %gt3A_310 = arith.constant 0 : i32
      %gt3A_311 = arith.cmpi sgt, %select_n3A_294, %gt3A_310 : i32
      %convert_element_type3A_312 = arith.extui %gt3A_311 : i1 to i32
      %cond3A_313 = arith.constant 0 : i32
      %cond3A_314 = arith.cmpi ne, %convert_element_type3A_312, %cond3A_313 : i32
      scf.if %cond3A_314 {
        %multiple_of3A_358 = arith.constant 0 : i32
        %multiple_of3A_359 = tpu.assume_multiple %multiple_of3A_358, 32 : i32
        %dma_start3A_360 = arith.constant 0 : i32
        %dma_start3A_361 = arith.constant 0 : i32
        %dma_start3A_362 = arith.constant 0 : i32
        %dma_start3A_363 = arith.constant 0 : i32
        %dma_start3A_364 = tpu.memref_slice %arg18[%dma_start3A_360, %dma_start3A_362, %dma_start3A_363] : memref<4x32x128xf32, #tpu.memory_space<vmem>> -> memref<1x32x128xf32, #tpu.memory_space<vmem>>
        %dma_start3A_365 = tpu.memref_squeeze %dma_start3A_364 : memref<1x32x128xf32, #tpu.memory_space<vmem>> -> memref<32x128xf32, #tpu.memory_space<vmem>>
        %dma_start3A_366 = tpu.memref_slice %arg16[%multiple_of3A_359] : memref<992xi32, #tpu.memory_space<vmem>> -> memref<32xi32, #tpu.memory_space<vmem>>
        %dma_start3A_367 = arith.constant 0 : i32
        %dma_start3A_368 = arith.constant 0 : i32
        %dma_start3A_369 = tpu.memref_slice %arg2[%select_n3A, %dma_start3A_367, %dma_start3A_368] : memref<8x50000x128xf32, #tpu.memory_space<hbm>> -> memref<1x50000x128xf32, #tpu.memory_space<hbm>>
        %dma_start3A_370 = tpu.memref_squeeze %dma_start3A_369 : memref<1x50000x128xf32, #tpu.memory_space<hbm>> -> memref<50000x128xf32, #tpu.memory_space<hbm>>
        %dma_start3A_371 = arith.constant 0 : i32
        %dma_start3A_372 = arith.constant 0 : i32
        %dma_start3A_373 = tpu.memref_slice %dma_start3A_370[%dma_start3A_371, %dma_start3A_372] : memref<50000x128xf32, #tpu.memory_space<hbm>> -> memref<50000x128xf32, #tpu.memory_space<hbm>>
        %dma_start3A_374 = tpu.memref_slice %arg21[%dma_start3A_361] : memref<4x!tpu.dma_semaphore, #tpu.memory_space<semaphore_mem>> -> memref<1x!tpu.dma_semaphore, #tpu.memory_space<semaphore_mem>>
        %dma_start3A_375 = tpu.memref_squeeze %dma_start3A_374 : memref<1x!tpu.dma_semaphore, #tpu.memory_space<semaphore_mem>> -> memref<!tpu.dma_semaphore, #tpu.memory_space<semaphore_mem>>
        tpu.enqueue_indirect_dma source(%dma_start3A_373 : memref<50000x128xf32, #tpu.memory_space<hbm>>) target(%dma_start3A_365 : memref<32x128xf32, #tpu.memory_space<vmem>>) offsets(%dma_start3A_366 : memref<32xi32, #tpu.memory_space<vmem>>) semaphore(%dma_start3A_375 : memref<!tpu.dma_semaphore, #tpu.memory_space<semaphore_mem>>)
      } else {
      }
      %gt3A_315 = arith.constant 1 : i32
      %gt3A_316 = arith.cmpi sgt, %scan3A_149, %gt3A_315 : i32
      %convert_element_type3A_317 = arith.extui %gt3A_316 : i1 to i32
      %cond3A_318 = arith.constant 0 : i32
      %cond3A_319 = arith.cmpi ne, %convert_element_type3A_317, %cond3A_318 : i32
      scf.if %cond3A_319 {
        %dma_wait3A_358 = arith.constant 1 : i32
        %dma_wait3A_359 = arith.constant 0 : i32
        %dma_wait3A_360 = arith.constant 1 : i32
        %dma_wait3A_361 = arith.constant 0 : i32
        %dma_wait3A_362 = arith.constant 0 : i32
        %dma_wait3A_363 = tpu.memref_slice %arg18[%dma_wait3A_358, %dma_wait3A_361, %dma_wait3A_362] : memref<4x32x128xf32, #tpu.memory_space<vmem>> -> memref<1x32x128xf32, #tpu.memory_space<vmem>>
        %dma_wait3A_364 = tpu.memref_squeeze %dma_wait3A_363 : memref<1x32x128xf32, #tpu.memory_space<vmem>> -> memref<32x128xf32, #tpu.memory_space<vmem>>
        %dma_wait3A_365 = arith.constant 0 : i32
        %dma_wait3A_366 = tpu.memref_slice %arg17[%dma_wait3A_359, %dma_wait3A_365] : memref<30x32xi32, #tpu.memory_space<vmem>> -> memref<1x32xi32, #tpu.memory_space<vmem>>
        %dma_wait3A_367 = tpu.memref_squeeze %dma_wait3A_366 : memref<1x32xi32, #tpu.memory_space<vmem>> -> memref<32xi32, #tpu.memory_space<vmem>>
        %dma_wait3A_368 = arith.constant 0 : i32
        %dma_wait3A_369 = arith.constant 0 : i32
        %dma_wait3A_370 = tpu.memref_slice %arg8[%dma_wait3A_368, %dma_wait3A_369] : memref<12576x128xf32, #tpu.memory_space<vmem_shared>> -> memref<12576x128xf32, #tpu.memory_space<vmem_shared>>
        %dma_wait3A_371 = tpu.memref_slice %arg22[%dma_wait3A_360] : memref<4x!tpu.dma_semaphore, #tpu.memory_space<semaphore_mem>> -> memref<1x!tpu.dma_semaphore, #tpu.memory_space<semaphore_mem>>
        %dma_wait3A_372 = tpu.memref_squeeze %dma_wait3A_371 : memref<1x!tpu.dma_semaphore, #tpu.memory_space<semaphore_mem>> -> memref<!tpu.dma_semaphore, #tpu.memory_space<semaphore_mem>>
        tpu.wait_indirect_dma semaphore(%dma_wait3A_372 : memref<!tpu.dma_semaphore, #tpu.memory_space<semaphore_mem>>) src(%dma_wait3A_364 : memref<32x128xf32, #tpu.memory_space<vmem>>) dst(%dma_wait3A_370 : memref<12576x128xf32, #tpu.memory_space<vmem_shared>>)
        %dma_wait3A_373 = arith.constant 0 : i32
        %dma_wait3A_374 = arith.constant 1 : i32
        %dma_wait3A_375 = arith.constant 0 : i32
        %dma_wait3A_376 = tpu.memref_slice %arg17[%dma_wait3A_373, %dma_wait3A_375] : memref<30x32xi32, #tpu.memory_space<vmem>> -> memref<1x32xi32, #tpu.memory_space<vmem>>
        %dma_wait3A_377 = tpu.memref_squeeze %dma_wait3A_376 : memref<1x32xi32, #tpu.memory_space<vmem>> -> memref<32xi32, #tpu.memory_space<vmem>>
        %dma_wait3A_378 = arith.constant 0 : i32
        %dma_wait3A_379 = tpu.memref_slice %arg9[%dma_wait3A_378] : memref<12576xf32, #tpu.memory_space<vmem_shared>> -> memref<12576xf32, #tpu.memory_space<vmem_shared>>
        %dma_wait3A_380 = tpu.memref_slice %arg22[%dma_wait3A_374] : memref<4x!tpu.dma_semaphore, #tpu.memory_space<semaphore_mem>> -> memref<1x!tpu.dma_semaphore, #tpu.memory_space<semaphore_mem>>
        %dma_wait3A_381 = tpu.memref_squeeze %dma_wait3A_380 : memref<1x!tpu.dma_semaphore, #tpu.memory_space<semaphore_mem>> -> memref<!tpu.dma_semaphore, #tpu.memory_space<semaphore_mem>>
        tpu.wait_indirect_dma semaphore(%dma_wait3A_381 : memref<!tpu.dma_semaphore, #tpu.memory_space<semaphore_mem>>) src(%arg19 : memref<32xf32, #tpu.memory_space<vmem>>) dst(%dma_wait3A_379 : memref<12576xf32, #tpu.memory_space<vmem_shared>>)
      } else {
      }
      %gt3A_320 = arith.constant 1 : i32
      %gt3A_321 = arith.cmpi sgt, %select_n3A_294, %gt3A_320 : i32
      %convert_element_type3A_322 = arith.extui %gt3A_321 : i1 to i32
      %cond3A_323 = arith.constant 0 : i32
      %cond3A_324 = arith.cmpi ne, %convert_element_type3A_322, %cond3A_323 : i32
      scf.if %cond3A_324 {
        %multiple_of3A_358 = arith.constant 32 : i32
        %multiple_of3A_359 = tpu.assume_multiple %multiple_of3A_358, 32 : i32
        %dma_start3A_360 = arith.constant 1 : i32
        %dma_start3A_361 = arith.constant 1 : i32
        %dma_start3A_362 = arith.constant 0 : i32
        %dma_start3A_363 = arith.constant 0 : i32
        %dma_start3A_364 = tpu.memref_slice %arg18[%dma_start3A_360, %dma_start3A_362, %dma_start3A_363] : memref<4x32x128xf32, #tpu.memory_space<vmem>> -> memref<1x32x128xf32, #tpu.memory_space<vmem>>
        %dma_start3A_365 = tpu.memref_squeeze %dma_start3A_364 : memref<1x32x128xf32, #tpu.memory_space<vmem>> -> memref<32x128xf32, #tpu.memory_space<vmem>>
        %dma_start3A_366 = tpu.memref_slice %arg16[%multiple_of3A_359] : memref<992xi32, #tpu.memory_space<vmem>> -> memref<32xi32, #tpu.memory_space<vmem>>
        %dma_start3A_367 = arith.constant 0 : i32
        %dma_start3A_368 = arith.constant 0 : i32
        %dma_start3A_369 = tpu.memref_slice %arg2[%select_n3A, %dma_start3A_367, %dma_start3A_368] : memref<8x50000x128xf32, #tpu.memory_space<hbm>> -> memref<1x50000x128xf32, #tpu.memory_space<hbm>>
        %dma_start3A_370 = tpu.memref_squeeze %dma_start3A_369 : memref<1x50000x128xf32, #tpu.memory_space<hbm>> -> memref<50000x128xf32, #tpu.memory_space<hbm>>
        %dma_start3A_371 = arith.constant 0 : i32
        %dma_start3A_372 = arith.constant 0 : i32
        %dma_start3A_373 = tpu.memref_slice %dma_start3A_370[%dma_start3A_371, %dma_start3A_372] : memref<50000x128xf32, #tpu.memory_space<hbm>> -> memref<50000x128xf32, #tpu.memory_space<hbm>>
        %dma_start3A_374 = tpu.memref_slice %arg21[%dma_start3A_361] : memref<4x!tpu.dma_semaphore, #tpu.memory_space<semaphore_mem>> -> memref<1x!tpu.dma_semaphore, #tpu.memory_space<semaphore_mem>>
        %dma_start3A_375 = tpu.memref_squeeze %dma_start3A_374 : memref<1x!tpu.dma_semaphore, #tpu.memory_space<semaphore_mem>> -> memref<!tpu.dma_semaphore, #tpu.memory_space<semaphore_mem>>
        tpu.enqueue_indirect_dma source(%dma_start3A_373 : memref<50000x128xf32, #tpu.memory_space<hbm>>) target(%dma_start3A_365 : memref<32x128xf32, #tpu.memory_space<vmem>>) offsets(%dma_start3A_366 : memref<32xi32, #tpu.memory_space<vmem>>) semaphore(%dma_start3A_375 : memref<!tpu.dma_semaphore, #tpu.memory_space<semaphore_mem>>)
      } else {
      }
      %gt3A_325 = arith.constant 2 : i32
      %gt3A_326 = arith.cmpi sgt, %scan3A_149, %gt3A_325 : i32
      %convert_element_type3A_327 = arith.extui %gt3A_326 : i1 to i32
      %cond3A_328 = arith.constant 0 : i32
      %cond3A_329 = arith.cmpi ne, %convert_element_type3A_327, %cond3A_328 : i32
      scf.if %cond3A_329 {
        %dma_wait3A_358 = arith.constant 2 : i32
        %dma_wait3A_359 = arith.constant 0 : i32
        %dma_wait3A_360 = arith.constant 2 : i32
        %dma_wait3A_361 = arith.constant 0 : i32
        %dma_wait3A_362 = arith.constant 0 : i32
        %dma_wait3A_363 = tpu.memref_slice %arg18[%dma_wait3A_358, %dma_wait3A_361, %dma_wait3A_362] : memref<4x32x128xf32, #tpu.memory_space<vmem>> -> memref<1x32x128xf32, #tpu.memory_space<vmem>>
        %dma_wait3A_364 = tpu.memref_squeeze %dma_wait3A_363 : memref<1x32x128xf32, #tpu.memory_space<vmem>> -> memref<32x128xf32, #tpu.memory_space<vmem>>
        %dma_wait3A_365 = arith.constant 0 : i32
        %dma_wait3A_366 = tpu.memref_slice %arg17[%dma_wait3A_359, %dma_wait3A_365] : memref<30x32xi32, #tpu.memory_space<vmem>> -> memref<1x32xi32, #tpu.memory_space<vmem>>
        %dma_wait3A_367 = tpu.memref_squeeze %dma_wait3A_366 : memref<1x32xi32, #tpu.memory_space<vmem>> -> memref<32xi32, #tpu.memory_space<vmem>>
        %dma_wait3A_368 = arith.constant 0 : i32
        %dma_wait3A_369 = arith.constant 0 : i32
        %dma_wait3A_370 = tpu.memref_slice %arg8[%dma_wait3A_368, %dma_wait3A_369] : memref<12576x128xf32, #tpu.memory_space<vmem_shared>> -> memref<12576x128xf32, #tpu.memory_space<vmem_shared>>
        %dma_wait3A_371 = tpu.memref_slice %arg22[%dma_wait3A_360] : memref<4x!tpu.dma_semaphore, #tpu.memory_space<semaphore_mem>> -> memref<1x!tpu.dma_semaphore, #tpu.memory_space<semaphore_mem>>
        %dma_wait3A_372 = tpu.memref_squeeze %dma_wait3A_371 : memref<1x!tpu.dma_semaphore, #tpu.memory_space<semaphore_mem>> -> memref<!tpu.dma_semaphore, #tpu.memory_space<semaphore_mem>>
        tpu.wait_indirect_dma semaphore(%dma_wait3A_372 : memref<!tpu.dma_semaphore, #tpu.memory_space<semaphore_mem>>) src(%dma_wait3A_364 : memref<32x128xf32, #tpu.memory_space<vmem>>) dst(%dma_wait3A_370 : memref<12576x128xf32, #tpu.memory_space<vmem_shared>>)
        %dma_wait3A_373 = arith.constant 0 : i32
        %dma_wait3A_374 = arith.constant 2 : i32
        %dma_wait3A_375 = arith.constant 0 : i32
        %dma_wait3A_376 = tpu.memref_slice %arg17[%dma_wait3A_373, %dma_wait3A_375] : memref<30x32xi32, #tpu.memory_space<vmem>> -> memref<1x32xi32, #tpu.memory_space<vmem>>
        %dma_wait3A_377 = tpu.memref_squeeze %dma_wait3A_376 : memref<1x32xi32, #tpu.memory_space<vmem>> -> memref<32xi32, #tpu.memory_space<vmem>>
        %dma_wait3A_378 = arith.constant 0 : i32
        %dma_wait3A_379 = tpu.memref_slice %arg9[%dma_wait3A_378] : memref<12576xf32, #tpu.memory_space<vmem_shared>> -> memref<12576xf32, #tpu.memory_space<vmem_shared>>
        %dma_wait3A_380 = tpu.memref_slice %arg22[%dma_wait3A_374] : memref<4x!tpu.dma_semaphore, #tpu.memory_space<semaphore_mem>> -> memref<1x!tpu.dma_semaphore, #tpu.memory_space<semaphore_mem>>
        %dma_wait3A_381 = tpu.memref_squeeze %dma_wait3A_380 : memref<1x!tpu.dma_semaphore, #tpu.memory_space<semaphore_mem>> -> memref<!tpu.dma_semaphore, #tpu.memory_space<semaphore_mem>>
        tpu.wait_indirect_dma semaphore(%dma_wait3A_381 : memref<!tpu.dma_semaphore, #tpu.memory_space<semaphore_mem>>) src(%arg19 : memref<32xf32, #tpu.memory_space<vmem>>) dst(%dma_wait3A_379 : memref<12576xf32, #tpu.memory_space<vmem_shared>>)
      } else {
      }
      %gt3A_330 = arith.constant 2 : i32
      %gt3A_331 = arith.cmpi sgt, %select_n3A_294, %gt3A_330 : i32
      %convert_element_type3A_332 = arith.extui %gt3A_331 : i1 to i32
      %cond3A_333 = arith.constant 0 : i32
      %cond3A_334 = arith.cmpi ne, %convert_element_type3A_332, %cond3A_333 : i32
      scf.if %cond3A_334 {
        %multiple_of3A_358 = arith.constant 64 : i32
        %multiple_of3A_359 = tpu.assume_multiple %multiple_of3A_358, 32 : i32
        %dma_start3A_360 = arith.constant 2 : i32
        %dma_start3A_361 = arith.constant 2 : i32
        %dma_start3A_362 = arith.constant 0 : i32
        %dma_start3A_363 = arith.constant 0 : i32
        %dma_start3A_364 = tpu.memref_slice %arg18[%dma_start3A_360, %dma_start3A_362, %dma_start3A_363] : memref<4x32x128xf32, #tpu.memory_space<vmem>> -> memref<1x32x128xf32, #tpu.memory_space<vmem>>
        %dma_start3A_365 = tpu.memref_squeeze %dma_start3A_364 : memref<1x32x128xf32, #tpu.memory_space<vmem>> -> memref<32x128xf32, #tpu.memory_space<vmem>>
        %dma_start3A_366 = tpu.memref_slice %arg16[%multiple_of3A_359] : memref<992xi32, #tpu.memory_space<vmem>> -> memref<32xi32, #tpu.memory_space<vmem>>
        %dma_start3A_367 = arith.constant 0 : i32
        %dma_start3A_368 = arith.constant 0 : i32
        %dma_start3A_369 = tpu.memref_slice %arg2[%select_n3A, %dma_start3A_367, %dma_start3A_368] : memref<8x50000x128xf32, #tpu.memory_space<hbm>> -> memref<1x50000x128xf32, #tpu.memory_space<hbm>>
        %dma_start3A_370 = tpu.memref_squeeze %dma_start3A_369 : memref<1x50000x128xf32, #tpu.memory_space<hbm>> -> memref<50000x128xf32, #tpu.memory_space<hbm>>
        %dma_start3A_371 = arith.constant 0 : i32
        %dma_start3A_372 = arith.constant 0 : i32
        %dma_start3A_373 = tpu.memref_slice %dma_start3A_370[%dma_start3A_371, %dma_start3A_372] : memref<50000x128xf32, #tpu.memory_space<hbm>> -> memref<50000x128xf32, #tpu.memory_space<hbm>>
        %dma_start3A_374 = tpu.memref_slice %arg21[%dma_start3A_361] : memref<4x!tpu.dma_semaphore, #tpu.memory_space<semaphore_mem>> -> memref<1x!tpu.dma_semaphore, #tpu.memory_space<semaphore_mem>>
        %dma_start3A_375 = tpu.memref_squeeze %dma_start3A_374 : memref<1x!tpu.dma_semaphore, #tpu.memory_space<semaphore_mem>> -> memref<!tpu.dma_semaphore, #tpu.memory_space<semaphore_mem>>
        tpu.enqueue_indirect_dma source(%dma_start3A_373 : memref<50000x128xf32, #tpu.memory_space<hbm>>) target(%dma_start3A_365 : memref<32x128xf32, #tpu.memory_space<vmem>>) offsets(%dma_start3A_366 : memref<32xi32, #tpu.memory_space<vmem>>) semaphore(%dma_start3A_375 : memref<!tpu.dma_semaphore, #tpu.memory_space<semaphore_mem>>)
      } else {
      }
      %gt3A_335 = arith.constant 3 : i32
      %gt3A_336 = arith.cmpi sgt, %scan3A_149, %gt3A_335 : i32
      %convert_element_type3A_337 = arith.extui %gt3A_336 : i1 to i32
      %cond3A_338 = arith.constant 0 : i32
      %cond3A_339 = arith.cmpi ne, %convert_element_type3A_337, %cond3A_338 : i32
      scf.if %cond3A_339 {
        %dma_wait3A_358 = arith.constant 3 : i32
        %dma_wait3A_359 = arith.constant 0 : i32
        %dma_wait3A_360 = arith.constant 3 : i32
        %dma_wait3A_361 = arith.constant 0 : i32
        %dma_wait3A_362 = arith.constant 0 : i32
        %dma_wait3A_363 = tpu.memref_slice %arg18[%dma_wait3A_358, %dma_wait3A_361, %dma_wait3A_362] : memref<4x32x128xf32, #tpu.memory_space<vmem>> -> memref<1x32x128xf32, #tpu.memory_space<vmem>>
        %dma_wait3A_364 = tpu.memref_squeeze %dma_wait3A_363 : memref<1x32x128xf32, #tpu.memory_space<vmem>> -> memref<32x128xf32, #tpu.memory_space<vmem>>
        %dma_wait3A_365 = arith.constant 0 : i32
        %dma_wait3A_366 = tpu.memref_slice %arg17[%dma_wait3A_359, %dma_wait3A_365] : memref<30x32xi32, #tpu.memory_space<vmem>> -> memref<1x32xi32, #tpu.memory_space<vmem>>
        %dma_wait3A_367 = tpu.memref_squeeze %dma_wait3A_366 : memref<1x32xi32, #tpu.memory_space<vmem>> -> memref<32xi32, #tpu.memory_space<vmem>>
        %dma_wait3A_368 = arith.constant 0 : i32
        %dma_wait3A_369 = arith.constant 0 : i32
        %dma_wait3A_370 = tpu.memref_slice %arg8[%dma_wait3A_368, %dma_wait3A_369] : memref<12576x128xf32, #tpu.memory_space<vmem_shared>> -> memref<12576x128xf32, #tpu.memory_space<vmem_shared>>
        %dma_wait3A_371 = tpu.memref_slice %arg22[%dma_wait3A_360] : memref<4x!tpu.dma_semaphore, #tpu.memory_space<semaphore_mem>> -> memref<1x!tpu.dma_semaphore, #tpu.memory_space<semaphore_mem>>
        %dma_wait3A_372 = tpu.memref_squeeze %dma_wait3A_371 : memref<1x!tpu.dma_semaphore, #tpu.memory_space<semaphore_mem>> -> memref<!tpu.dma_semaphore, #tpu.memory_space<semaphore_mem>>
        tpu.wait_indirect_dma semaphore(%dma_wait3A_372 : memref<!tpu.dma_semaphore, #tpu.memory_space<semaphore_mem>>) src(%dma_wait3A_364 : memref<32x128xf32, #tpu.memory_space<vmem>>) dst(%dma_wait3A_370 : memref<12576x128xf32, #tpu.memory_space<vmem_shared>>)
        %dma_wait3A_373 = arith.constant 0 : i32
        %dma_wait3A_374 = arith.constant 3 : i32
        %dma_wait3A_375 = arith.constant 0 : i32
        %dma_wait3A_376 = tpu.memref_slice %arg17[%dma_wait3A_373, %dma_wait3A_375] : memref<30x32xi32, #tpu.memory_space<vmem>> -> memref<1x32xi32, #tpu.memory_space<vmem>>
        %dma_wait3A_377 = tpu.memref_squeeze %dma_wait3A_376 : memref<1x32xi32, #tpu.memory_space<vmem>> -> memref<32xi32, #tpu.memory_space<vmem>>
        %dma_wait3A_378 = arith.constant 0 : i32
        %dma_wait3A_379 = tpu.memref_slice %arg9[%dma_wait3A_378] : memref<12576xf32, #tpu.memory_space<vmem_shared>> -> memref<12576xf32, #tpu.memory_space<vmem_shared>>
        %dma_wait3A_380 = tpu.memref_slice %arg22[%dma_wait3A_374] : memref<4x!tpu.dma_semaphore, #tpu.memory_space<semaphore_mem>> -> memref<1x!tpu.dma_semaphore, #tpu.memory_space<semaphore_mem>>
        %dma_wait3A_381 = tpu.memref_squeeze %dma_wait3A_380 : memref<1x!tpu.dma_semaphore, #tpu.memory_space<semaphore_mem>> -> memref<!tpu.dma_semaphore, #tpu.memory_space<semaphore_mem>>
        tpu.wait_indirect_dma semaphore(%dma_wait3A_381 : memref<!tpu.dma_semaphore, #tpu.memory_space<semaphore_mem>>) src(%arg19 : memref<32xf32, #tpu.memory_space<vmem>>) dst(%dma_wait3A_379 : memref<12576xf32, #tpu.memory_space<vmem_shared>>)
      } else {
      }
      %gt3A_340 = arith.constant 3 : i32
      %gt3A_341 = arith.cmpi sgt, %select_n3A_294, %gt3A_340 : i32
      %convert_element_type3A_342 = arith.extui %gt3A_341 : i1 to i32
      %cond3A_343 = arith.constant 0 : i32
      %cond3A_344 = arith.cmpi ne, %convert_element_type3A_342, %cond3A_343 : i32
      scf.if %cond3A_344 {
        %multiple_of3A_358 = arith.constant 96 : i32
        %multiple_of3A_359 = tpu.assume_multiple %multiple_of3A_358, 32 : i32
        %dma_start3A_360 = arith.constant 3 : i32
        %dma_start3A_361 = arith.constant 3 : i32
        %dma_start3A_362 = arith.constant 0 : i32
        %dma_start3A_363 = arith.constant 0 : i32
        %dma_start3A_364 = tpu.memref_slice %arg18[%dma_start3A_360, %dma_start3A_362, %dma_start3A_363] : memref<4x32x128xf32, #tpu.memory_space<vmem>> -> memref<1x32x128xf32, #tpu.memory_space<vmem>>
        %dma_start3A_365 = tpu.memref_squeeze %dma_start3A_364 : memref<1x32x128xf32, #tpu.memory_space<vmem>> -> memref<32x128xf32, #tpu.memory_space<vmem>>
        %dma_start3A_366 = tpu.memref_slice %arg16[%multiple_of3A_359] : memref<992xi32, #tpu.memory_space<vmem>> -> memref<32xi32, #tpu.memory_space<vmem>>
        %dma_start3A_367 = arith.constant 0 : i32
        %dma_start3A_368 = arith.constant 0 : i32
        %dma_start3A_369 = tpu.memref_slice %arg2[%select_n3A, %dma_start3A_367, %dma_start3A_368] : memref<8x50000x128xf32, #tpu.memory_space<hbm>> -> memref<1x50000x128xf32, #tpu.memory_space<hbm>>
        %dma_start3A_370 = tpu.memref_squeeze %dma_start3A_369 : memref<1x50000x128xf32, #tpu.memory_space<hbm>> -> memref<50000x128xf32, #tpu.memory_space<hbm>>
        %dma_start3A_371 = arith.constant 0 : i32
        %dma_start3A_372 = arith.constant 0 : i32
        %dma_start3A_373 = tpu.memref_slice %dma_start3A_370[%dma_start3A_371, %dma_start3A_372] : memref<50000x128xf32, #tpu.memory_space<hbm>> -> memref<50000x128xf32, #tpu.memory_space<hbm>>
        %dma_start3A_374 = tpu.memref_slice %arg21[%dma_start3A_361] : memref<4x!tpu.dma_semaphore, #tpu.memory_space<semaphore_mem>> -> memref<1x!tpu.dma_semaphore, #tpu.memory_space<semaphore_mem>>
        %dma_start3A_375 = tpu.memref_squeeze %dma_start3A_374 : memref<1x!tpu.dma_semaphore, #tpu.memory_space<semaphore_mem>> -> memref<!tpu.dma_semaphore, #tpu.memory_space<semaphore_mem>>
        tpu.enqueue_indirect_dma source(%dma_start3A_373 : memref<50000x128xf32, #tpu.memory_space<hbm>>) target(%dma_start3A_365 : memref<32x128xf32, #tpu.memory_space<vmem>>) offsets(%dma_start3A_366 : memref<32xi32, #tpu.memory_space<vmem>>) semaphore(%dma_start3A_375 : memref<!tpu.dma_semaphore, #tpu.memory_space<semaphore_mem>>)
      } else {
      }
      %while3A_345 = arith.constant 0 : i32
      %while3A_346 = arith.constant 0 : i32
      %while3A_347 = arith.subi %select_n3A_294, %while3A_345 : i32
      %while3A_348 = arith.addi %while3A_345, %while3A_347 : i32
      %while3A_349 = arith.constant 1 : i32
      %while3A_350 = arith.divsi %while3A_347, %while3A_349 : i32
      %while3A_351 = arith.muli %while3A_350, %while3A_349 : i32
      %while3A_352 = arith.addi %while3A_345, %while3A_351 : i32
      %while3A_353 = arith.constant 1 : i32
      %while3A_354 = scf.for %while3A_358 = %while3A_345 to %while3A_352 step %while3A_353 iter_args(%while3A_359 = %while3A_346) -> (i32)  : i32 {
        %jit3A_360 = arith.constant 4 : i32
        %eq3A_361 = arith.constant 0 : i32
        %eq3A_362 = arith.cmpi eq, %jit3A_360, %eq3A_361 : i32
        %jit3A_363 = arith.constant 1 : i32
        %select_n3A_364 = arith.select %eq3A_362, %jit3A_363, %jit3A_360 : i32
        %rem3A_365 = arith.remsi %while3A_358, %select_n3A_364 : i32
        %ne3A_366 = arith.constant 0 : i32
        %ne3A_367 = arith.cmpi ne, %rem3A_365, %ne3A_366 : i32
        %lt3A_368 = arith.constant 0 : i32
        %lt3A_369 = arith.cmpi slt, %rem3A_365, %lt3A_368 : i32
        %lt3A_370 = arith.constant 0 : i32
        %lt3A_371 = arith.cmpi slt, %select_n3A_364, %lt3A_370 : i32
        %ne3A_372 = arith.xori %lt3A_369, %lt3A_371 : i1
        %and3A_373 = arith.andi %ne3A_372, %ne3A_367 : i1
        %add3A_374 = arith.addi %rem3A_365, %select_n3A_364 : i32
        %select_n3A_375 = arith.select %and3A_373, %add3A_374, %rem3A_365 : i32
        %dma_wait3A_376 = arith.constant 0 : i32
        %dma_wait3A_377 = arith.constant 0 : i32
        %dma_wait3A_378 = tpu.memref_slice %arg18[%select_n3A_375, %dma_wait3A_376, %dma_wait3A_377] : memref<4x32x128xf32, #tpu.memory_space<vmem>> -> memref<1x32x128xf32, #tpu.memory_space<vmem>>
        %dma_wait3A_379 = tpu.memref_squeeze %dma_wait3A_378 : memref<1x32x128xf32, #tpu.memory_space<vmem>> -> memref<32x128xf32, #tpu.memory_space<vmem>>
        %dma_wait3A_380 = arith.constant 0 : i32
        %dma_wait3A_381 = tpu.memref_slice %arg16[%dma_wait3A_380] : memref<992xi32, #tpu.memory_space<vmem>> -> memref<32xi32, #tpu.memory_space<vmem>>
        %dma_wait3A_382 = arith.constant 0 : i32
        %dma_wait3A_383 = arith.constant 0 : i32
        %dma_wait3A_384 = tpu.memref_slice %arg2[%select_n3A, %dma_wait3A_382, %dma_wait3A_383] : memref<8x50000x128xf32, #tpu.memory_space<hbm>> -> memref<1x50000x128xf32, #tpu.memory_space<hbm>>
        %dma_wait3A_385 = tpu.memref_squeeze %dma_wait3A_384 : memref<1x50000x128xf32, #tpu.memory_space<hbm>> -> memref<50000x128xf32, #tpu.memory_space<hbm>>
        %dma_wait3A_386 = arith.constant 0 : i32
        %dma_wait3A_387 = arith.constant 0 : i32
        %dma_wait3A_388 = tpu.memref_slice %dma_wait3A_385[%dma_wait3A_386, %dma_wait3A_387] : memref<50000x128xf32, #tpu.memory_space<hbm>> -> memref<50000x128xf32, #tpu.memory_space<hbm>>
        %dma_wait3A_389 = tpu.memref_slice %arg21[%select_n3A_375] : memref<4x!tpu.dma_semaphore, #tpu.memory_space<semaphore_mem>> -> memref<1x!tpu.dma_semaphore, #tpu.memory_space<semaphore_mem>>
        %dma_wait3A_390 = tpu.memref_squeeze %dma_wait3A_389 : memref<1x!tpu.dma_semaphore, #tpu.memory_space<semaphore_mem>> -> memref<!tpu.dma_semaphore, #tpu.memory_space<semaphore_mem>>
        tpu.wait_indirect_dma semaphore(%dma_wait3A_390 : memref<!tpu.dma_semaphore, #tpu.memory_space<semaphore_mem>>) src(%dma_wait3A_388 : memref<50000x128xf32, #tpu.memory_space<hbm>>) dst(%dma_wait3A_379 : memref<32x128xf32, #tpu.memory_space<vmem>>)
        %dma_start3A_391 = arith.constant 0 : i32
        %dma_start3A_392 = arith.constant 0 : i32
        %dma_start3A_393 = tpu.memref_slice %arg18[%select_n3A_375, %dma_start3A_391, %dma_start3A_392] : memref<4x32x128xf32, #tpu.memory_space<vmem>> -> memref<1x32x128xf32, #tpu.memory_space<vmem>>
        %dma_start3A_394 = tpu.memref_squeeze %dma_start3A_393 : memref<1x32x128xf32, #tpu.memory_space<vmem>> -> memref<32x128xf32, #tpu.memory_space<vmem>>
        %dma_start3A_395 = arith.constant 0 : i32
        %dma_start3A_396 = tpu.memref_slice %arg17[%while3A_358, %dma_start3A_395] : memref<30x32xi32, #tpu.memory_space<vmem>> -> memref<1x32xi32, #tpu.memory_space<vmem>>
        %dma_start3A_397 = tpu.memref_squeeze %dma_start3A_396 : memref<1x32xi32, #tpu.memory_space<vmem>> -> memref<32xi32, #tpu.memory_space<vmem>>
        %dma_start3A_398 = arith.constant 0 : i32
        %dma_start3A_399 = arith.constant 0 : i32
        %dma_start3A_400 = tpu.memref_slice %arg8[%dma_start3A_398, %dma_start3A_399] : memref<12576x128xf32, #tpu.memory_space<vmem_shared>> -> memref<12576x128xf32, #tpu.memory_space<vmem_shared>>
        %dma_start3A_401 = tpu.memref_slice %arg22[%select_n3A_375] : memref<4x!tpu.dma_semaphore, #tpu.memory_space<semaphore_mem>> -> memref<1x!tpu.dma_semaphore, #tpu.memory_space<semaphore_mem>>
        %dma_start3A_402 = tpu.memref_squeeze %dma_start3A_401 : memref<1x!tpu.dma_semaphore, #tpu.memory_space<semaphore_mem>> -> memref<!tpu.dma_semaphore, #tpu.memory_space<semaphore_mem>>
        tpu.enqueue_indirect_dma source(%dma_start3A_394 : memref<32x128xf32, #tpu.memory_space<vmem>>) target(%dma_start3A_400 : memref<12576x128xf32, #tpu.memory_space<vmem_shared>>) offsets(%dma_start3A_397 : memref<32xi32, #tpu.memory_space<vmem>>) semaphore(%dma_start3A_402 : memref<!tpu.dma_semaphore, #tpu.memory_space<semaphore_mem>>) {add = true}
        %dma_start3A_403 = arith.constant 0 : i32
        %dma_start3A_404 = tpu.memref_slice %arg17[%while3A_358, %dma_start3A_403] : memref<30x32xi32, #tpu.memory_space<vmem>> -> memref<1x32xi32, #tpu.memory_space<vmem>>
        %dma_start3A_405 = tpu.memref_squeeze %dma_start3A_404 : memref<1x32xi32, #tpu.memory_space<vmem>> -> memref<32xi32, #tpu.memory_space<vmem>>
        %dma_start3A_406 = arith.constant 0 : i32
        %dma_start3A_407 = tpu.memref_slice %arg9[%dma_start3A_406] : memref<12576xf32, #tpu.memory_space<vmem_shared>> -> memref<12576xf32, #tpu.memory_space<vmem_shared>>
        %dma_start3A_408 = tpu.memref_slice %arg22[%select_n3A_375] : memref<4x!tpu.dma_semaphore, #tpu.memory_space<semaphore_mem>> -> memref<1x!tpu.dma_semaphore, #tpu.memory_space<semaphore_mem>>
        %dma_start3A_409 = tpu.memref_squeeze %dma_start3A_408 : memref<1x!tpu.dma_semaphore, #tpu.memory_space<semaphore_mem>> -> memref<!tpu.dma_semaphore, #tpu.memory_space<semaphore_mem>>
        tpu.enqueue_indirect_dma source(%arg19 : memref<32xf32, #tpu.memory_space<vmem>>) target(%dma_start3A_407 : memref<12576xf32, #tpu.memory_space<vmem_shared>>) offsets(%dma_start3A_405 : memref<32xi32, #tpu.memory_space<vmem>>) semaphore(%dma_start3A_409 : memref<!tpu.dma_semaphore, #tpu.memory_space<semaphore_mem>>) {add = true}
        %add3A_410 = arith.constant 4 : i32
        %add3A_411 = arith.addi %while3A_358, %add3A_410 : i32
        %lt3A_412 = arith.cmpi slt, %add3A_411, %select_n3A_294 : i32
        %convert_element_type3A_413 = arith.extui %lt3A_412 : i1 to i32
        %cond3A_414 = arith.constant 0 : i32
        %cond3A_415 = arith.cmpi ne, %convert_element_type3A_413, %cond3A_414 : i32
        scf.if %cond3A_415 {
          %dma_wait3A_417 = arith.constant 0 : i32
          %dma_wait3A_418 = arith.constant 0 : i32
          %dma_wait3A_419 = tpu.memref_slice %arg18[%select_n3A_375, %dma_wait3A_417, %dma_wait3A_418] : memref<4x32x128xf32, #tpu.memory_space<vmem>> -> memref<1x32x128xf32, #tpu.memory_space<vmem>>
          %dma_wait3A_420 = tpu.memref_squeeze %dma_wait3A_419 : memref<1x32x128xf32, #tpu.memory_space<vmem>> -> memref<32x128xf32, #tpu.memory_space<vmem>>
          %dma_wait3A_421 = arith.constant 0 : i32
          %dma_wait3A_422 = tpu.memref_slice %arg17[%while3A_358, %dma_wait3A_421] : memref<30x32xi32, #tpu.memory_space<vmem>> -> memref<1x32xi32, #tpu.memory_space<vmem>>
          %dma_wait3A_423 = tpu.memref_squeeze %dma_wait3A_422 : memref<1x32xi32, #tpu.memory_space<vmem>> -> memref<32xi32, #tpu.memory_space<vmem>>
          %dma_wait3A_424 = arith.constant 0 : i32
          %dma_wait3A_425 = arith.constant 0 : i32
          %dma_wait3A_426 = tpu.memref_slice %arg8[%dma_wait3A_424, %dma_wait3A_425] : memref<12576x128xf32, #tpu.memory_space<vmem_shared>> -> memref<12576x128xf32, #tpu.memory_space<vmem_shared>>
          %dma_wait3A_427 = tpu.memref_slice %arg22[%select_n3A_375] : memref<4x!tpu.dma_semaphore, #tpu.memory_space<semaphore_mem>> -> memref<1x!tpu.dma_semaphore, #tpu.memory_space<semaphore_mem>>
          %dma_wait3A_428 = tpu.memref_squeeze %dma_wait3A_427 : memref<1x!tpu.dma_semaphore, #tpu.memory_space<semaphore_mem>> -> memref<!tpu.dma_semaphore, #tpu.memory_space<semaphore_mem>>
          tpu.wait_indirect_dma semaphore(%dma_wait3A_428 : memref<!tpu.dma_semaphore, #tpu.memory_space<semaphore_mem>>) src(%dma_wait3A_420 : memref<32x128xf32, #tpu.memory_space<vmem>>) dst(%dma_wait3A_426 : memref<12576x128xf32, #tpu.memory_space<vmem_shared>>)
          %dma_wait3A_429 = arith.constant 0 : i32
          %dma_wait3A_430 = tpu.memref_slice %arg17[%while3A_358, %dma_wait3A_429] : memref<30x32xi32, #tpu.memory_space<vmem>> -> memref<1x32xi32, #tpu.memory_space<vmem>>
          %dma_wait3A_431 = tpu.memref_squeeze %dma_wait3A_430 : memref<1x32xi32, #tpu.memory_space<vmem>> -> memref<32xi32, #tpu.memory_space<vmem>>
          %dma_wait3A_432 = arith.constant 0 : i32
          %dma_wait3A_433 = tpu.memref_slice %arg9[%dma_wait3A_432] : memref<12576xf32, #tpu.memory_space<vmem_shared>> -> memref<12576xf32, #tpu.memory_space<vmem_shared>>
          %dma_wait3A_434 = tpu.memref_slice %arg22[%select_n3A_375] : memref<4x!tpu.dma_semaphore, #tpu.memory_space<semaphore_mem>> -> memref<1x!tpu.dma_semaphore, #tpu.memory_space<semaphore_mem>>
          %dma_wait3A_435 = tpu.memref_squeeze %dma_wait3A_434 : memref<1x!tpu.dma_semaphore, #tpu.memory_space<semaphore_mem>> -> memref<!tpu.dma_semaphore, #tpu.memory_space<semaphore_mem>>
          tpu.wait_indirect_dma semaphore(%dma_wait3A_435 : memref<!tpu.dma_semaphore, #tpu.memory_space<semaphore_mem>>) src(%arg19 : memref<32xf32, #tpu.memory_space<vmem>>) dst(%dma_wait3A_433 : memref<12576xf32, #tpu.memory_space<vmem_shared>>)
          %add3A_436 = arith.constant 4 : i32
          %add3A_437 = arith.addi %while3A_358, %add3A_436 : i32
          %mul3A_438 = arith.constant 32 : i32
          %mul3A_439 = arith.muli %add3A_437, %mul3A_438 : i32
          %multiple_of3A_440 = tpu.assume_multiple %mul3A_439, 32 : i32
          %dma_start3A_441 = arith.constant 0 : i32
          %dma_start3A_442 = arith.constant 0 : i32
          %dma_start3A_443 = tpu.memref_slice %arg18[%select_n3A_375, %dma_start3A_441, %dma_start3A_442] : memref<4x32x128xf32, #tpu.memory_space<vmem>> -> memref<1x32x128xf32, #tpu.memory_space<vmem>>
          %dma_start3A_444 = tpu.memref_squeeze %dma_start3A_443 : memref<1x32x128xf32, #tpu.memory_space<vmem>> -> memref<32x128xf32, #tpu.memory_space<vmem>>
          %dma_start3A_445 = tpu.memref_slice %arg16[%multiple_of3A_440] : memref<992xi32, #tpu.memory_space<vmem>> -> memref<32xi32, #tpu.memory_space<vmem>>
          %dma_start3A_446 = arith.constant 0 : i32
          %dma_start3A_447 = arith.constant 0 : i32
          %dma_start3A_448 = tpu.memref_slice %arg2[%select_n3A, %dma_start3A_446, %dma_start3A_447] : memref<8x50000x128xf32, #tpu.memory_space<hbm>> -> memref<1x50000x128xf32, #tpu.memory_space<hbm>>
          %dma_start3A_449 = tpu.memref_squeeze %dma_start3A_448 : memref<1x50000x128xf32, #tpu.memory_space<hbm>> -> memref<50000x128xf32, #tpu.memory_space<hbm>>
          %dma_start3A_450 = arith.constant 0 : i32
          %dma_start3A_451 = arith.constant 0 : i32
          %dma_start3A_452 = tpu.memref_slice %dma_start3A_449[%dma_start3A_450, %dma_start3A_451] : memref<50000x128xf32, #tpu.memory_space<hbm>> -> memref<50000x128xf32, #tpu.memory_space<hbm>>
          %dma_start3A_453 = tpu.memref_slice %arg21[%select_n3A_375] : memref<4x!tpu.dma_semaphore, #tpu.memory_space<semaphore_mem>> -> memref<1x!tpu.dma_semaphore, #tpu.memory_space<semaphore_mem>>
          %dma_start3A_454 = tpu.memref_squeeze %dma_start3A_453 : memref<1x!tpu.dma_semaphore, #tpu.memory_space<semaphore_mem>> -> memref<!tpu.dma_semaphore, #tpu.memory_space<semaphore_mem>>
          tpu.enqueue_indirect_dma source(%dma_start3A_452 : memref<50000x128xf32, #tpu.memory_space<hbm>>) target(%dma_start3A_444 : memref<32x128xf32, #tpu.memory_space<vmem>>) offsets(%dma_start3A_445 : memref<32xi32, #tpu.memory_space<vmem>>) semaphore(%dma_start3A_454 : memref<!tpu.dma_semaphore, #tpu.memory_space<semaphore_mem>>)
        } else {
        }
        %while3A_416 = arith.constant 0 : i32
        scf.yield %while3A_416 : i32
      }
      %while3A_355 = arith.constant 1 : i32
      %while3A_356 = scf.for %while3A_358 = %while3A_352 to %while3A_348 step %while3A_355 iter_args(%while3A_359 = %while3A_354) -> (i32)  : i32 {
        %jit3A_360 = arith.constant 4 : i32
        %eq3A_361 = arith.constant 0 : i32
        %eq3A_362 = arith.cmpi eq, %jit3A_360, %eq3A_361 : i32
        %jit3A_363 = arith.constant 1 : i32
        %select_n3A_364 = arith.select %eq3A_362, %jit3A_363, %jit3A_360 : i32
        %rem3A_365 = arith.remsi %while3A_358, %select_n3A_364 : i32
        %ne3A_366 = arith.constant 0 : i32
        %ne3A_367 = arith.cmpi ne, %rem3A_365, %ne3A_366 : i32
        %lt3A_368 = arith.constant 0 : i32
        %lt3A_369 = arith.cmpi slt, %rem3A_365, %lt3A_368 : i32
        %lt3A_370 = arith.constant 0 : i32
        %lt3A_371 = arith.cmpi slt, %select_n3A_364, %lt3A_370 : i32
        %ne3A_372 = arith.xori %lt3A_369, %lt3A_371 : i1
        %and3A_373 = arith.andi %ne3A_372, %ne3A_367 : i1
        %add3A_374 = arith.addi %rem3A_365, %select_n3A_364 : i32
        %select_n3A_375 = arith.select %and3A_373, %add3A_374, %rem3A_365 : i32
        %dma_wait3A_376 = arith.constant 0 : i32
        %dma_wait3A_377 = arith.constant 0 : i32
        %dma_wait3A_378 = tpu.memref_slice %arg18[%select_n3A_375, %dma_wait3A_376, %dma_wait3A_377] : memref<4x32x128xf32, #tpu.memory_space<vmem>> -> memref<1x32x128xf32, #tpu.memory_space<vmem>>
        %dma_wait3A_379 = tpu.memref_squeeze %dma_wait3A_378 : memref<1x32x128xf32, #tpu.memory_space<vmem>> -> memref<32x128xf32, #tpu.memory_space<vmem>>
        %dma_wait3A_380 = arith.constant 0 : i32
        %dma_wait3A_381 = tpu.memref_slice %arg16[%dma_wait3A_380] : memref<992xi32, #tpu.memory_space<vmem>> -> memref<32xi32, #tpu.memory_space<vmem>>
        %dma_wait3A_382 = arith.constant 0 : i32
        %dma_wait3A_383 = arith.constant 0 : i32
        %dma_wait3A_384 = tpu.memref_slice %arg2[%select_n3A, %dma_wait3A_382, %dma_wait3A_383] : memref<8x50000x128xf32, #tpu.memory_space<hbm>> -> memref<1x50000x128xf32, #tpu.memory_space<hbm>>
        %dma_wait3A_385 = tpu.memref_squeeze %dma_wait3A_384 : memref<1x50000x128xf32, #tpu.memory_space<hbm>> -> memref<50000x128xf32, #tpu.memory_space<hbm>>
        %dma_wait3A_386 = arith.constant 0 : i32
        %dma_wait3A_387 = arith.constant 0 : i32
        %dma_wait3A_388 = tpu.memref_slice %dma_wait3A_385[%dma_wait3A_386, %dma_wait3A_387] : memref<50000x128xf32, #tpu.memory_space<hbm>> -> memref<50000x128xf32, #tpu.memory_space<hbm>>
        %dma_wait3A_389 = tpu.memref_slice %arg21[%select_n3A_375] : memref<4x!tpu.dma_semaphore, #tpu.memory_space<semaphore_mem>> -> memref<1x!tpu.dma_semaphore, #tpu.memory_space<semaphore_mem>>
        %dma_wait3A_390 = tpu.memref_squeeze %dma_wait3A_389 : memref<1x!tpu.dma_semaphore, #tpu.memory_space<semaphore_mem>> -> memref<!tpu.dma_semaphore, #tpu.memory_space<semaphore_mem>>
        tpu.wait_indirect_dma semaphore(%dma_wait3A_390 : memref<!tpu.dma_semaphore, #tpu.memory_space<semaphore_mem>>) src(%dma_wait3A_388 : memref<50000x128xf32, #tpu.memory_space<hbm>>) dst(%dma_wait3A_379 : memref<32x128xf32, #tpu.memory_space<vmem>>)
        %dma_start3A_391 = arith.constant 0 : i32
        %dma_start3A_392 = arith.constant 0 : i32
        %dma_start3A_393 = tpu.memref_slice %arg18[%select_n3A_375, %dma_start3A_391, %dma_start3A_392] : memref<4x32x128xf32, #tpu.memory_space<vmem>> -> memref<1x32x128xf32, #tpu.memory_space<vmem>>
        %dma_start3A_394 = tpu.memref_squeeze %dma_start3A_393 : memref<1x32x128xf32, #tpu.memory_space<vmem>> -> memref<32x128xf32, #tpu.memory_space<vmem>>
        %dma_start3A_395 = arith.constant 0 : i32
        %dma_start3A_396 = tpu.memref_slice %arg17[%while3A_358, %dma_start3A_395] : memref<30x32xi32, #tpu.memory_space<vmem>> -> memref<1x32xi32, #tpu.memory_space<vmem>>
        %dma_start3A_397 = tpu.memref_squeeze %dma_start3A_396 : memref<1x32xi32, #tpu.memory_space<vmem>> -> memref<32xi32, #tpu.memory_space<vmem>>
        %dma_start3A_398 = arith.constant 0 : i32
        %dma_start3A_399 = arith.constant 0 : i32
        %dma_start3A_400 = tpu.memref_slice %arg8[%dma_start3A_398, %dma_start3A_399] : memref<12576x128xf32, #tpu.memory_space<vmem_shared>> -> memref<12576x128xf32, #tpu.memory_space<vmem_shared>>
        %dma_start3A_401 = tpu.memref_slice %arg22[%select_n3A_375] : memref<4x!tpu.dma_semaphore, #tpu.memory_space<semaphore_mem>> -> memref<1x!tpu.dma_semaphore, #tpu.memory_space<semaphore_mem>>
        %dma_start3A_402 = tpu.memref_squeeze %dma_start3A_401 : memref<1x!tpu.dma_semaphore, #tpu.memory_space<semaphore_mem>> -> memref<!tpu.dma_semaphore, #tpu.memory_space<semaphore_mem>>
        tpu.enqueue_indirect_dma source(%dma_start3A_394 : memref<32x128xf32, #tpu.memory_space<vmem>>) target(%dma_start3A_400 : memref<12576x128xf32, #tpu.memory_space<vmem_shared>>) offsets(%dma_start3A_397 : memref<32xi32, #tpu.memory_space<vmem>>) semaphore(%dma_start3A_402 : memref<!tpu.dma_semaphore, #tpu.memory_space<semaphore_mem>>) {add = true}
        %dma_start3A_403 = arith.constant 0 : i32
        %dma_start3A_404 = tpu.memref_slice %arg17[%while3A_358, %dma_start3A_403] : memref<30x32xi32, #tpu.memory_space<vmem>> -> memref<1x32xi32, #tpu.memory_space<vmem>>
        %dma_start3A_405 = tpu.memref_squeeze %dma_start3A_404 : memref<1x32xi32, #tpu.memory_space<vmem>> -> memref<32xi32, #tpu.memory_space<vmem>>
        %dma_start3A_406 = arith.constant 0 : i32
        %dma_start3A_407 = tpu.memref_slice %arg9[%dma_start3A_406] : memref<12576xf32, #tpu.memory_space<vmem_shared>> -> memref<12576xf32, #tpu.memory_space<vmem_shared>>
        %dma_start3A_408 = tpu.memref_slice %arg22[%select_n3A_375] : memref<4x!tpu.dma_semaphore, #tpu.memory_space<semaphore_mem>> -> memref<1x!tpu.dma_semaphore, #tpu.memory_space<semaphore_mem>>
        %dma_start3A_409 = tpu.memref_squeeze %dma_start3A_408 : memref<1x!tpu.dma_semaphore, #tpu.memory_space<semaphore_mem>> -> memref<!tpu.dma_semaphore, #tpu.memory_space<semaphore_mem>>
        tpu.enqueue_indirect_dma source(%arg19 : memref<32xf32, #tpu.memory_space<vmem>>) target(%dma_start3A_407 : memref<12576xf32, #tpu.memory_space<vmem_shared>>) offsets(%dma_start3A_405 : memref<32xi32, #tpu.memory_space<vmem>>) semaphore(%dma_start3A_409 : memref<!tpu.dma_semaphore, #tpu.memory_space<semaphore_mem>>) {add = true}
        %add3A_410 = arith.constant 4 : i32
        %add3A_411 = arith.addi %while3A_358, %add3A_410 : i32
        %lt3A_412 = arith.cmpi slt, %add3A_411, %select_n3A_294 : i32
        %convert_element_type3A_413 = arith.extui %lt3A_412 : i1 to i32
        %cond3A_414 = arith.constant 0 : i32
        %cond3A_415 = arith.cmpi ne, %convert_element_type3A_413, %cond3A_414 : i32
        scf.if %cond3A_415 {
          %dma_wait3A_417 = arith.constant 0 : i32
          %dma_wait3A_418 = arith.constant 0 : i32
          %dma_wait3A_419 = tpu.memref_slice %arg18[%select_n3A_375, %dma_wait3A_417, %dma_wait3A_418] : memref<4x32x128xf32, #tpu.memory_space<vmem>> -> memref<1x32x128xf32, #tpu.memory_space<vmem>>
          %dma_wait3A_420 = tpu.memref_squeeze %dma_wait3A_419 : memref<1x32x128xf32, #tpu.memory_space<vmem>> -> memref<32x128xf32, #tpu.memory_space<vmem>>
          %dma_wait3A_421 = arith.constant 0 : i32
          %dma_wait3A_422 = tpu.memref_slice %arg17[%while3A_358, %dma_wait3A_421] : memref<30x32xi32, #tpu.memory_space<vmem>> -> memref<1x32xi32, #tpu.memory_space<vmem>>
          %dma_wait3A_423 = tpu.memref_squeeze %dma_wait3A_422 : memref<1x32xi32, #tpu.memory_space<vmem>> -> memref<32xi32, #tpu.memory_space<vmem>>
          %dma_wait3A_424 = arith.constant 0 : i32
          %dma_wait3A_425 = arith.constant 0 : i32
          %dma_wait3A_426 = tpu.memref_slice %arg8[%dma_wait3A_424, %dma_wait3A_425] : memref<12576x128xf32, #tpu.memory_space<vmem_shared>> -> memref<12576x128xf32, #tpu.memory_space<vmem_shared>>
          %dma_wait3A_427 = tpu.memref_slice %arg22[%select_n3A_375] : memref<4x!tpu.dma_semaphore, #tpu.memory_space<semaphore_mem>> -> memref<1x!tpu.dma_semaphore, #tpu.memory_space<semaphore_mem>>
          %dma_wait3A_428 = tpu.memref_squeeze %dma_wait3A_427 : memref<1x!tpu.dma_semaphore, #tpu.memory_space<semaphore_mem>> -> memref<!tpu.dma_semaphore, #tpu.memory_space<semaphore_mem>>
          tpu.wait_indirect_dma semaphore(%dma_wait3A_428 : memref<!tpu.dma_semaphore, #tpu.memory_space<semaphore_mem>>) src(%dma_wait3A_420 : memref<32x128xf32, #tpu.memory_space<vmem>>) dst(%dma_wait3A_426 : memref<12576x128xf32, #tpu.memory_space<vmem_shared>>)
          %dma_wait3A_429 = arith.constant 0 : i32
          %dma_wait3A_430 = tpu.memref_slice %arg17[%while3A_358, %dma_wait3A_429] : memref<30x32xi32, #tpu.memory_space<vmem>> -> memref<1x32xi32, #tpu.memory_space<vmem>>
          %dma_wait3A_431 = tpu.memref_squeeze %dma_wait3A_430 : memref<1x32xi32, #tpu.memory_space<vmem>> -> memref<32xi32, #tpu.memory_space<vmem>>
          %dma_wait3A_432 = arith.constant 0 : i32
          %dma_wait3A_433 = tpu.memref_slice %arg9[%dma_wait3A_432] : memref<12576xf32, #tpu.memory_space<vmem_shared>> -> memref<12576xf32, #tpu.memory_space<vmem_shared>>
          %dma_wait3A_434 = tpu.memref_slice %arg22[%select_n3A_375] : memref<4x!tpu.dma_semaphore, #tpu.memory_space<semaphore_mem>> -> memref<1x!tpu.dma_semaphore, #tpu.memory_space<semaphore_mem>>
          %dma_wait3A_435 = tpu.memref_squeeze %dma_wait3A_434 : memref<1x!tpu.dma_semaphore, #tpu.memory_space<semaphore_mem>> -> memref<!tpu.dma_semaphore, #tpu.memory_space<semaphore_mem>>
          tpu.wait_indirect_dma semaphore(%dma_wait3A_435 : memref<!tpu.dma_semaphore, #tpu.memory_space<semaphore_mem>>) src(%arg19 : memref<32xf32, #tpu.memory_space<vmem>>) dst(%dma_wait3A_433 : memref<12576xf32, #tpu.memory_space<vmem_shared>>)
          %add3A_436 = arith.constant 4 : i32
          %add3A_437 = arith.addi %while3A_358, %add3A_436 : i32
          %mul3A_438 = arith.constant 32 : i32
          %mul3A_439 = arith.muli %add3A_437, %mul3A_438 : i32
          %multiple_of3A_440 = tpu.assume_multiple %mul3A_439, 32 : i32
          %dma_start3A_441 = arith.constant 0 : i32
          %dma_start3A_442 = arith.constant 0 : i32
          %dma_start3A_443 = tpu.memref_slice %arg18[%select_n3A_375, %dma_start3A_441, %dma_start3A_442] : memref<4x32x128xf32, #tpu.memory_space<vmem>> -> memref<1x32x128xf32, #tpu.memory_space<vmem>>
          %dma_start3A_444 = tpu.memref_squeeze %dma_start3A_443 : memref<1x32x128xf32, #tpu.memory_space<vmem>> -> memref<32x128xf32, #tpu.memory_space<vmem>>
          %dma_start3A_445 = tpu.memref_slice %arg16[%multiple_of3A_440] : memref<992xi32, #tpu.memory_space<vmem>> -> memref<32xi32, #tpu.memory_space<vmem>>
          %dma_start3A_446 = arith.constant 0 : i32
          %dma_start3A_447 = arith.constant 0 : i32
          %dma_start3A_448 = tpu.memref_slice %arg2[%select_n3A, %dma_start3A_446, %dma_start3A_447] : memref<8x50000x128xf32, #tpu.memory_space<hbm>> -> memref<1x50000x128xf32, #tpu.memory_space<hbm>>
          %dma_start3A_449 = tpu.memref_squeeze %dma_start3A_448 : memref<1x50000x128xf32, #tpu.memory_space<hbm>> -> memref<50000x128xf32, #tpu.memory_space<hbm>>
          %dma_start3A_450 = arith.constant 0 : i32
          %dma_start3A_451 = arith.constant 0 : i32
          %dma_start3A_452 = tpu.memref_slice %dma_start3A_449[%dma_start3A_450, %dma_start3A_451] : memref<50000x128xf32, #tpu.memory_space<hbm>> -> memref<50000x128xf32, #tpu.memory_space<hbm>>
          %dma_start3A_453 = tpu.memref_slice %arg21[%select_n3A_375] : memref<4x!tpu.dma_semaphore, #tpu.memory_space<semaphore_mem>> -> memref<1x!tpu.dma_semaphore, #tpu.memory_space<semaphore_mem>>
          %dma_start3A_454 = tpu.memref_squeeze %dma_start3A_453 : memref<1x!tpu.dma_semaphore, #tpu.memory_space<semaphore_mem>> -> memref<!tpu.dma_semaphore, #tpu.memory_space<semaphore_mem>>
          tpu.enqueue_indirect_dma source(%dma_start3A_452 : memref<50000x128xf32, #tpu.memory_space<hbm>>) target(%dma_start3A_444 : memref<32x128xf32, #tpu.memory_space<vmem>>) offsets(%dma_start3A_445 : memref<32xi32, #tpu.memory_space<vmem>>) semaphore(%dma_start3A_454 : memref<!tpu.dma_semaphore, #tpu.memory_space<semaphore_mem>>)
        } else {
        }
        %while3A_416 = arith.constant 0 : i32
        scf.yield %while3A_416 : i32
      }
      %min3A = arith.constant 4 : i32
      %min3A_357 = arith.minsi %select_n3A_294, %min3A : i32
      scf.yield %min3A_357 : i32
    }
    %scan3A_51 = arith.constant 80 : i32
    %scan3A_52 = arith.constant 0 : i32
    %scan3A_53 = arith.constant 0 : i32
    %scan3A_54 = arith.constant 4 : i32
    %scan3A_55 = arith.addi %scan3A_53, %scan3A_54 : i32
    %scan3A_56 = arith.constant 1 : i32
    %scan3A_57 = scf.for %scan3A_148 = %scan3A_53 to %scan3A_55 step %scan3A_56 iter_args(%scan3A_149 = %scan3A_52) -> (i32)  : i32 {
      %lt3A = arith.cmpi slt, %scan3A_148, %scan3A_50 : i32
      %convert_element_type3A_150 = arith.extui %lt3A : i1 to i32
      %cond3A_151 = arith.constant 0 : i32
      %cond3A_152 = arith.cmpi ne, %convert_element_type3A_150, %cond3A_151 : i32
      scf.if %cond3A_152 {
        %dma_wait3A_154 = arith.constant 0 : i32
        %dma_wait3A_155 = arith.constant 0 : i32
        %dma_wait3A_156 = arith.constant 0 : i32
        %dma_wait3A_157 = tpu.memref_slice %arg18[%scan3A_148, %dma_wait3A_155, %dma_wait3A_156] : memref<4x32x128xf32, #tpu.memory_space<vmem>> -> memref<1x32x128xf32, #tpu.memory_space<vmem>>
        %dma_wait3A_158 = tpu.memref_squeeze %dma_wait3A_157 : memref<1x32x128xf32, #tpu.memory_space<vmem>> -> memref<32x128xf32, #tpu.memory_space<vmem>>
        %dma_wait3A_159 = arith.constant 0 : i32
        %dma_wait3A_160 = tpu.memref_slice %arg17[%dma_wait3A_154, %dma_wait3A_159] : memref<30x32xi32, #tpu.memory_space<vmem>> -> memref<1x32xi32, #tpu.memory_space<vmem>>
        %dma_wait3A_161 = tpu.memref_squeeze %dma_wait3A_160 : memref<1x32xi32, #tpu.memory_space<vmem>> -> memref<32xi32, #tpu.memory_space<vmem>>
        %dma_wait3A_162 = arith.constant 0 : i32
        %dma_wait3A_163 = arith.constant 0 : i32
        %dma_wait3A_164 = tpu.memref_slice %arg8[%dma_wait3A_162, %dma_wait3A_163] : memref<12576x128xf32, #tpu.memory_space<vmem_shared>> -> memref<12576x128xf32, #tpu.memory_space<vmem_shared>>
        %dma_wait3A_165 = tpu.memref_slice %arg22[%scan3A_148] : memref<4x!tpu.dma_semaphore, #tpu.memory_space<semaphore_mem>> -> memref<1x!tpu.dma_semaphore, #tpu.memory_space<semaphore_mem>>
        %dma_wait3A_166 = tpu.memref_squeeze %dma_wait3A_165 : memref<1x!tpu.dma_semaphore, #tpu.memory_space<semaphore_mem>> -> memref<!tpu.dma_semaphore, #tpu.memory_space<semaphore_mem>>
        tpu.wait_indirect_dma semaphore(%dma_wait3A_166 : memref<!tpu.dma_semaphore, #tpu.memory_space<semaphore_mem>>) src(%dma_wait3A_158 : memref<32x128xf32, #tpu.memory_space<vmem>>) dst(%dma_wait3A_164 : memref<12576x128xf32, #tpu.memory_space<vmem_shared>>)
        %dma_wait3A_167 = arith.constant 0 : i32
        %dma_wait3A_168 = arith.constant 0 : i32
        %dma_wait3A_169 = tpu.memref_slice %arg17[%dma_wait3A_167, %dma_wait3A_168] : memref<30x32xi32, #tpu.memory_space<vmem>> -> memref<1x32xi32, #tpu.memory_space<vmem>>
        %dma_wait3A_170 = tpu.memref_squeeze %dma_wait3A_169 : memref<1x32xi32, #tpu.memory_space<vmem>> -> memref<32xi32, #tpu.memory_space<vmem>>
        %dma_wait3A_171 = arith.constant 0 : i32
        %dma_wait3A_172 = tpu.memref_slice %arg9[%dma_wait3A_171] : memref<12576xf32, #tpu.memory_space<vmem_shared>> -> memref<12576xf32, #tpu.memory_space<vmem_shared>>
        %dma_wait3A_173 = tpu.memref_slice %arg22[%scan3A_148] : memref<4x!tpu.dma_semaphore, #tpu.memory_space<semaphore_mem>> -> memref<1x!tpu.dma_semaphore, #tpu.memory_space<semaphore_mem>>
        %dma_wait3A_174 = tpu.memref_squeeze %dma_wait3A_173 : memref<1x!tpu.dma_semaphore, #tpu.memory_space<semaphore_mem>> -> memref<!tpu.dma_semaphore, #tpu.memory_space<semaphore_mem>>
        tpu.wait_indirect_dma semaphore(%dma_wait3A_174 : memref<!tpu.dma_semaphore, #tpu.memory_space<semaphore_mem>>) src(%arg19 : memref<32xf32, #tpu.memory_space<vmem>>) dst(%dma_wait3A_172 : memref<12576xf32, #tpu.memory_space<vmem_shared>>)
      } else {
      }
      %scan3A_153 = arith.constant 0 : i32
      scf.yield %scan3A_153 : i32
    }
    %scan3A_58 = arith.constant 4 : i32
    %barrier3A_59 = arith.constant 0 : index
    tpu.barrier barrier_id(%barrier3A_59)
    %mul3A_60 = arith.constant 12544 : i32
    %mul3A_61 = arith.muli %add3A_15, %mul3A_60 : i32
    %add3A_62 = arith.addi %mul3A_61, %multiple_of3A_20 : i32
    %multiple_of3A_63 = tpu.assume_multiple %add3A_62, 16 : i32
    %eq3A = arith.constant 3 : i32
    %eq3A_64 = arith.cmpi eq, %add3A_15, %eq3A : i32
    %eq3A_65 = arith.constant 15 : i32
    %eq3A_66 = arith.cmpi eq, %arg1, %eq3A_65 : i32
    %and3A = arith.andi %eq3A_64, %eq3A_66 : i1
    %not3A = arith.constant true
    %not3A_67 = arith.xori %and3A, %not3A : i1
    %convert_element_type3A = arith.extui %not3A_67 : i1 to i32
    %cond3A = arith.constant 0 : i32
    %cond3A_68 = arith.cmpi ne, %convert_element_type3A, %cond3A : i32
    scf.if %cond3A_68 {
      "tpu.region"() ({
        %run_scoped3A = tpu.sem_alloc : memref<!tpu.dma_semaphore, #tpu.memory_space<semaphore_mem>>
        %dma_start3A_148 = arith.constant 0 : i32
        %dma_start3A_149 = tpu.memref_slice %arg6[%multiple_of3A_63, %dma_start3A_148] : memref<50000x128xf32, #tpu.memory_space<hbm>> -> memref<784x128xf32, #tpu.memory_space<hbm>>
        %dma_start3A_150 = arith.constant 0 : i32
        %dma_start3A_151 = tpu.memref_slice %arg8[%multiple_of3A_20, %dma_start3A_150] : memref<12576x128xf32, #tpu.memory_space<vmem_shared>> -> memref<784x128xf32, #tpu.memory_space<vmem_shared>>
        tpu.enqueue_dma source(%dma_start3A_151 : memref<784x128xf32, #tpu.memory_space<vmem_shared>>) target(%dma_start3A_149 : memref<784x128xf32, #tpu.memory_space<hbm>>) target_semaphore(%run_scoped3A : memref<!tpu.dma_semaphore, #tpu.memory_space<semaphore_mem>>)
        %dma_wait3A_152 = arith.constant 0 : i32
        %dma_wait3A_153 = tpu.memref_slice %arg6[%multiple_of3A_63, %dma_wait3A_152] : memref<50000x128xf32, #tpu.memory_space<hbm>> -> memref<784x128xf32, #tpu.memory_space<hbm>>
        %dma_wait3A_154 = arith.constant 0 : i32
        %dma_wait3A_155 = tpu.memref_slice %arg8[%multiple_of3A_20, %dma_wait3A_154] : memref<12576x128xf32, #tpu.memory_space<vmem_shared>> -> memref<784x128xf32, #tpu.memory_space<vmem_shared>>
        tpu.wait_dma2 semaphore(%run_scoped3A : memref<!tpu.dma_semaphore, #tpu.memory_space<semaphore_mem>>) src(%dma_wait3A_155 : memref<784x128xf32, #tpu.memory_space<vmem_shared>>) dst(%dma_wait3A_153 : memref<784x128xf32, #tpu.memory_space<hbm>>)
        tpu.yield
      }) : () -> ()
    } else {
    }
    %convert_element_type3A_69 = arith.extui %and3A : i1 to i32
    %cond3A_70 = arith.constant 0 : i32
    %cond3A_71 = arith.cmpi ne, %convert_element_type3A_69, %cond3A_70 : i32
    scf.if %cond3A_71 {
      "tpu.region"() ({
        %run_scoped3A = tpu.sem_alloc : memref<!tpu.dma_semaphore, #tpu.memory_space<semaphore_mem>>
        %dma_start3A_148 = arith.constant 0 : i32
        %dma_start3A_149 = tpu.memref_slice %arg6[%multiple_of3A_63, %dma_start3A_148] : memref<50000x128xf32, #tpu.memory_space<hbm>> -> memref<608x128xf32, #tpu.memory_space<hbm>>
        %dma_start3A_150 = arith.constant 0 : i32
        %dma_start3A_151 = tpu.memref_slice %arg8[%multiple_of3A_20, %dma_start3A_150] : memref<12576x128xf32, #tpu.memory_space<vmem_shared>> -> memref<608x128xf32, #tpu.memory_space<vmem_shared>>
        tpu.enqueue_dma source(%dma_start3A_151 : memref<608x128xf32, #tpu.memory_space<vmem_shared>>) target(%dma_start3A_149 : memref<608x128xf32, #tpu.memory_space<hbm>>) target_semaphore(%run_scoped3A : memref<!tpu.dma_semaphore, #tpu.memory_space<semaphore_mem>>)
        %dma_wait3A_152 = arith.constant 0 : i32
        %dma_wait3A_153 = tpu.memref_slice %arg6[%multiple_of3A_63, %dma_wait3A_152] : memref<50000x128xf32, #tpu.memory_space<hbm>> -> memref<608x128xf32, #tpu.memory_space<hbm>>
        %dma_wait3A_154 = arith.constant 0 : i32
        %dma_wait3A_155 = tpu.memref_slice %arg8[%multiple_of3A_20, %dma_wait3A_154] : memref<12576x128xf32, #tpu.memory_space<vmem_shared>> -> memref<608x128xf32, #tpu.memory_space<vmem_shared>>
        tpu.wait_dma2 semaphore(%run_scoped3A : memref<!tpu.dma_semaphore, #tpu.memory_space<semaphore_mem>>) src(%dma_wait3A_155 : memref<608x128xf32, #tpu.memory_space<vmem_shared>>) dst(%dma_wait3A_153 : memref<608x128xf32, #tpu.memory_space<hbm>>)
        tpu.yield
      }) : () -> ()
    } else {
    }
    %dma_start3A_72 = arith.constant 0 : i32
    %dma_start3A_73 = tpu.memref_slice %arg9[%dma_start3A_72] : memref<12576xf32, #tpu.memory_space<vmem_shared>> -> memref<12576xf32, #tpu.memory_space<vmem_shared>>
    tpu.enqueue_indirect_dma source(%dma_start3A_73 : memref<12576xf32, #tpu.memory_space<vmem_shared>>) target(%arg12 : memref<784xf32, #tpu.memory_space<vmem>>) offsets(%arg10 : memref<784xi32, #tpu.memory_space<vmem>>) semaphore(%arg20 : memref<!tpu.dma_semaphore, #tpu.memory_space<semaphore_mem>>)
    %dma_wait3A = arith.constant 0 : i32
    %dma_wait3A_74 = tpu.memref_slice %arg9[%dma_wait3A] : memref<12576xf32, #tpu.memory_space<vmem_shared>> -> memref<12576xf32, #tpu.memory_space<vmem_shared>>
    tpu.wait_indirect_dma semaphore(%arg20 : memref<!tpu.dma_semaphore, #tpu.memory_space<semaphore_mem>>) src(%dma_wait3A_74 : memref<12576xf32, #tpu.memory_space<vmem_shared>>) dst(%arg12 : memref<784xf32, #tpu.memory_space<vmem>>)
    "tpu.region"() ({
      %run_scoped3A = tpu.sem_alloc : memref<!tpu.dma_semaphore, #tpu.memory_space<semaphore_mem>>
      %dma_start3A_148 = tpu.memref_slice %arg7[%multiple_of3A_63] : memref<50176xf32, #tpu.memory_space<hbm>> -> memref<784xf32, #tpu.memory_space<hbm>>
      %dma_start3A_149 = tpu.memref_slice %arg7[%multiple_of3A_63] : memref<50176xf32, #tpu.memory_space<hbm>> -> memref<784xf32, #tpu.memory_space<hbm>>
      tpu.enqueue_dma source(%arg12 : memref<784xf32, #tpu.memory_space<vmem>>) target(%dma_start3A_149 : memref<784xf32, #tpu.memory_space<hbm>>) target_semaphore(%run_scoped3A : memref<!tpu.dma_semaphore, #tpu.memory_space<semaphore_mem>>)
      %dma_wait3A_150 = tpu.memref_slice %arg7[%multiple_of3A_63] : memref<50176xf32, #tpu.memory_space<hbm>> -> memref<784xf32, #tpu.memory_space<hbm>>
      %dma_wait3A_151 = tpu.memref_slice %arg7[%multiple_of3A_63] : memref<50176xf32, #tpu.memory_space<hbm>> -> memref<784xf32, #tpu.memory_space<hbm>>
      tpu.wait_dma2 semaphore(%run_scoped3A : memref<!tpu.dma_semaphore, #tpu.memory_space<semaphore_mem>>) src(%arg12 : memref<784xf32, #tpu.memory_space<vmem>>) dst(%dma_wait3A_151 : memref<784xf32, #tpu.memory_space<hbm>>)
      tpu.yield
    }) : () -> ()
    %barrier3A_75 = arith.constant 0 : index
    tpu.barrier barrier_id(%barrier3A_75)
    %mul3A_76 = arith.constant 2 : i32
    %mul3A_77 = arith.muli %mul3A_76, %arg0 : i32
    %add3A_78 = arith.constant 1 : i32
    %add3A_79 = arith.addi %mul3A_77, %add3A_78 : i32
    %mul3A_80 = arith.constant 12544 : i32
    %mul3A_81 = arith.muli %add3A_79, %mul3A_80 : i32
    %mul3A_82 = arith.constant 784 : i32
    %mul3A_83 = arith.muli %arg1, %mul3A_82 : i32
    %multiple_of3A_84 = tpu.assume_multiple %mul3A_83, 16 : i32
    "tpu.region"() ({
      %run_scoped3A = tpu.sem_alloc : memref<!tpu.dma_semaphore, #tpu.memory_space<semaphore_mem>>
      %dma_start3A_148 = arith.constant 0 : i32
      %dma_start3A_149 = tpu.memref_slice %arg8[%multiple_of3A_84, %dma_start3A_148] : memref<12576x128xf32, #tpu.memory_space<vmem_shared>> -> memref<784x128xf32, #tpu.memory_space<vmem_shared>>
      tpu.enqueue_dma source(%arg5 : memref<784x128xf32, #tpu.memory_space<hbm>>) target(%dma_start3A_149 : memref<784x128xf32, #tpu.memory_space<vmem_shared>>) target_semaphore(%run_scoped3A : memref<!tpu.dma_semaphore, #tpu.memory_space<semaphore_mem>>)
      %dma_wait3A_150 = arith.constant 0 : i32
      %dma_wait3A_151 = tpu.memref_slice %arg8[%multiple_of3A_84, %dma_wait3A_150] : memref<12576x128xf32, #tpu.memory_space<vmem_shared>> -> memref<784x128xf32, #tpu.memory_space<vmem_shared>>
      tpu.wait_dma2 semaphore(%run_scoped3A : memref<!tpu.dma_semaphore, #tpu.memory_space<semaphore_mem>>) src(%arg5 : memref<784x128xf32, #tpu.memory_space<hbm>>) dst(%dma_wait3A_151 : memref<784x128xf32, #tpu.memory_space<vmem_shared>>)
      tpu.yield
    }) : () -> ()
    "tpu.region"() ({
      %run_scoped3A = tpu.sem_alloc : memref<!tpu.dma_semaphore, #tpu.memory_space<semaphore_mem>>
      %dma_start3A_148 = arith.constant 0 : i32
      %dma_start3A_149 = tpu.memref_slice %arg9[%dma_start3A_148] : memref<12576xf32, #tpu.memory_space<vmem_shared>> -> memref<12576xf32, #tpu.memory_space<vmem_shared>>
      tpu.enqueue_indirect_dma source(%arg11 : memref<784xf32, #tpu.memory_space<vmem>>) target(%dma_start3A_149 : memref<12576xf32, #tpu.memory_space<vmem_shared>>) offsets(%arg10 : memref<784xi32, #tpu.memory_space<vmem>>) semaphore(%run_scoped3A : memref<!tpu.dma_semaphore, #tpu.memory_space<semaphore_mem>>)
      %dma_wait3A_150 = arith.constant 0 : i32
      %dma_wait3A_151 = tpu.memref_slice %arg9[%dma_wait3A_150] : memref<12576xf32, #tpu.memory_space<vmem_shared>> -> memref<12576xf32, #tpu.memory_space<vmem_shared>>
      tpu.wait_indirect_dma semaphore(%run_scoped3A : memref<!tpu.dma_semaphore, #tpu.memory_space<semaphore_mem>>) src(%arg11 : memref<784xf32, #tpu.memory_space<vmem>>) dst(%dma_wait3A_151 : memref<12576xf32, #tpu.memory_space<vmem_shared>>)
      tpu.yield
    }) : () -> ()
    %barrier3A_85 = arith.constant 0 : index
    tpu.barrier barrier_id(%barrier3A_85)
    %mul3A_86 = arith.constant 10 : i32
    %mul3A_87 = arith.muli %arg1, %mul3A_86 : i32
    %add3A_88 = arith.constant 0 : i32
    %add3A_89 = arith.addi %mul3A_87, %add3A_88 : i32
    %mul3A_90 = arith.constant 960 : i32
    %mul3A_91 = arith.muli %add3A_89, %mul3A_90 : i32
    %add3A_92 = arith.constant 0 : i32
    %add3A_93 = arith.addi %add3A_92, %mul3A_91 : i32
    %multiple_of3A_94 = tpu.assume_multiple %add3A_93, 128 : i32
    %multiple_of3A_95 = arith.constant 0 : i32
    %multiple_of3A_96 = tpu.assume_multiple %multiple_of3A_95, 64 : i32
    %dma_start3A_97 = arith.constant 0 : i32
    %dma_start3A_98 = tpu.memref_slice %arg13[%multiple_of3A_96] : memref<1920xi32, #tpu.memory_space<vmem>> -> memref<960xi32, #tpu.memory_space<vmem>>
    %dma_start3A_99 = tpu.memref_slice %arg3[%multiple_of3A_94] : memref<1228800xi32, #tpu.memory_space<hbm>> -> memref<960xi32, #tpu.memory_space<hbm>>
    %dma_start3A_100 = tpu.memref_slice %arg23[%dma_start3A_97] : memref<2x!tpu.dma_semaphore, #tpu.memory_space<semaphore_mem>> -> memref<1x!tpu.dma_semaphore, #tpu.memory_space<semaphore_mem>>
    %dma_start3A_101 = tpu.memref_squeeze %dma_start3A_100 : memref<1x!tpu.dma_semaphore, #tpu.memory_space<semaphore_mem>> -> memref<!tpu.dma_semaphore, #tpu.memory_space<semaphore_mem>>
    %dma_start3A_102 = tpu.memref_slice %arg13[%multiple_of3A_96] : memref<1920xi32, #tpu.memory_space<vmem>> -> memref<960xi32, #tpu.memory_space<vmem>>
    %dma_start3A_103 = tpu.memref_slice %arg3[%multiple_of3A_94] : memref<1228800xi32, #tpu.memory_space<hbm>> -> memref<960xi32, #tpu.memory_space<hbm>>
    tpu.enqueue_dma source(%dma_start3A_103 : memref<960xi32, #tpu.memory_space<hbm>>) target(%dma_start3A_102 : memref<960xi32, #tpu.memory_space<vmem>>) target_semaphore(%dma_start3A_101 : memref<!tpu.dma_semaphore, #tpu.memory_space<semaphore_mem>>)
    %dma_start3A_104 = arith.constant 0 : i32
    %dma_start3A_105 = tpu.memref_slice %arg14[%multiple_of3A_96] : memref<1920xi32, #tpu.memory_space<vmem>> -> memref<960xi32, #tpu.memory_space<vmem>>
    %dma_start3A_106 = tpu.memref_slice %arg4[%multiple_of3A_94] : memref<1228800xi32, #tpu.memory_space<hbm>> -> memref<960xi32, #tpu.memory_space<hbm>>
    %dma_start3A_107 = tpu.memref_slice %arg23[%dma_start3A_104] : memref<2x!tpu.dma_semaphore, #tpu.memory_space<semaphore_mem>> -> memref<1x!tpu.dma_semaphore, #tpu.memory_space<semaphore_mem>>
    %dma_start3A_108 = tpu.memref_squeeze %dma_start3A_107 : memref<1x!tpu.dma_semaphore, #tpu.memory_space<semaphore_mem>> -> memref<!tpu.dma_semaphore, #tpu.memory_space<semaphore_mem>>
    %dma_start3A_109 = tpu.memref_slice %arg14[%multiple_of3A_96] : memref<1920xi32, #tpu.memory_space<vmem>> -> memref<960xi32, #tpu.memory_space<vmem>>
    %dma_start3A_110 = tpu.memref_slice %arg4[%multiple_of3A_94] : memref<1228800xi32, #tpu.memory_space<hbm>> -> memref<960xi32, #tpu.memory_space<hbm>>
    tpu.enqueue_dma source(%dma_start3A_110 : memref<960xi32, #tpu.memory_space<hbm>>) target(%dma_start3A_109 : memref<960xi32, #tpu.memory_space<vmem>>) target_semaphore(%dma_start3A_108 : memref<!tpu.dma_semaphore, #tpu.memory_space<semaphore_mem>>)
    %scan3A_111 = arith.constant 0 : i32
    %scan3A_112 = arith.constant 0 : i32
    %scan3A_113 = arith.constant 80 : i32
    %scan3A_114 = arith.addi %scan3A_112, %scan3A_113 : i32
    %scan3A_115 = arith.constant 1 : i32
    %scan3A_116 = scf.for %scan3A_148 = %scan3A_112 to %scan3A_114 step %scan3A_115 iter_args(%scan3A_149 = %scan3A_111) -> (i32)  : i32 {
      %jit3A = arith.constant 10 : i32
      %div3A = arith.divsi %scan3A_148, %jit3A : i32
      %sign3A = arith.constant 0 : i32
      %sign3A_150 = arith.cmpi sgt, %scan3A_148, %sign3A : i32
      %sign3A_151 = arith.extui %sign3A_150 : i1 to i32
      %sign3A_152 = arith.constant 0 : i32
      %sign3A_153 = arith.cmpi slt, %scan3A_148, %sign3A_152 : i32
      %sign3A_154 = arith.extui %sign3A_153 : i1 to i32
      %sign3A_155 = arith.subi %sign3A_151, %sign3A_154 : i32
      %sign3A_156 = arith.constant 0 : i32
      %sign3A_157 = arith.cmpi sgt, %jit3A, %sign3A_156 : i32
      %sign3A_158 = arith.extui %sign3A_157 : i1 to i32
      %sign3A_159 = arith.constant 0 : i32
      %sign3A_160 = arith.cmpi slt, %jit3A, %sign3A_159 : i32
      %sign3A_161 = arith.extui %sign3A_160 : i1 to i32
      %sign3A_162 = arith.subi %sign3A_158, %sign3A_161 : i32
      %ne3A = arith.cmpi ne, %sign3A_155, %sign3A_162 : i32
      %rem3A = arith.remsi %scan3A_148, %jit3A : i32
      %ne3A_163 = arith.constant 0 : i32
      %ne3A_164 = arith.cmpi ne, %rem3A, %ne3A_163 : i32
      %and3A_165 = arith.andi %ne3A, %ne3A_164 : i1
      %sub3A = arith.constant 1 : i32
      %sub3A_166 = arith.subi %div3A, %sub3A : i32
      %select_n3A = arith.select %and3A_165, %sub3A_166, %div3A : i32
      %mul3A_167 = arith.constant 10 : i32
      %mul3A_168 = arith.muli %select_n3A, %mul3A_167 : i32
      %sub3A_169 = arith.subi %scan3A_148, %mul3A_168 : i32
      %mul3A_170 = arith.constant 153600 : i32
      %mul3A_171 = arith.muli %select_n3A, %mul3A_170 : i32
      %mul3A_172 = arith.constant 10 : i32
      %mul3A_173 = arith.muli %arg1, %mul3A_172 : i32
      %add3A_174 = arith.addi %mul3A_173, %sub3A_169 : i32
      %mul3A_175 = arith.constant 960 : i32
      %mul3A_176 = arith.muli %add3A_174, %mul3A_175 : i32
      %add3A_177 = arith.addi %mul3A_171, %mul3A_176 : i32
      %multiple_of3A_178 = tpu.assume_multiple %add3A_177, 128 : i32
      %jit3A_179 = arith.constant 2 : i32
      %eq3A_180 = arith.constant 0 : i32
      %eq3A_181 = arith.cmpi eq, %jit3A_179, %eq3A_180 : i32
      %jit3A_182 = arith.constant 1 : i32
      %select_n3A_183 = arith.select %eq3A_181, %jit3A_182, %jit3A_179 : i32
      %rem3A_184 = arith.remsi %scan3A_148, %select_n3A_183 : i32
      %ne3A_185 = arith.constant 0 : i32
      %ne3A_186 = arith.cmpi ne, %rem3A_184, %ne3A_185 : i32
      %lt3A = arith.constant 0 : i32
      %lt3A_187 = arith.cmpi slt, %rem3A_184, %lt3A : i32
      %lt3A_188 = arith.constant 0 : i32
      %lt3A_189 = arith.cmpi slt, %select_n3A_183, %lt3A_188 : i32
      %ne3A_190 = arith.xori %lt3A_187, %lt3A_189 : i1
      %and3A_191 = arith.andi %ne3A_190, %ne3A_186 : i1
      %add3A_192 = arith.addi %rem3A_184, %select_n3A_183 : i32
      %select_n3A_193 = arith.select %and3A_191, %add3A_192, %rem3A_184 : i32
      %add3A_194 = arith.constant 1 : i32
      %add3A_195 = arith.addi %scan3A_148, %add3A_194 : i32
      %lt3A_196 = arith.constant 80 : i32
      %lt3A_197 = arith.cmpi slt, %add3A_195, %lt3A_196 : i32
      %convert_element_type3A_198 = arith.extui %lt3A_197 : i1 to i32
      %cond3A_199 = arith.constant 0 : i32
      %cond3A_200 = arith.cmpi ne, %convert_element_type3A_198, %cond3A_199 : i32
      scf.if %cond3A_200 {
        %add3A_358 = arith.constant 1 : i32
        %add3A_359 = arith.addi %scan3A_148, %add3A_358 : i32
        %sub3A_360 = arith.constant 1 : i32
        %sub3A_361 = arith.subi %sub3A_360, %select_n3A_193 : i32
        %jit3A_362 = arith.constant 10 : i32
        %div3A_363 = arith.divsi %add3A_359, %jit3A_362 : i32
        %sign3A_364 = arith.constant 0 : i32
        %sign3A_365 = arith.cmpi sgt, %add3A_359, %sign3A_364 : i32
        %sign3A_366 = arith.extui %sign3A_365 : i1 to i32
        %sign3A_367 = arith.constant 0 : i32
        %sign3A_368 = arith.cmpi slt, %add3A_359, %sign3A_367 : i32
        %sign3A_369 = arith.extui %sign3A_368 : i1 to i32
        %sign3A_370 = arith.subi %sign3A_366, %sign3A_369 : i32
        %sign3A_371 = arith.constant 0 : i32
        %sign3A_372 = arith.cmpi sgt, %jit3A_362, %sign3A_371 : i32
        %sign3A_373 = arith.extui %sign3A_372 : i1 to i32
        %sign3A_374 = arith.constant 0 : i32
        %sign3A_375 = arith.cmpi slt, %jit3A_362, %sign3A_374 : i32
        %sign3A_376 = arith.extui %sign3A_375 : i1 to i32
        %sign3A_377 = arith.subi %sign3A_373, %sign3A_376 : i32
        %ne3A_378 = arith.cmpi ne, %sign3A_370, %sign3A_377 : i32
        %rem3A_379 = arith.remsi %add3A_359, %jit3A_362 : i32
        %ne3A_380 = arith.constant 0 : i32
        %ne3A_381 = arith.cmpi ne, %rem3A_379, %ne3A_380 : i32
        %and3A_382 = arith.andi %ne3A_378, %ne3A_381 : i1
        %sub3A_383 = arith.constant 1 : i32
        %sub3A_384 = arith.subi %div3A_363, %sub3A_383 : i32
        %select_n3A_385 = arith.select %and3A_382, %sub3A_384, %div3A_363 : i32
        %mul3A_386 = arith.constant 10 : i32
        %mul3A_387 = arith.muli %select_n3A_385, %mul3A_386 : i32
        %sub3A_388 = arith.subi %add3A_359, %mul3A_387 : i32
        %mul3A_389 = arith.constant 153600 : i32
        %mul3A_390 = arith.muli %select_n3A_385, %mul3A_389 : i32
        %mul3A_391 = arith.constant 10 : i32
        %mul3A_392 = arith.muli %arg1, %mul3A_391 : i32
        %add3A_393 = arith.addi %mul3A_392, %sub3A_388 : i32
        %mul3A_394 = arith.constant 960 : i32
        %mul3A_395 = arith.muli %add3A_393, %mul3A_394 : i32
        %add3A_396 = arith.addi %mul3A_390, %mul3A_395 : i32
        %multiple_of3A_397 = tpu.assume_multiple %add3A_396, 128 : i32
        %mul3A_398 = arith.constant 960 : i32
        %mul3A_399 = arith.muli %sub3A_361, %mul3A_398 : i32
        %multiple_of3A_400 = tpu.assume_multiple %mul3A_399, 64 : i32
        %dma_start3A_401 = tpu.memref_slice %arg13[%multiple_of3A_400] : memref<1920xi32, #tpu.memory_space<vmem>> -> memref<960xi32, #tpu.memory_space<vmem>>
        %dma_start3A_402 = tpu.memref_slice %arg3[%multiple_of3A_397] : memref<1228800xi32, #tpu.memory_space<hbm>> -> memref<960xi32, #tpu.memory_space<hbm>>
        %dma_start3A_403 = tpu.memref_slice %arg23[%sub3A_361] : memref<2x!tpu.dma_semaphore, #tpu.memory_space<semaphore_mem>> -> memref<1x!tpu.dma_semaphore, #tpu.memory_space<semaphore_mem>>
        %dma_start3A_404 = tpu.memref_squeeze %dma_start3A_403 : memref<1x!tpu.dma_semaphore, #tpu.memory_space<semaphore_mem>> -> memref<!tpu.dma_semaphore, #tpu.memory_space<semaphore_mem>>
        %dma_start3A_405 = tpu.memref_slice %arg13[%multiple_of3A_400] : memref<1920xi32, #tpu.memory_space<vmem>> -> memref<960xi32, #tpu.memory_space<vmem>>
        %dma_start3A_406 = tpu.memref_slice %arg3[%multiple_of3A_397] : memref<1228800xi32, #tpu.memory_space<hbm>> -> memref<960xi32, #tpu.memory_space<hbm>>
        tpu.enqueue_dma source(%dma_start3A_406 : memref<960xi32, #tpu.memory_space<hbm>>) target(%dma_start3A_405 : memref<960xi32, #tpu.memory_space<vmem>>) target_semaphore(%dma_start3A_404 : memref<!tpu.dma_semaphore, #tpu.memory_space<semaphore_mem>>)
        %dma_start3A_407 = tpu.memref_slice %arg14[%multiple_of3A_400] : memref<1920xi32, #tpu.memory_space<vmem>> -> memref<960xi32, #tpu.memory_space<vmem>>
        %dma_start3A_408 = tpu.memref_slice %arg4[%multiple_of3A_397] : memref<1228800xi32, #tpu.memory_space<hbm>> -> memref<960xi32, #tpu.memory_space<hbm>>
        %dma_start3A_409 = tpu.memref_slice %arg23[%sub3A_361] : memref<2x!tpu.dma_semaphore, #tpu.memory_space<semaphore_mem>> -> memref<1x!tpu.dma_semaphore, #tpu.memory_space<semaphore_mem>>
        %dma_start3A_410 = tpu.memref_squeeze %dma_start3A_409 : memref<1x!tpu.dma_semaphore, #tpu.memory_space<semaphore_mem>> -> memref<!tpu.dma_semaphore, #tpu.memory_space<semaphore_mem>>
        %dma_start3A_411 = tpu.memref_slice %arg14[%multiple_of3A_400] : memref<1920xi32, #tpu.memory_space<vmem>> -> memref<960xi32, #tpu.memory_space<vmem>>
        %dma_start3A_412 = tpu.memref_slice %arg4[%multiple_of3A_397] : memref<1228800xi32, #tpu.memory_space<hbm>> -> memref<960xi32, #tpu.memory_space<hbm>>
        tpu.enqueue_dma source(%dma_start3A_412 : memref<960xi32, #tpu.memory_space<hbm>>) target(%dma_start3A_411 : memref<960xi32, #tpu.memory_space<vmem>>) target_semaphore(%dma_start3A_410 : memref<!tpu.dma_semaphore, #tpu.memory_space<semaphore_mem>>)
      } else {
      }
      %mul3A_201 = arith.constant 960 : i32
      %mul3A_202 = arith.muli %select_n3A_193, %mul3A_201 : i32
      %multiple_of3A_203 = tpu.assume_multiple %mul3A_202, 64 : i32
      %dma_wait3A_204 = tpu.memref_slice %arg13[%multiple_of3A_203] : memref<1920xi32, #tpu.memory_space<vmem>> -> memref<960xi32, #tpu.memory_space<vmem>>
      %dma_wait3A_205 = arith.constant 0 : i32
      %dma_wait3A_206 = tpu.memref_slice %arg3[%dma_wait3A_205] : memref<1228800xi32, #tpu.memory_space<hbm>> -> memref<960xi32, #tpu.memory_space<hbm>>
      %dma_wait3A_207 = tpu.memref_slice %arg23[%select_n3A_193] : memref<2x!tpu.dma_semaphore, #tpu.memory_space<semaphore_mem>> -> memref<1x!tpu.dma_semaphore, #tpu.memory_space<semaphore_mem>>
      %dma_wait3A_208 = tpu.memref_squeeze %dma_wait3A_207 : memref<1x!tpu.dma_semaphore, #tpu.memory_space<semaphore_mem>> -> memref<!tpu.dma_semaphore, #tpu.memory_space<semaphore_mem>>
      %dma_wait3A_209 = tpu.memref_slice %arg13[%multiple_of3A_203] : memref<1920xi32, #tpu.memory_space<vmem>> -> memref<960xi32, #tpu.memory_space<vmem>>
      %dma_wait3A_210 = arith.constant 0 : i32
      %dma_wait3A_211 = tpu.memref_slice %arg3[%dma_wait3A_210] : memref<1228800xi32, #tpu.memory_space<hbm>> -> memref<960xi32, #tpu.memory_space<hbm>>
      tpu.wait_dma2 semaphore(%dma_wait3A_208 : memref<!tpu.dma_semaphore, #tpu.memory_space<semaphore_mem>>) src(%dma_wait3A_211 : memref<960xi32, #tpu.memory_space<hbm>>) dst(%dma_wait3A_209 : memref<960xi32, #tpu.memory_space<vmem>>)
      %dma_wait3A_212 = tpu.memref_slice %arg14[%multiple_of3A_203] : memref<1920xi32, #tpu.memory_space<vmem>> -> memref<960xi32, #tpu.memory_space<vmem>>
      %dma_wait3A_213 = arith.constant 0 : i32
      %dma_wait3A_214 = tpu.memref_slice %arg4[%dma_wait3A_213] : memref<1228800xi32, #tpu.memory_space<hbm>> -> memref<960xi32, #tpu.memory_space<hbm>>
      %dma_wait3A_215 = tpu.memref_slice %arg23[%select_n3A_193] : memref<2x!tpu.dma_semaphore, #tpu.memory_space<semaphore_mem>> -> memref<1x!tpu.dma_semaphore, #tpu.memory_space<semaphore_mem>>
      %dma_wait3A_216 = tpu.memref_squeeze %dma_wait3A_215 : memref<1x!tpu.dma_semaphore, #tpu.memory_space<semaphore_mem>> -> memref<!tpu.dma_semaphore, #tpu.memory_space<semaphore_mem>>
      %dma_wait3A_217 = tpu.memref_slice %arg14[%multiple_of3A_203] : memref<1920xi32, #tpu.memory_space<vmem>> -> memref<960xi32, #tpu.memory_space<vmem>>
      %dma_wait3A_218 = arith.constant 0 : i32
      %dma_wait3A_219 = tpu.memref_slice %arg4[%dma_wait3A_218] : memref<1228800xi32, #tpu.memory_space<hbm>> -> memref<960xi32, #tpu.memory_space<hbm>>
      tpu.wait_dma2 semaphore(%dma_wait3A_216 : memref<!tpu.dma_semaphore, #tpu.memory_space<semaphore_mem>>) src(%dma_wait3A_219 : memref<960xi32, #tpu.memory_space<hbm>>) dst(%dma_wait3A_217 : memref<960xi32, #tpu.memory_space<vmem>>)
      %scan3A_220 = arith.constant 0 : i32
      %scan3A_221 = arith.constant 0 : i32
      %scan3A_222 = arith.constant 60 : i32
      %scan3A_223 = arith.addi %scan3A_221, %scan3A_222 : i32
      %scan3A_224 = arith.constant 1 : i32
      %scan3A_225 = scf.for %scan3A_358 = %scan3A_221 to %scan3A_223 step %scan3A_224 iter_args(%scan3A_359 = %scan3A_220) -> (i32)  : i32 {
        %mul3A_360 = arith.constant 16 : i32
        %mul3A_361 = arith.muli %mul3A_360, %scan3A_358 : i32
        %get3A = tpu.memref_slice %arg13[%multiple_of3A_203] : memref<1920xi32, #tpu.memory_space<vmem>> -> memref<960xi32, #tpu.memory_space<vmem>>
        %get3A_362 = arith.index_cast %mul3A_361 : i32 to index
        %get3A_363 = tpu.vector_load %get3A[%get3A_362] {strides = array<i32>} : memref<960xi32, #tpu.memory_space<vmem>>, vector<16xi32>,
        %mul3A_364 = arith.constant 16 : i32
        %mul3A_365 = arith.muli %mul3A_364, %scan3A_358 : i32
        %get3A_366 = tpu.memref_slice %arg14[%multiple_of3A_203] : memref<1920xi32, #tpu.memory_space<vmem>> -> memref<960xi32, #tpu.memory_space<vmem>>
        %get3A_367 = arith.index_cast %mul3A_365 : i32 to index
        %get3A_368 = tpu.vector_load %get3A_366[%get3A_367] {strides = array<i32>} : memref<960xi32, #tpu.memory_space<vmem>>, vector<16xi32>,
        %sub3A_369 = vector.broadcast %mul3A_81 : i32 to vector<16xi32>
        %sub3A_370 = arith.subi %get3A_363, %sub3A_369 : vector<16xi32>
        %ge3A = arith.constant 0 : i32
        %ge3A_371 = vector.broadcast %ge3A : i32 to vector<16xi32>
        %ge3A_372 = arith.cmpi sge, %sub3A_370, %ge3A_371 : vector<16xi32>
        %lt3A_373 = arith.constant 12544 : i32
        %lt3A_374 = vector.broadcast %lt3A_373 : i32 to vector<16xi32>
        %lt3A_375 = arith.cmpi slt, %sub3A_370, %lt3A_374 : vector<16xi32>
        %and3A_376 = arith.andi %ge3A_372, %lt3A_375 : vector<16xi1>
        %jit3A_377 = arith.constant 1 : i32
        %jit3A_378 = arith.constant 0 : i32
        %broadcast_in_dim3A_379 = vector.broadcast %jit3A_377 : i32 to vector<16xi32>
        %broadcast_in_dim3A_380 = vector.broadcast %jit3A_378 : i32 to vector<16xi32>
        %select_n3A_381 = arith.select %and3A_376, %broadcast_in_dim3A_379, %broadcast_in_dim3A_380 : vector<16xi1>, vector<16xi32>
        %broadcast_in_dim3A_382 = arith.constant true
        %broadcast_in_dim3A_383 = vector.broadcast %broadcast_in_dim3A_382 : i1 to vector<16xi1>
        %masked_cumsum3A = tpu.scan <sum>, %select_n3A_381 masked %broadcast_in_dim3A_383 : vector<16xi32>, vector<16xi1> -> vector<16xi32>
        %add3A_384 = vector.broadcast %scan3A_359 : i32 to vector<16xi32>
        %add3A_385 = arith.addi %add3A_384, %masked_cumsum3A : vector<16xi32>
        %sub3A_386 = arith.subi %add3A_385, %select_n3A_381 : vector<16xi32>
        tpu.vector_store_idx %arg15[%sub3A_386], %sub3A_370 masked %and3A_376 : memref<992xi32, #tpu.memory_space<vmem>>[vector<16xi32>], vector<16xi32>, vector<16xi1>
        tpu.vector_store_idx %arg16[%sub3A_386], %get3A_368 masked %and3A_376 : memref<992xi32, #tpu.memory_space<vmem>>[vector<16xi32>], vector<16xi32>, vector<16xi1>
        %slice3A = vector.extract_strided_slice %masked_cumsum3A {offsets = [15], sizes = [1], strides = [1]} : vector<16xi32> to vector<1xi32>
        %squeeze3A = vector.extract %slice3A[0] : i32 from vector<1xi32>
        %add3A_387 = arith.addi %scan3A_359, %squeeze3A : i32
        scf.yield %add3A_387 : i32
      }
      %scan3A_226 = arith.constant 60 : i32
      %iota3A = tpu.iota {dimensions = array<i32: 0>} : vector<16xi32>
      %add3A_227 = arith.constant 12544 : i32
      %add3A_228 = vector.broadcast %add3A_227 : i32 to vector<16xi32>
      %add3A_229 = arith.addi %add3A_228, %iota3A : vector<16xi32>
      %add3A_230 = arith.constant 0 : i32
      %add3A_231 = arith.addi %scan3A_225, %add3A_230 : i32
      %swap3A_232 = arith.index_cast %add3A_231 : i32 to index
      %swap3A_233 = tpu.vector_load %arg15[%swap3A_232] {strides = array<i32>} : memref<992xi32, #tpu.memory_space<vmem>>, vector<16xi32>,
      tpu.vector_store %arg15[%swap3A_232], %add3A_229 {strides = array<i32>} : memref<992xi32, #tpu.memory_space<vmem>>, vector<16xi32>,
      %mul3A_234 = arith.constant 3000 : i32
      %mul3A_235 = vector.broadcast %mul3A_234 : i32 to vector<16xi32>
      %mul3A_236 = arith.muli %iota3A, %mul3A_235 : vector<16xi32>
      %add3A_237 = arith.constant 0 : i32
      %add3A_238 = vector.broadcast %add3A_237 : i32 to vector<16xi32>
      %add3A_239 = arith.addi %mul3A_236, %add3A_238 : vector<16xi32>
      %add3A_240 = arith.constant 7 : i32
      %add3A_241 = vector.broadcast %add3A_240 : i32 to vector<16xi32>
      %add3A_242 = arith.addi %add3A_239, %add3A_241 : vector<16xi32>
      %add3A_243 = arith.constant 0 : i32
      %add3A_244 = arith.addi %scan3A_225, %add3A_243 : i32
      %swap3A_245 = arith.index_cast %add3A_244 : i32 to index
      %swap3A_246 = tpu.vector_load %arg16[%swap3A_245] {strides = array<i32>} : memref<992xi32, #tpu.memory_space<vmem>>, vector<16xi32>,
      tpu.vector_store %arg16[%swap3A_245], %add3A_242 {strides = array<i32>} : memref<992xi32, #tpu.memory_space<vmem>>, vector<16xi32>,
      %add3A_247 = arith.constant 12560 : i32
      %add3A_248 = vector.broadcast %add3A_247 : i32 to vector<16xi32>
      %add3A_249 = arith.addi %add3A_248, %iota3A : vector<16xi32>
      %add3A_250 = arith.constant 16 : i32
      %add3A_251 = arith.addi %scan3A_225, %add3A_250 : i32
      %swap3A_252 = arith.index_cast %add3A_251 : i32 to index
      %swap3A_253 = tpu.vector_load %arg15[%swap3A_252] {strides = array<i32>} : memref<992xi32, #tpu.memory_space<vmem>>, vector<16xi32>,
      tpu.vector_store %arg15[%swap3A_252], %add3A_249 {strides = array<i32>} : memref<992xi32, #tpu.memory_space<vmem>>, vector<16xi32>,
      %mul3A_254 = arith.constant 3000 : i32
      %mul3A_255 = vector.broadcast %mul3A_254 : i32 to vector<16xi32>
      %mul3A_256 = arith.muli %iota3A, %mul3A_255 : vector<16xi32>
      %add3A_257 = arith.constant 750 : i32
      %add3A_258 = vector.broadcast %add3A_257 : i32 to vector<16xi32>
      %add3A_259 = arith.addi %mul3A_256, %add3A_258 : vector<16xi32>
      %add3A_260 = arith.constant 7 : i32
      %add3A_261 = vector.broadcast %add3A_260 : i32 to vector<16xi32>
      %add3A_262 = arith.addi %add3A_259, %add3A_261 : vector<16xi32>
      %add3A_263 = arith.constant 16 : i32
      %add3A_264 = arith.addi %scan3A_225, %add3A_263 : i32
      %swap3A_265 = arith.index_cast %add3A_264 : i32 to index
      %swap3A_266 = tpu.vector_load %arg16[%swap3A_265] {strides = array<i32>} : memref<992xi32, #tpu.memory_space<vmem>>, vector<16xi32>,
      tpu.vector_store %arg16[%swap3A_265], %add3A_262 {strides = array<i32>} : memref<992xi32, #tpu.memory_space<vmem>>, vector<16xi32>,
      %add3A_267 = arith.constant 32 : i32
      %add3A_268 = arith.addi %scan3A_225, %add3A_267 : i32
      %sub3A_269 = arith.constant 1 : i32
      %sub3A_270 = arith.subi %add3A_268, %sub3A_269 : i32
      %jit3A_271 = arith.constant 32 : i32
      %div3A_272 = arith.divsi %sub3A_270, %jit3A_271 : i32
      %sign3A_273 = arith.constant 0 : i32
      %sign3A_274 = arith.cmpi sgt, %sub3A_270, %sign3A_273 : i32
      %sign3A_275 = arith.extui %sign3A_274 : i1 to i32
      %sign3A_276 = arith.constant 0 : i32
      %sign3A_277 = arith.cmpi slt, %sub3A_270, %sign3A_276 : i32
      %sign3A_278 = arith.extui %sign3A_277 : i1 to i32
      %sign3A_279 = arith.subi %sign3A_275, %sign3A_278 : i32
      %sign3A_280 = arith.constant 0 : i32
      %sign3A_281 = arith.cmpi sgt, %jit3A_271, %sign3A_280 : i32
      %sign3A_282 = arith.extui %sign3A_281 : i1 to i32
      %sign3A_283 = arith.constant 0 : i32
      %sign3A_284 = arith.cmpi slt, %jit3A_271, %sign3A_283 : i32
      %sign3A_285 = arith.extui %sign3A_284 : i1 to i32
      %sign3A_286 = arith.subi %sign3A_282, %sign3A_285 : i32
      %ne3A_287 = arith.cmpi ne, %sign3A_279, %sign3A_286 : i32
      %rem3A_288 = arith.remsi %sub3A_270, %jit3A_271 : i32
      %ne3A_289 = arith.constant 0 : i32
      %ne3A_290 = arith.cmpi ne, %rem3A_288, %ne3A_289 : i32
      %and3A_291 = arith.andi %ne3A_287, %ne3A_290 : i1
      %sub3A_292 = arith.constant 1 : i32
      %sub3A_293 = arith.subi %div3A_272, %sub3A_292 : i32
      %select_n3A_294 = arith.select %and3A_291, %sub3A_293, %div3A_272 : i32
      %while3A = arith.constant 0 : i32
      %while3A_295 = arith.constant 0 : i32
      %while3A_296 = arith.subi %select_n3A_294, %while3A : i32
      %while3A_297 = arith.addi %while3A, %while3A_296 : i32
      %while3A_298 = arith.constant 1 : i32
      %while3A_299 = arith.divsi %while3A_296, %while3A_298 : i32
      %while3A_300 = arith.muli %while3A_299, %while3A_298 : i32
      %while3A_301 = arith.addi %while3A, %while3A_300 : i32
      %while3A_302 = arith.constant 1 : i32
      %while3A_303 = scf.for %while3A_358 = %while3A to %while3A_301 step %while3A_302 iter_args(%while3A_359 = %while3A_295) -> (i32)  : i32 {
        %mul3A_360 = arith.constant 32 : i32
        %mul3A_361 = arith.muli %while3A_358, %mul3A_360 : i32
        %multiple_of3A_362 = tpu.assume_multiple %mul3A_361, 32 : i32
        %add3A_363 = arith.constant 0 : i32
        %add3A_364 = arith.addi %multiple_of3A_362, %add3A_363 : i32
        %get3A = arith.index_cast %add3A_364 : i32 to index
        %get3A_365 = tpu.vector_load %arg15[%get3A] {strides = array<i32>} : memref<992xi32, #tpu.memory_space<vmem>>, vector<16xi32>,
        %swap3A_366 = arith.constant 0 : i32
        %swap3A_367 = tpu.memref_slice %arg17[%while3A_358, %swap3A_366] : memref<30x32xi32, #tpu.memory_space<vmem>> -> memref<1x32xi32, #tpu.memory_space<vmem>>
        %swap3A_368 = tpu.memref_squeeze %swap3A_367 : memref<1x32xi32, #tpu.memory_space<vmem>> -> memref<32xi32, #tpu.memory_space<vmem>>
        %swap3A_369 = arith.constant 0 : index
        %swap3A_370 = tpu.vector_load %swap3A_368[%swap3A_369] {strides = array<i32>} : memref<32xi32, #tpu.memory_space<vmem>>, vector<16xi32>,
        tpu.vector_store %swap3A_368[%swap3A_369], %get3A_365 {strides = array<i32>} : memref<32xi32, #tpu.memory_space<vmem>>, vector<16xi32>,
        %add3A_371 = arith.constant 16 : i32
        %add3A_372 = arith.addi %multiple_of3A_362, %add3A_371 : i32
        %get3A_373 = arith.index_cast %add3A_372 : i32 to index
        %get3A_374 = tpu.vector_load %arg15[%get3A_373] {strides = array<i32>} : memref<992xi32, #tpu.memory_space<vmem>>, vector<16xi32>,
        %swap3A_375 = arith.constant 0 : i32
        %swap3A_376 = tpu.memref_slice %arg17[%while3A_358, %swap3A_375] : memref<30x32xi32, #tpu.memory_space<vmem>> -> memref<1x32xi32, #tpu.memory_space<vmem>>
        %swap3A_377 = tpu.memref_squeeze %swap3A_376 : memref<1x32xi32, #tpu.memory_space<vmem>> -> memref<32xi32, #tpu.memory_space<vmem>>
        %swap3A_378 = arith.constant 16 : index
        %swap3A_379 = tpu.vector_load %swap3A_377[%swap3A_378] {strides = array<i32>} : memref<32xi32, #tpu.memory_space<vmem>>, vector<16xi32>,
        tpu.vector_store %swap3A_377[%swap3A_378], %get3A_374 {strides = array<i32>} : memref<32xi32, #tpu.memory_space<vmem>>, vector<16xi32>,
        %while3A_380 = arith.constant 0 : i32
        scf.yield %while3A_380 : i32
      }
      %while3A_304 = arith.constant 1 : i32
      %while3A_305 = scf.for %while3A_358 = %while3A_301 to %while3A_297 step %while3A_304 iter_args(%while3A_359 = %while3A_303) -> (i32)  : i32 {
        %mul3A_360 = arith.constant 32 : i32
        %mul3A_361 = arith.muli %while3A_358, %mul3A_360 : i32
        %multiple_of3A_362 = tpu.assume_multiple %mul3A_361, 32 : i32
        %add3A_363 = arith.constant 0 : i32
        %add3A_364 = arith.addi %multiple_of3A_362, %add3A_363 : i32
        %get3A = arith.index_cast %add3A_364 : i32 to index
        %get3A_365 = tpu.vector_load %arg15[%get3A] {strides = array<i32>} : memref<992xi32, #tpu.memory_space<vmem>>, vector<16xi32>,
        %swap3A_366 = arith.constant 0 : i32
        %swap3A_367 = tpu.memref_slice %arg17[%while3A_358, %swap3A_366] : memref<30x32xi32, #tpu.memory_space<vmem>> -> memref<1x32xi32, #tpu.memory_space<vmem>>
        %swap3A_368 = tpu.memref_squeeze %swap3A_367 : memref<1x32xi32, #tpu.memory_space<vmem>> -> memref<32xi32, #tpu.memory_space<vmem>>
        %swap3A_369 = arith.constant 0 : index
        %swap3A_370 = tpu.vector_load %swap3A_368[%swap3A_369] {strides = array<i32>} : memref<32xi32, #tpu.memory_space<vmem>>, vector<16xi32>,
        tpu.vector_store %swap3A_368[%swap3A_369], %get3A_365 {strides = array<i32>} : memref<32xi32, #tpu.memory_space<vmem>>, vector<16xi32>,
        %add3A_371 = arith.constant 16 : i32
        %add3A_372 = arith.addi %multiple_of3A_362, %add3A_371 : i32
        %get3A_373 = arith.index_cast %add3A_372 : i32 to index
        %get3A_374 = tpu.vector_load %arg15[%get3A_373] {strides = array<i32>} : memref<992xi32, #tpu.memory_space<vmem>>, vector<16xi32>,
        %swap3A_375 = arith.constant 0 : i32
        %swap3A_376 = tpu.memref_slice %arg17[%while3A_358, %swap3A_375] : memref<30x32xi32, #tpu.memory_space<vmem>> -> memref<1x32xi32, #tpu.memory_space<vmem>>
        %swap3A_377 = tpu.memref_squeeze %swap3A_376 : memref<1x32xi32, #tpu.memory_space<vmem>> -> memref<32xi32, #tpu.memory_space<vmem>>
        %swap3A_378 = arith.constant 16 : index
        %swap3A_379 = tpu.vector_load %swap3A_377[%swap3A_378] {strides = array<i32>} : memref<32xi32, #tpu.memory_space<vmem>>, vector<16xi32>,
        tpu.vector_store %swap3A_377[%swap3A_378], %get3A_374 {strides = array<i32>} : memref<32xi32, #tpu.memory_space<vmem>>, vector<16xi32>,
        %while3A_380 = arith.constant 0 : i32
        scf.yield %while3A_380 : i32
      }
      %gt3A = arith.constant 0 : i32
      %gt3A_306 = arith.cmpi sgt, %scan3A_149, %gt3A : i32
      %convert_element_type3A_307 = arith.extui %gt3A_306 : i1 to i32
      %cond3A_308 = arith.constant 0 : i32
      %cond3A_309 = arith.cmpi ne, %convert_element_type3A_307, %cond3A_308 : i32
      scf.if %cond3A_309 {
        %dma_wait3A_358 = arith.constant 0 : i32
        %dma_wait3A_359 = arith.constant 0 : i32
        %dma_wait3A_360 = arith.constant 0 : i32
        %dma_wait3A_361 = arith.constant 0 : i32
        %dma_wait3A_362 = arith.constant 0 : i32
        %dma_wait3A_363 = tpu.memref_slice %arg18[%dma_wait3A_358, %dma_wait3A_361, %dma_wait3A_362] : memref<4x32x128xf32, #tpu.memory_space<vmem>> -> memref<1x32x128xf32, #tpu.memory_space<vmem>>
        %dma_wait3A_364 = tpu.memref_squeeze %dma_wait3A_363 : memref<1x32x128xf32, #tpu.memory_space<vmem>> -> memref<32x128xf32, #tpu.memory_space<vmem>>
        %dma_wait3A_365 = arith.constant 0 : i32
        %dma_wait3A_366 = tpu.memref_slice %arg17[%dma_wait3A_359, %dma_wait3A_365] : memref<30x32xi32, #tpu.memory_space<vmem>> -> memref<1x32xi32, #tpu.memory_space<vmem>>
        %dma_wait3A_367 = tpu.memref_squeeze %dma_wait3A_366 : memref<1x32xi32, #tpu.memory_space<vmem>> -> memref<32xi32, #tpu.memory_space<vmem>>
        %dma_wait3A_368 = arith.constant 0 : i32
        %dma_wait3A_369 = arith.constant 0 : i32
        %dma_wait3A_370 = tpu.memref_slice %arg8[%dma_wait3A_368, %dma_wait3A_369] : memref<12576x128xf32, #tpu.memory_space<vmem_shared>> -> memref<12576x128xf32, #tpu.memory_space<vmem_shared>>
        %dma_wait3A_371 = tpu.memref_slice %arg22[%dma_wait3A_360] : memref<4x!tpu.dma_semaphore, #tpu.memory_space<semaphore_mem>> -> memref<1x!tpu.dma_semaphore, #tpu.memory_space<semaphore_mem>>
        %dma_wait3A_372 = tpu.memref_squeeze %dma_wait3A_371 : memref<1x!tpu.dma_semaphore, #tpu.memory_space<semaphore_mem>> -> memref<!tpu.dma_semaphore, #tpu.memory_space<semaphore_mem>>
        tpu.wait_indirect_dma semaphore(%dma_wait3A_372 : memref<!tpu.dma_semaphore, #tpu.memory_space<semaphore_mem>>) src(%dma_wait3A_364 : memref<32x128xf32, #tpu.memory_space<vmem>>) dst(%dma_wait3A_370 : memref<12576x128xf32, #tpu.memory_space<vmem_shared>>)
        %dma_wait3A_373 = arith.constant 0 : i32
        %dma_wait3A_374 = arith.constant 0 : i32
        %dma_wait3A_375 = arith.constant 0 : i32
        %dma_wait3A_376 = tpu.memref_slice %arg17[%dma_wait3A_373, %dma_wait3A_375] : memref<30x32xi32, #tpu.memory_space<vmem>> -> memref<1x32xi32, #tpu.memory_space<vmem>>
        %dma_wait3A_377 = tpu.memref_squeeze %dma_wait3A_376 : memref<1x32xi32, #tpu.memory_space<vmem>> -> memref<32xi32, #tpu.memory_space<vmem>>
        %dma_wait3A_378 = arith.constant 0 : i32
        %dma_wait3A_379 = tpu.memref_slice %arg9[%dma_wait3A_378] : memref<12576xf32, #tpu.memory_space<vmem_shared>> -> memref<12576xf32, #tpu.memory_space<vmem_shared>>
        %dma_wait3A_380 = tpu.memref_slice %arg22[%dma_wait3A_374] : memref<4x!tpu.dma_semaphore, #tpu.memory_space<semaphore_mem>> -> memref<1x!tpu.dma_semaphore, #tpu.memory_space<semaphore_mem>>
        %dma_wait3A_381 = tpu.memref_squeeze %dma_wait3A_380 : memref<1x!tpu.dma_semaphore, #tpu.memory_space<semaphore_mem>> -> memref<!tpu.dma_semaphore, #tpu.memory_space<semaphore_mem>>
        tpu.wait_indirect_dma semaphore(%dma_wait3A_381 : memref<!tpu.dma_semaphore, #tpu.memory_space<semaphore_mem>>) src(%arg19 : memref<32xf32, #tpu.memory_space<vmem>>) dst(%dma_wait3A_379 : memref<12576xf32, #tpu.memory_space<vmem_shared>>)
      } else {
      }
      %gt3A_310 = arith.constant 0 : i32
      %gt3A_311 = arith.cmpi sgt, %select_n3A_294, %gt3A_310 : i32
      %convert_element_type3A_312 = arith.extui %gt3A_311 : i1 to i32
      %cond3A_313 = arith.constant 0 : i32
      %cond3A_314 = arith.cmpi ne, %convert_element_type3A_312, %cond3A_313 : i32
      scf.if %cond3A_314 {
        %multiple_of3A_358 = arith.constant 0 : i32
        %multiple_of3A_359 = tpu.assume_multiple %multiple_of3A_358, 32 : i32
        %dma_start3A_360 = arith.constant 0 : i32
        %dma_start3A_361 = arith.constant 0 : i32
        %dma_start3A_362 = arith.constant 0 : i32
        %dma_start3A_363 = arith.constant 0 : i32
        %dma_start3A_364 = tpu.memref_slice %arg18[%dma_start3A_360, %dma_start3A_362, %dma_start3A_363] : memref<4x32x128xf32, #tpu.memory_space<vmem>> -> memref<1x32x128xf32, #tpu.memory_space<vmem>>
        %dma_start3A_365 = tpu.memref_squeeze %dma_start3A_364 : memref<1x32x128xf32, #tpu.memory_space<vmem>> -> memref<32x128xf32, #tpu.memory_space<vmem>>
        %dma_start3A_366 = tpu.memref_slice %arg16[%multiple_of3A_359] : memref<992xi32, #tpu.memory_space<vmem>> -> memref<32xi32, #tpu.memory_space<vmem>>
        %dma_start3A_367 = arith.constant 0 : i32
        %dma_start3A_368 = arith.constant 0 : i32
        %dma_start3A_369 = tpu.memref_slice %arg2[%select_n3A, %dma_start3A_367, %dma_start3A_368] : memref<8x50000x128xf32, #tpu.memory_space<hbm>> -> memref<1x50000x128xf32, #tpu.memory_space<hbm>>
        %dma_start3A_370 = tpu.memref_squeeze %dma_start3A_369 : memref<1x50000x128xf32, #tpu.memory_space<hbm>> -> memref<50000x128xf32, #tpu.memory_space<hbm>>
        %dma_start3A_371 = arith.constant 0 : i32
        %dma_start3A_372 = arith.constant 0 : i32
        %dma_start3A_373 = tpu.memref_slice %dma_start3A_370[%dma_start3A_371, %dma_start3A_372] : memref<50000x128xf32, #tpu.memory_space<hbm>> -> memref<50000x128xf32, #tpu.memory_space<hbm>>
        %dma_start3A_374 = tpu.memref_slice %arg21[%dma_start3A_361] : memref<4x!tpu.dma_semaphore, #tpu.memory_space<semaphore_mem>> -> memref<1x!tpu.dma_semaphore, #tpu.memory_space<semaphore_mem>>
        %dma_start3A_375 = tpu.memref_squeeze %dma_start3A_374 : memref<1x!tpu.dma_semaphore, #tpu.memory_space<semaphore_mem>> -> memref<!tpu.dma_semaphore, #tpu.memory_space<semaphore_mem>>
        tpu.enqueue_indirect_dma source(%dma_start3A_373 : memref<50000x128xf32, #tpu.memory_space<hbm>>) target(%dma_start3A_365 : memref<32x128xf32, #tpu.memory_space<vmem>>) offsets(%dma_start3A_366 : memref<32xi32, #tpu.memory_space<vmem>>) semaphore(%dma_start3A_375 : memref<!tpu.dma_semaphore, #tpu.memory_space<semaphore_mem>>)
      } else {
      }
      %gt3A_315 = arith.constant 1 : i32
      %gt3A_316 = arith.cmpi sgt, %scan3A_149, %gt3A_315 : i32
      %convert_element_type3A_317 = arith.extui %gt3A_316 : i1 to i32
      %cond3A_318 = arith.constant 0 : i32
      %cond3A_319 = arith.cmpi ne, %convert_element_type3A_317, %cond3A_318 : i32
      scf.if %cond3A_319 {
        %dma_wait3A_358 = arith.constant 1 : i32
        %dma_wait3A_359 = arith.constant 0 : i32
        %dma_wait3A_360 = arith.constant 1 : i32
        %dma_wait3A_361 = arith.constant 0 : i32
        %dma_wait3A_362 = arith.constant 0 : i32
        %dma_wait3A_363 = tpu.memref_slice %arg18[%dma_wait3A_358, %dma_wait3A_361, %dma_wait3A_362] : memref<4x32x128xf32, #tpu.memory_space<vmem>> -> memref<1x32x128xf32, #tpu.memory_space<vmem>>
        %dma_wait3A_364 = tpu.memref_squeeze %dma_wait3A_363 : memref<1x32x128xf32, #tpu.memory_space<vmem>> -> memref<32x128xf32, #tpu.memory_space<vmem>>
        %dma_wait3A_365 = arith.constant 0 : i32
        %dma_wait3A_366 = tpu.memref_slice %arg17[%dma_wait3A_359, %dma_wait3A_365] : memref<30x32xi32, #tpu.memory_space<vmem>> -> memref<1x32xi32, #tpu.memory_space<vmem>>
        %dma_wait3A_367 = tpu.memref_squeeze %dma_wait3A_366 : memref<1x32xi32, #tpu.memory_space<vmem>> -> memref<32xi32, #tpu.memory_space<vmem>>
        %dma_wait3A_368 = arith.constant 0 : i32
        %dma_wait3A_369 = arith.constant 0 : i32
        %dma_wait3A_370 = tpu.memref_slice %arg8[%dma_wait3A_368, %dma_wait3A_369] : memref<12576x128xf32, #tpu.memory_space<vmem_shared>> -> memref<12576x128xf32, #tpu.memory_space<vmem_shared>>
        %dma_wait3A_371 = tpu.memref_slice %arg22[%dma_wait3A_360] : memref<4x!tpu.dma_semaphore, #tpu.memory_space<semaphore_mem>> -> memref<1x!tpu.dma_semaphore, #tpu.memory_space<semaphore_mem>>
        %dma_wait3A_372 = tpu.memref_squeeze %dma_wait3A_371 : memref<1x!tpu.dma_semaphore, #tpu.memory_space<semaphore_mem>> -> memref<!tpu.dma_semaphore, #tpu.memory_space<semaphore_mem>>
        tpu.wait_indirect_dma semaphore(%dma_wait3A_372 : memref<!tpu.dma_semaphore, #tpu.memory_space<semaphore_mem>>) src(%dma_wait3A_364 : memref<32x128xf32, #tpu.memory_space<vmem>>) dst(%dma_wait3A_370 : memref<12576x128xf32, #tpu.memory_space<vmem_shared>>)
        %dma_wait3A_373 = arith.constant 0 : i32
        %dma_wait3A_374 = arith.constant 1 : i32
        %dma_wait3A_375 = arith.constant 0 : i32
        %dma_wait3A_376 = tpu.memref_slice %arg17[%dma_wait3A_373, %dma_wait3A_375] : memref<30x32xi32, #tpu.memory_space<vmem>> -> memref<1x32xi32, #tpu.memory_space<vmem>>
        %dma_wait3A_377 = tpu.memref_squeeze %dma_wait3A_376 : memref<1x32xi32, #tpu.memory_space<vmem>> -> memref<32xi32, #tpu.memory_space<vmem>>
        %dma_wait3A_378 = arith.constant 0 : i32
        %dma_wait3A_379 = tpu.memref_slice %arg9[%dma_wait3A_378] : memref<12576xf32, #tpu.memory_space<vmem_shared>> -> memref<12576xf32, #tpu.memory_space<vmem_shared>>
        %dma_wait3A_380 = tpu.memref_slice %arg22[%dma_wait3A_374] : memref<4x!tpu.dma_semaphore, #tpu.memory_space<semaphore_mem>> -> memref<1x!tpu.dma_semaphore, #tpu.memory_space<semaphore_mem>>
        %dma_wait3A_381 = tpu.memref_squeeze %dma_wait3A_380 : memref<1x!tpu.dma_semaphore, #tpu.memory_space<semaphore_mem>> -> memref<!tpu.dma_semaphore, #tpu.memory_space<semaphore_mem>>
        tpu.wait_indirect_dma semaphore(%dma_wait3A_381 : memref<!tpu.dma_semaphore, #tpu.memory_space<semaphore_mem>>) src(%arg19 : memref<32xf32, #tpu.memory_space<vmem>>) dst(%dma_wait3A_379 : memref<12576xf32, #tpu.memory_space<vmem_shared>>)
      } else {
      }
      %gt3A_320 = arith.constant 1 : i32
      %gt3A_321 = arith.cmpi sgt, %select_n3A_294, %gt3A_320 : i32
      %convert_element_type3A_322 = arith.extui %gt3A_321 : i1 to i32
      %cond3A_323 = arith.constant 0 : i32
      %cond3A_324 = arith.cmpi ne, %convert_element_type3A_322, %cond3A_323 : i32
      scf.if %cond3A_324 {
        %multiple_of3A_358 = arith.constant 32 : i32
        %multiple_of3A_359 = tpu.assume_multiple %multiple_of3A_358, 32 : i32
        %dma_start3A_360 = arith.constant 1 : i32
        %dma_start3A_361 = arith.constant 1 : i32
        %dma_start3A_362 = arith.constant 0 : i32
        %dma_start3A_363 = arith.constant 0 : i32
        %dma_start3A_364 = tpu.memref_slice %arg18[%dma_start3A_360, %dma_start3A_362, %dma_start3A_363] : memref<4x32x128xf32, #tpu.memory_space<vmem>> -> memref<1x32x128xf32, #tpu.memory_space<vmem>>
        %dma_start3A_365 = tpu.memref_squeeze %dma_start3A_364 : memref<1x32x128xf32, #tpu.memory_space<vmem>> -> memref<32x128xf32, #tpu.memory_space<vmem>>
        %dma_start3A_366 = tpu.memref_slice %arg16[%multiple_of3A_359] : memref<992xi32, #tpu.memory_space<vmem>> -> memref<32xi32, #tpu.memory_space<vmem>>
        %dma_start3A_367 = arith.constant 0 : i32
        %dma_start3A_368 = arith.constant 0 : i32
        %dma_start3A_369 = tpu.memref_slice %arg2[%select_n3A, %dma_start3A_367, %dma_start3A_368] : memref<8x50000x128xf32, #tpu.memory_space<hbm>> -> memref<1x50000x128xf32, #tpu.memory_space<hbm>>
        %dma_start3A_370 = tpu.memref_squeeze %dma_start3A_369 : memref<1x50000x128xf32, #tpu.memory_space<hbm>> -> memref<50000x128xf32, #tpu.memory_space<hbm>>
        %dma_start3A_371 = arith.constant 0 : i32
        %dma_start3A_372 = arith.constant 0 : i32
        %dma_start3A_373 = tpu.memref_slice %dma_start3A_370[%dma_start3A_371, %dma_start3A_372] : memref<50000x128xf32, #tpu.memory_space<hbm>> -> memref<50000x128xf32, #tpu.memory_space<hbm>>
        %dma_start3A_374 = tpu.memref_slice %arg21[%dma_start3A_361] : memref<4x!tpu.dma_semaphore, #tpu.memory_space<semaphore_mem>> -> memref<1x!tpu.dma_semaphore, #tpu.memory_space<semaphore_mem>>
        %dma_start3A_375 = tpu.memref_squeeze %dma_start3A_374 : memref<1x!tpu.dma_semaphore, #tpu.memory_space<semaphore_mem>> -> memref<!tpu.dma_semaphore, #tpu.memory_space<semaphore_mem>>
        tpu.enqueue_indirect_dma source(%dma_start3A_373 : memref<50000x128xf32, #tpu.memory_space<hbm>>) target(%dma_start3A_365 : memref<32x128xf32, #tpu.memory_space<vmem>>) offsets(%dma_start3A_366 : memref<32xi32, #tpu.memory_space<vmem>>) semaphore(%dma_start3A_375 : memref<!tpu.dma_semaphore, #tpu.memory_space<semaphore_mem>>)
      } else {
      }
      %gt3A_325 = arith.constant 2 : i32
      %gt3A_326 = arith.cmpi sgt, %scan3A_149, %gt3A_325 : i32
      %convert_element_type3A_327 = arith.extui %gt3A_326 : i1 to i32
      %cond3A_328 = arith.constant 0 : i32
      %cond3A_329 = arith.cmpi ne, %convert_element_type3A_327, %cond3A_328 : i32
      scf.if %cond3A_329 {
        %dma_wait3A_358 = arith.constant 2 : i32
        %dma_wait3A_359 = arith.constant 0 : i32
        %dma_wait3A_360 = arith.constant 2 : i32
        %dma_wait3A_361 = arith.constant 0 : i32
        %dma_wait3A_362 = arith.constant 0 : i32
        %dma_wait3A_363 = tpu.memref_slice %arg18[%dma_wait3A_358, %dma_wait3A_361, %dma_wait3A_362] : memref<4x32x128xf32, #tpu.memory_space<vmem>> -> memref<1x32x128xf32, #tpu.memory_space<vmem>>
        %dma_wait3A_364 = tpu.memref_squeeze %dma_wait3A_363 : memref<1x32x128xf32, #tpu.memory_space<vmem>> -> memref<32x128xf32, #tpu.memory_space<vmem>>
        %dma_wait3A_365 = arith.constant 0 : i32
        %dma_wait3A_366 = tpu.memref_slice %arg17[%dma_wait3A_359, %dma_wait3A_365] : memref<30x32xi32, #tpu.memory_space<vmem>> -> memref<1x32xi32, #tpu.memory_space<vmem>>
        %dma_wait3A_367 = tpu.memref_squeeze %dma_wait3A_366 : memref<1x32xi32, #tpu.memory_space<vmem>> -> memref<32xi32, #tpu.memory_space<vmem>>
        %dma_wait3A_368 = arith.constant 0 : i32
        %dma_wait3A_369 = arith.constant 0 : i32
        %dma_wait3A_370 = tpu.memref_slice %arg8[%dma_wait3A_368, %dma_wait3A_369] : memref<12576x128xf32, #tpu.memory_space<vmem_shared>> -> memref<12576x128xf32, #tpu.memory_space<vmem_shared>>
        %dma_wait3A_371 = tpu.memref_slice %arg22[%dma_wait3A_360] : memref<4x!tpu.dma_semaphore, #tpu.memory_space<semaphore_mem>> -> memref<1x!tpu.dma_semaphore, #tpu.memory_space<semaphore_mem>>
        %dma_wait3A_372 = tpu.memref_squeeze %dma_wait3A_371 : memref<1x!tpu.dma_semaphore, #tpu.memory_space<semaphore_mem>> -> memref<!tpu.dma_semaphore, #tpu.memory_space<semaphore_mem>>
        tpu.wait_indirect_dma semaphore(%dma_wait3A_372 : memref<!tpu.dma_semaphore, #tpu.memory_space<semaphore_mem>>) src(%dma_wait3A_364 : memref<32x128xf32, #tpu.memory_space<vmem>>) dst(%dma_wait3A_370 : memref<12576x128xf32, #tpu.memory_space<vmem_shared>>)
        %dma_wait3A_373 = arith.constant 0 : i32
        %dma_wait3A_374 = arith.constant 2 : i32
        %dma_wait3A_375 = arith.constant 0 : i32
        %dma_wait3A_376 = tpu.memref_slice %arg17[%dma_wait3A_373, %dma_wait3A_375] : memref<30x32xi32, #tpu.memory_space<vmem>> -> memref<1x32xi32, #tpu.memory_space<vmem>>
        %dma_wait3A_377 = tpu.memref_squeeze %dma_wait3A_376 : memref<1x32xi32, #tpu.memory_space<vmem>> -> memref<32xi32, #tpu.memory_space<vmem>>
        %dma_wait3A_378 = arith.constant 0 : i32
        %dma_wait3A_379 = tpu.memref_slice %arg9[%dma_wait3A_378] : memref<12576xf32, #tpu.memory_space<vmem_shared>> -> memref<12576xf32, #tpu.memory_space<vmem_shared>>
        %dma_wait3A_380 = tpu.memref_slice %arg22[%dma_wait3A_374] : memref<4x!tpu.dma_semaphore, #tpu.memory_space<semaphore_mem>> -> memref<1x!tpu.dma_semaphore, #tpu.memory_space<semaphore_mem>>
        %dma_wait3A_381 = tpu.memref_squeeze %dma_wait3A_380 : memref<1x!tpu.dma_semaphore, #tpu.memory_space<semaphore_mem>> -> memref<!tpu.dma_semaphore, #tpu.memory_space<semaphore_mem>>
        tpu.wait_indirect_dma semaphore(%dma_wait3A_381 : memref<!tpu.dma_semaphore, #tpu.memory_space<semaphore_mem>>) src(%arg19 : memref<32xf32, #tpu.memory_space<vmem>>) dst(%dma_wait3A_379 : memref<12576xf32, #tpu.memory_space<vmem_shared>>)
      } else {
      }
      %gt3A_330 = arith.constant 2 : i32
      %gt3A_331 = arith.cmpi sgt, %select_n3A_294, %gt3A_330 : i32
      %convert_element_type3A_332 = arith.extui %gt3A_331 : i1 to i32
      %cond3A_333 = arith.constant 0 : i32
      %cond3A_334 = arith.cmpi ne, %convert_element_type3A_332, %cond3A_333 : i32
      scf.if %cond3A_334 {
        %multiple_of3A_358 = arith.constant 64 : i32
        %multiple_of3A_359 = tpu.assume_multiple %multiple_of3A_358, 32 : i32
        %dma_start3A_360 = arith.constant 2 : i32
        %dma_start3A_361 = arith.constant 2 : i32
        %dma_start3A_362 = arith.constant 0 : i32
        %dma_start3A_363 = arith.constant 0 : i32
        %dma_start3A_364 = tpu.memref_slice %arg18[%dma_start3A_360, %dma_start3A_362, %dma_start3A_363] : memref<4x32x128xf32, #tpu.memory_space<vmem>> -> memref<1x32x128xf32, #tpu.memory_space<vmem>>
        %dma_start3A_365 = tpu.memref_squeeze %dma_start3A_364 : memref<1x32x128xf32, #tpu.memory_space<vmem>> -> memref<32x128xf32, #tpu.memory_space<vmem>>
        %dma_start3A_366 = tpu.memref_slice %arg16[%multiple_of3A_359] : memref<992xi32, #tpu.memory_space<vmem>> -> memref<32xi32, #tpu.memory_space<vmem>>
        %dma_start3A_367 = arith.constant 0 : i32
        %dma_start3A_368 = arith.constant 0 : i32
        %dma_start3A_369 = tpu.memref_slice %arg2[%select_n3A, %dma_start3A_367, %dma_start3A_368] : memref<8x50000x128xf32, #tpu.memory_space<hbm>> -> memref<1x50000x128xf32, #tpu.memory_space<hbm>>
        %dma_start3A_370 = tpu.memref_squeeze %dma_start3A_369 : memref<1x50000x128xf32, #tpu.memory_space<hbm>> -> memref<50000x128xf32, #tpu.memory_space<hbm>>
        %dma_start3A_371 = arith.constant 0 : i32
        %dma_start3A_372 = arith.constant 0 : i32
        %dma_start3A_373 = tpu.memref_slice %dma_start3A_370[%dma_start3A_371, %dma_start3A_372] : memref<50000x128xf32, #tpu.memory_space<hbm>> -> memref<50000x128xf32, #tpu.memory_space<hbm>>
        %dma_start3A_374 = tpu.memref_slice %arg21[%dma_start3A_361] : memref<4x!tpu.dma_semaphore, #tpu.memory_space<semaphore_mem>> -> memref<1x!tpu.dma_semaphore, #tpu.memory_space<semaphore_mem>>
        %dma_start3A_375 = tpu.memref_squeeze %dma_start3A_374 : memref<1x!tpu.dma_semaphore, #tpu.memory_space<semaphore_mem>> -> memref<!tpu.dma_semaphore, #tpu.memory_space<semaphore_mem>>
        tpu.enqueue_indirect_dma source(%dma_start3A_373 : memref<50000x128xf32, #tpu.memory_space<hbm>>) target(%dma_start3A_365 : memref<32x128xf32, #tpu.memory_space<vmem>>) offsets(%dma_start3A_366 : memref<32xi32, #tpu.memory_space<vmem>>) semaphore(%dma_start3A_375 : memref<!tpu.dma_semaphore, #tpu.memory_space<semaphore_mem>>)
      } else {
      }
      %gt3A_335 = arith.constant 3 : i32
      %gt3A_336 = arith.cmpi sgt, %scan3A_149, %gt3A_335 : i32
      %convert_element_type3A_337 = arith.extui %gt3A_336 : i1 to i32
      %cond3A_338 = arith.constant 0 : i32
      %cond3A_339 = arith.cmpi ne, %convert_element_type3A_337, %cond3A_338 : i32
      scf.if %cond3A_339 {
        %dma_wait3A_358 = arith.constant 3 : i32
        %dma_wait3A_359 = arith.constant 0 : i32
        %dma_wait3A_360 = arith.constant 3 : i32
        %dma_wait3A_361 = arith.constant 0 : i32
        %dma_wait3A_362 = arith.constant 0 : i32
        %dma_wait3A_363 = tpu.memref_slice %arg18[%dma_wait3A_358, %dma_wait3A_361, %dma_wait3A_362] : memref<4x32x128xf32, #tpu.memory_space<vmem>> -> memref<1x32x128xf32, #tpu.memory_space<vmem>>
        %dma_wait3A_364 = tpu.memref_squeeze %dma_wait3A_363 : memref<1x32x128xf32, #tpu.memory_space<vmem>> -> memref<32x128xf32, #tpu.memory_space<vmem>>
        %dma_wait3A_365 = arith.constant 0 : i32
        %dma_wait3A_366 = tpu.memref_slice %arg17[%dma_wait3A_359, %dma_wait3A_365] : memref<30x32xi32, #tpu.memory_space<vmem>> -> memref<1x32xi32, #tpu.memory_space<vmem>>
        %dma_wait3A_367 = tpu.memref_squeeze %dma_wait3A_366 : memref<1x32xi32, #tpu.memory_space<vmem>> -> memref<32xi32, #tpu.memory_space<vmem>>
        %dma_wait3A_368 = arith.constant 0 : i32
        %dma_wait3A_369 = arith.constant 0 : i32
        %dma_wait3A_370 = tpu.memref_slice %arg8[%dma_wait3A_368, %dma_wait3A_369] : memref<12576x128xf32, #tpu.memory_space<vmem_shared>> -> memref<12576x128xf32, #tpu.memory_space<vmem_shared>>
        %dma_wait3A_371 = tpu.memref_slice %arg22[%dma_wait3A_360] : memref<4x!tpu.dma_semaphore, #tpu.memory_space<semaphore_mem>> -> memref<1x!tpu.dma_semaphore, #tpu.memory_space<semaphore_mem>>
        %dma_wait3A_372 = tpu.memref_squeeze %dma_wait3A_371 : memref<1x!tpu.dma_semaphore, #tpu.memory_space<semaphore_mem>> -> memref<!tpu.dma_semaphore, #tpu.memory_space<semaphore_mem>>
        tpu.wait_indirect_dma semaphore(%dma_wait3A_372 : memref<!tpu.dma_semaphore, #tpu.memory_space<semaphore_mem>>) src(%dma_wait3A_364 : memref<32x128xf32, #tpu.memory_space<vmem>>) dst(%dma_wait3A_370 : memref<12576x128xf32, #tpu.memory_space<vmem_shared>>)
        %dma_wait3A_373 = arith.constant 0 : i32
        %dma_wait3A_374 = arith.constant 3 : i32
        %dma_wait3A_375 = arith.constant 0 : i32
        %dma_wait3A_376 = tpu.memref_slice %arg17[%dma_wait3A_373, %dma_wait3A_375] : memref<30x32xi32, #tpu.memory_space<vmem>> -> memref<1x32xi32, #tpu.memory_space<vmem>>
        %dma_wait3A_377 = tpu.memref_squeeze %dma_wait3A_376 : memref<1x32xi32, #tpu.memory_space<vmem>> -> memref<32xi32, #tpu.memory_space<vmem>>
        %dma_wait3A_378 = arith.constant 0 : i32
        %dma_wait3A_379 = tpu.memref_slice %arg9[%dma_wait3A_378] : memref<12576xf32, #tpu.memory_space<vmem_shared>> -> memref<12576xf32, #tpu.memory_space<vmem_shared>>
        %dma_wait3A_380 = tpu.memref_slice %arg22[%dma_wait3A_374] : memref<4x!tpu.dma_semaphore, #tpu.memory_space<semaphore_mem>> -> memref<1x!tpu.dma_semaphore, #tpu.memory_space<semaphore_mem>>
        %dma_wait3A_381 = tpu.memref_squeeze %dma_wait3A_380 : memref<1x!tpu.dma_semaphore, #tpu.memory_space<semaphore_mem>> -> memref<!tpu.dma_semaphore, #tpu.memory_space<semaphore_mem>>
        tpu.wait_indirect_dma semaphore(%dma_wait3A_381 : memref<!tpu.dma_semaphore, #tpu.memory_space<semaphore_mem>>) src(%arg19 : memref<32xf32, #tpu.memory_space<vmem>>) dst(%dma_wait3A_379 : memref<12576xf32, #tpu.memory_space<vmem_shared>>)
      } else {
      }
      %gt3A_340 = arith.constant 3 : i32
      %gt3A_341 = arith.cmpi sgt, %select_n3A_294, %gt3A_340 : i32
      %convert_element_type3A_342 = arith.extui %gt3A_341 : i1 to i32
      %cond3A_343 = arith.constant 0 : i32
      %cond3A_344 = arith.cmpi ne, %convert_element_type3A_342, %cond3A_343 : i32
      scf.if %cond3A_344 {
        %multiple_of3A_358 = arith.constant 96 : i32
        %multiple_of3A_359 = tpu.assume_multiple %multiple_of3A_358, 32 : i32
        %dma_start3A_360 = arith.constant 3 : i32
        %dma_start3A_361 = arith.constant 3 : i32
        %dma_start3A_362 = arith.constant 0 : i32
        %dma_start3A_363 = arith.constant 0 : i32
        %dma_start3A_364 = tpu.memref_slice %arg18[%dma_start3A_360, %dma_start3A_362, %dma_start3A_363] : memref<4x32x128xf32, #tpu.memory_space<vmem>> -> memref<1x32x128xf32, #tpu.memory_space<vmem>>
        %dma_start3A_365 = tpu.memref_squeeze %dma_start3A_364 : memref<1x32x128xf32, #tpu.memory_space<vmem>> -> memref<32x128xf32, #tpu.memory_space<vmem>>
        %dma_start3A_366 = tpu.memref_slice %arg16[%multiple_of3A_359] : memref<992xi32, #tpu.memory_space<vmem>> -> memref<32xi32, #tpu.memory_space<vmem>>
        %dma_start3A_367 = arith.constant 0 : i32
        %dma_start3A_368 = arith.constant 0 : i32
        %dma_start3A_369 = tpu.memref_slice %arg2[%select_n3A, %dma_start3A_367, %dma_start3A_368] : memref<8x50000x128xf32, #tpu.memory_space<hbm>> -> memref<1x50000x128xf32, #tpu.memory_space<hbm>>
        %dma_start3A_370 = tpu.memref_squeeze %dma_start3A_369 : memref<1x50000x128xf32, #tpu.memory_space<hbm>> -> memref<50000x128xf32, #tpu.memory_space<hbm>>
        %dma_start3A_371 = arith.constant 0 : i32
        %dma_start3A_372 = arith.constant 0 : i32
        %dma_start3A_373 = tpu.memref_slice %dma_start3A_370[%dma_start3A_371, %dma_start3A_372] : memref<50000x128xf32, #tpu.memory_space<hbm>> -> memref<50000x128xf32, #tpu.memory_space<hbm>>
        %dma_start3A_374 = tpu.memref_slice %arg21[%dma_start3A_361] : memref<4x!tpu.dma_semaphore, #tpu.memory_space<semaphore_mem>> -> memref<1x!tpu.dma_semaphore, #tpu.memory_space<semaphore_mem>>
        %dma_start3A_375 = tpu.memref_squeeze %dma_start3A_374 : memref<1x!tpu.dma_semaphore, #tpu.memory_space<semaphore_mem>> -> memref<!tpu.dma_semaphore, #tpu.memory_space<semaphore_mem>>
        tpu.enqueue_indirect_dma source(%dma_start3A_373 : memref<50000x128xf32, #tpu.memory_space<hbm>>) target(%dma_start3A_365 : memref<32x128xf32, #tpu.memory_space<vmem>>) offsets(%dma_start3A_366 : memref<32xi32, #tpu.memory_space<vmem>>) semaphore(%dma_start3A_375 : memref<!tpu.dma_semaphore, #tpu.memory_space<semaphore_mem>>)
      } else {
      }
      %while3A_345 = arith.constant 0 : i32
      %while3A_346 = arith.constant 0 : i32
      %while3A_347 = arith.subi %select_n3A_294, %while3A_345 : i32
      %while3A_348 = arith.addi %while3A_345, %while3A_347 : i32
      %while3A_349 = arith.constant 1 : i32
      %while3A_350 = arith.divsi %while3A_347, %while3A_349 : i32
      %while3A_351 = arith.muli %while3A_350, %while3A_349 : i32
      %while3A_352 = arith.addi %while3A_345, %while3A_351 : i32
      %while3A_353 = arith.constant 1 : i32
      %while3A_354 = scf.for %while3A_358 = %while3A_345 to %while3A_352 step %while3A_353 iter_args(%while3A_359 = %while3A_346) -> (i32)  : i32 {
        %jit3A_360 = arith.constant 4 : i32
        %eq3A_361 = arith.constant 0 : i32
        %eq3A_362 = arith.cmpi eq, %jit3A_360, %eq3A_361 : i32
        %jit3A_363 = arith.constant 1 : i32
        %select_n3A_364 = arith.select %eq3A_362, %jit3A_363, %jit3A_360 : i32
        %rem3A_365 = arith.remsi %while3A_358, %select_n3A_364 : i32
        %ne3A_366 = arith.constant 0 : i32
        %ne3A_367 = arith.cmpi ne, %rem3A_365, %ne3A_366 : i32
        %lt3A_368 = arith.constant 0 : i32
        %lt3A_369 = arith.cmpi slt, %rem3A_365, %lt3A_368 : i32
        %lt3A_370 = arith.constant 0 : i32
        %lt3A_371 = arith.cmpi slt, %select_n3A_364, %lt3A_370 : i32
        %ne3A_372 = arith.xori %lt3A_369, %lt3A_371 : i1
        %and3A_373 = arith.andi %ne3A_372, %ne3A_367 : i1
        %add3A_374 = arith.addi %rem3A_365, %select_n3A_364 : i32
        %select_n3A_375 = arith.select %and3A_373, %add3A_374, %rem3A_365 : i32
        %dma_wait3A_376 = arith.constant 0 : i32
        %dma_wait3A_377 = arith.constant 0 : i32
        %dma_wait3A_378 = tpu.memref_slice %arg18[%select_n3A_375, %dma_wait3A_376, %dma_wait3A_377] : memref<4x32x128xf32, #tpu.memory_space<vmem>> -> memref<1x32x128xf32, #tpu.memory_space<vmem>>
        %dma_wait3A_379 = tpu.memref_squeeze %dma_wait3A_378 : memref<1x32x128xf32, #tpu.memory_space<vmem>> -> memref<32x128xf32, #tpu.memory_space<vmem>>
        %dma_wait3A_380 = arith.constant 0 : i32
        %dma_wait3A_381 = tpu.memref_slice %arg16[%dma_wait3A_380] : memref<992xi32, #tpu.memory_space<vmem>> -> memref<32xi32, #tpu.memory_space<vmem>>
        %dma_wait3A_382 = arith.constant 0 : i32
        %dma_wait3A_383 = arith.constant 0 : i32
        %dma_wait3A_384 = tpu.memref_slice %arg2[%select_n3A, %dma_wait3A_382, %dma_wait3A_383] : memref<8x50000x128xf32, #tpu.memory_space<hbm>> -> memref<1x50000x128xf32, #tpu.memory_space<hbm>>
        %dma_wait3A_385 = tpu.memref_squeeze %dma_wait3A_384 : memref<1x50000x128xf32, #tpu.memory_space<hbm>> -> memref<50000x128xf32, #tpu.memory_space<hbm>>
        %dma_wait3A_386 = arith.constant 0 : i32
        %dma_wait3A_387 = arith.constant 0 : i32
        %dma_wait3A_388 = tpu.memref_slice %dma_wait3A_385[%dma_wait3A_386, %dma_wait3A_387] : memref<50000x128xf32, #tpu.memory_space<hbm>> -> memref<50000x128xf32, #tpu.memory_space<hbm>>
        %dma_wait3A_389 = tpu.memref_slice %arg21[%select_n3A_375] : memref<4x!tpu.dma_semaphore, #tpu.memory_space<semaphore_mem>> -> memref<1x!tpu.dma_semaphore, #tpu.memory_space<semaphore_mem>>
        %dma_wait3A_390 = tpu.memref_squeeze %dma_wait3A_389 : memref<1x!tpu.dma_semaphore, #tpu.memory_space<semaphore_mem>> -> memref<!tpu.dma_semaphore, #tpu.memory_space<semaphore_mem>>
        tpu.wait_indirect_dma semaphore(%dma_wait3A_390 : memref<!tpu.dma_semaphore, #tpu.memory_space<semaphore_mem>>) src(%dma_wait3A_388 : memref<50000x128xf32, #tpu.memory_space<hbm>>) dst(%dma_wait3A_379 : memref<32x128xf32, #tpu.memory_space<vmem>>)
        %dma_start3A_391 = arith.constant 0 : i32
        %dma_start3A_392 = arith.constant 0 : i32
        %dma_start3A_393 = tpu.memref_slice %arg18[%select_n3A_375, %dma_start3A_391, %dma_start3A_392] : memref<4x32x128xf32, #tpu.memory_space<vmem>> -> memref<1x32x128xf32, #tpu.memory_space<vmem>>
        %dma_start3A_394 = tpu.memref_squeeze %dma_start3A_393 : memref<1x32x128xf32, #tpu.memory_space<vmem>> -> memref<32x128xf32, #tpu.memory_space<vmem>>
        %dma_start3A_395 = arith.constant 0 : i32
        %dma_start3A_396 = tpu.memref_slice %arg17[%while3A_358, %dma_start3A_395] : memref<30x32xi32, #tpu.memory_space<vmem>> -> memref<1x32xi32, #tpu.memory_space<vmem>>
        %dma_start3A_397 = tpu.memref_squeeze %dma_start3A_396 : memref<1x32xi32, #tpu.memory_space<vmem>> -> memref<32xi32, #tpu.memory_space<vmem>>
        %dma_start3A_398 = arith.constant 0 : i32
        %dma_start3A_399 = arith.constant 0 : i32
        %dma_start3A_400 = tpu.memref_slice %arg8[%dma_start3A_398, %dma_start3A_399] : memref<12576x128xf32, #tpu.memory_space<vmem_shared>> -> memref<12576x128xf32, #tpu.memory_space<vmem_shared>>
        %dma_start3A_401 = tpu.memref_slice %arg22[%select_n3A_375] : memref<4x!tpu.dma_semaphore, #tpu.memory_space<semaphore_mem>> -> memref<1x!tpu.dma_semaphore, #tpu.memory_space<semaphore_mem>>
        %dma_start3A_402 = tpu.memref_squeeze %dma_start3A_401 : memref<1x!tpu.dma_semaphore, #tpu.memory_space<semaphore_mem>> -> memref<!tpu.dma_semaphore, #tpu.memory_space<semaphore_mem>>
        tpu.enqueue_indirect_dma source(%dma_start3A_394 : memref<32x128xf32, #tpu.memory_space<vmem>>) target(%dma_start3A_400 : memref<12576x128xf32, #tpu.memory_space<vmem_shared>>) offsets(%dma_start3A_397 : memref<32xi32, #tpu.memory_space<vmem>>) semaphore(%dma_start3A_402 : memref<!tpu.dma_semaphore, #tpu.memory_space<semaphore_mem>>) {add = true}
        %dma_start3A_403 = arith.constant 0 : i32
        %dma_start3A_404 = tpu.memref_slice %arg17[%while3A_358, %dma_start3A_403] : memref<30x32xi32, #tpu.memory_space<vmem>> -> memref<1x32xi32, #tpu.memory_space<vmem>>
        %dma_start3A_405 = tpu.memref_squeeze %dma_start3A_404 : memref<1x32xi32, #tpu.memory_space<vmem>> -> memref<32xi32, #tpu.memory_space<vmem>>
        %dma_start3A_406 = arith.constant 0 : i32
        %dma_start3A_407 = tpu.memref_slice %arg9[%dma_start3A_406] : memref<12576xf32, #tpu.memory_space<vmem_shared>> -> memref<12576xf32, #tpu.memory_space<vmem_shared>>
        %dma_start3A_408 = tpu.memref_slice %arg22[%select_n3A_375] : memref<4x!tpu.dma_semaphore, #tpu.memory_space<semaphore_mem>> -> memref<1x!tpu.dma_semaphore, #tpu.memory_space<semaphore_mem>>
        %dma_start3A_409 = tpu.memref_squeeze %dma_start3A_408 : memref<1x!tpu.dma_semaphore, #tpu.memory_space<semaphore_mem>> -> memref<!tpu.dma_semaphore, #tpu.memory_space<semaphore_mem>>
        tpu.enqueue_indirect_dma source(%arg19 : memref<32xf32, #tpu.memory_space<vmem>>) target(%dma_start3A_407 : memref<12576xf32, #tpu.memory_space<vmem_shared>>) offsets(%dma_start3A_405 : memref<32xi32, #tpu.memory_space<vmem>>) semaphore(%dma_start3A_409 : memref<!tpu.dma_semaphore, #tpu.memory_space<semaphore_mem>>) {add = true}
        %add3A_410 = arith.constant 4 : i32
        %add3A_411 = arith.addi %while3A_358, %add3A_410 : i32
        %lt3A_412 = arith.cmpi slt, %add3A_411, %select_n3A_294 : i32
        %convert_element_type3A_413 = arith.extui %lt3A_412 : i1 to i32
        %cond3A_414 = arith.constant 0 : i32
        %cond3A_415 = arith.cmpi ne, %convert_element_type3A_413, %cond3A_414 : i32
        scf.if %cond3A_415 {
          %dma_wait3A_417 = arith.constant 0 : i32
          %dma_wait3A_418 = arith.constant 0 : i32
          %dma_wait3A_419 = tpu.memref_slice %arg18[%select_n3A_375, %dma_wait3A_417, %dma_wait3A_418] : memref<4x32x128xf32, #tpu.memory_space<vmem>> -> memref<1x32x128xf32, #tpu.memory_space<vmem>>
          %dma_wait3A_420 = tpu.memref_squeeze %dma_wait3A_419 : memref<1x32x128xf32, #tpu.memory_space<vmem>> -> memref<32x128xf32, #tpu.memory_space<vmem>>
          %dma_wait3A_421 = arith.constant 0 : i32
          %dma_wait3A_422 = tpu.memref_slice %arg17[%while3A_358, %dma_wait3A_421] : memref<30x32xi32, #tpu.memory_space<vmem>> -> memref<1x32xi32, #tpu.memory_space<vmem>>
          %dma_wait3A_423 = tpu.memref_squeeze %dma_wait3A_422 : memref<1x32xi32, #tpu.memory_space<vmem>> -> memref<32xi32, #tpu.memory_space<vmem>>
          %dma_wait3A_424 = arith.constant 0 : i32
          %dma_wait3A_425 = arith.constant 0 : i32
          %dma_wait3A_426 = tpu.memref_slice %arg8[%dma_wait3A_424, %dma_wait3A_425] : memref<12576x128xf32, #tpu.memory_space<vmem_shared>> -> memref<12576x128xf32, #tpu.memory_space<vmem_shared>>
          %dma_wait3A_427 = tpu.memref_slice %arg22[%select_n3A_375] : memref<4x!tpu.dma_semaphore, #tpu.memory_space<semaphore_mem>> -> memref<1x!tpu.dma_semaphore, #tpu.memory_space<semaphore_mem>>
          %dma_wait3A_428 = tpu.memref_squeeze %dma_wait3A_427 : memref<1x!tpu.dma_semaphore, #tpu.memory_space<semaphore_mem>> -> memref<!tpu.dma_semaphore, #tpu.memory_space<semaphore_mem>>
          tpu.wait_indirect_dma semaphore(%dma_wait3A_428 : memref<!tpu.dma_semaphore, #tpu.memory_space<semaphore_mem>>) src(%dma_wait3A_420 : memref<32x128xf32, #tpu.memory_space<vmem>>) dst(%dma_wait3A_426 : memref<12576x128xf32, #tpu.memory_space<vmem_shared>>)
          %dma_wait3A_429 = arith.constant 0 : i32
          %dma_wait3A_430 = tpu.memref_slice %arg17[%while3A_358, %dma_wait3A_429] : memref<30x32xi32, #tpu.memory_space<vmem>> -> memref<1x32xi32, #tpu.memory_space<vmem>>
          %dma_wait3A_431 = tpu.memref_squeeze %dma_wait3A_430 : memref<1x32xi32, #tpu.memory_space<vmem>> -> memref<32xi32, #tpu.memory_space<vmem>>
          %dma_wait3A_432 = arith.constant 0 : i32
          %dma_wait3A_433 = tpu.memref_slice %arg9[%dma_wait3A_432] : memref<12576xf32, #tpu.memory_space<vmem_shared>> -> memref<12576xf32, #tpu.memory_space<vmem_shared>>
          %dma_wait3A_434 = tpu.memref_slice %arg22[%select_n3A_375] : memref<4x!tpu.dma_semaphore, #tpu.memory_space<semaphore_mem>> -> memref<1x!tpu.dma_semaphore, #tpu.memory_space<semaphore_mem>>
          %dma_wait3A_435 = tpu.memref_squeeze %dma_wait3A_434 : memref<1x!tpu.dma_semaphore, #tpu.memory_space<semaphore_mem>> -> memref<!tpu.dma_semaphore, #tpu.memory_space<semaphore_mem>>
          tpu.wait_indirect_dma semaphore(%dma_wait3A_435 : memref<!tpu.dma_semaphore, #tpu.memory_space<semaphore_mem>>) src(%arg19 : memref<32xf32, #tpu.memory_space<vmem>>) dst(%dma_wait3A_433 : memref<12576xf32, #tpu.memory_space<vmem_shared>>)
          %add3A_436 = arith.constant 4 : i32
          %add3A_437 = arith.addi %while3A_358, %add3A_436 : i32
          %mul3A_438 = arith.constant 32 : i32
          %mul3A_439 = arith.muli %add3A_437, %mul3A_438 : i32
          %multiple_of3A_440 = tpu.assume_multiple %mul3A_439, 32 : i32
          %dma_start3A_441 = arith.constant 0 : i32
          %dma_start3A_442 = arith.constant 0 : i32
          %dma_start3A_443 = tpu.memref_slice %arg18[%select_n3A_375, %dma_start3A_441, %dma_start3A_442] : memref<4x32x128xf32, #tpu.memory_space<vmem>> -> memref<1x32x128xf32, #tpu.memory_space<vmem>>
          %dma_start3A_444 = tpu.memref_squeeze %dma_start3A_443 : memref<1x32x128xf32, #tpu.memory_space<vmem>> -> memref<32x128xf32, #tpu.memory_space<vmem>>
          %dma_start3A_445 = tpu.memref_slice %arg16[%multiple_of3A_440] : memref<992xi32, #tpu.memory_space<vmem>> -> memref<32xi32, #tpu.memory_space<vmem>>
          %dma_start3A_446 = arith.constant 0 : i32
          %dma_start3A_447 = arith.constant 0 : i32
          %dma_start3A_448 = tpu.memref_slice %arg2[%select_n3A, %dma_start3A_446, %dma_start3A_447] : memref<8x50000x128xf32, #tpu.memory_space<hbm>> -> memref<1x50000x128xf32, #tpu.memory_space<hbm>>
          %dma_start3A_449 = tpu.memref_squeeze %dma_start3A_448 : memref<1x50000x128xf32, #tpu.memory_space<hbm>> -> memref<50000x128xf32, #tpu.memory_space<hbm>>
          %dma_start3A_450 = arith.constant 0 : i32
          %dma_start3A_451 = arith.constant 0 : i32
          %dma_start3A_452 = tpu.memref_slice %dma_start3A_449[%dma_start3A_450, %dma_start3A_451] : memref<50000x128xf32, #tpu.memory_space<hbm>> -> memref<50000x128xf32, #tpu.memory_space<hbm>>
          %dma_start3A_453 = tpu.memref_slice %arg21[%select_n3A_375] : memref<4x!tpu.dma_semaphore, #tpu.memory_space<semaphore_mem>> -> memref<1x!tpu.dma_semaphore, #tpu.memory_space<semaphore_mem>>
          %dma_start3A_454 = tpu.memref_squeeze %dma_start3A_453 : memref<1x!tpu.dma_semaphore, #tpu.memory_space<semaphore_mem>> -> memref<!tpu.dma_semaphore, #tpu.memory_space<semaphore_mem>>
          tpu.enqueue_indirect_dma source(%dma_start3A_452 : memref<50000x128xf32, #tpu.memory_space<hbm>>) target(%dma_start3A_444 : memref<32x128xf32, #tpu.memory_space<vmem>>) offsets(%dma_start3A_445 : memref<32xi32, #tpu.memory_space<vmem>>) semaphore(%dma_start3A_454 : memref<!tpu.dma_semaphore, #tpu.memory_space<semaphore_mem>>)
        } else {
        }
        %while3A_416 = arith.constant 0 : i32
        scf.yield %while3A_416 : i32
      }
      %while3A_355 = arith.constant 1 : i32
      %while3A_356 = scf.for %while3A_358 = %while3A_352 to %while3A_348 step %while3A_355 iter_args(%while3A_359 = %while3A_354) -> (i32)  : i32 {
        %jit3A_360 = arith.constant 4 : i32
        %eq3A_361 = arith.constant 0 : i32
        %eq3A_362 = arith.cmpi eq, %jit3A_360, %eq3A_361 : i32
        %jit3A_363 = arith.constant 1 : i32
        %select_n3A_364 = arith.select %eq3A_362, %jit3A_363, %jit3A_360 : i32
        %rem3A_365 = arith.remsi %while3A_358, %select_n3A_364 : i32
        %ne3A_366 = arith.constant 0 : i32
        %ne3A_367 = arith.cmpi ne, %rem3A_365, %ne3A_366 : i32
        %lt3A_368 = arith.constant 0 : i32
        %lt3A_369 = arith.cmpi slt, %rem3A_365, %lt3A_368 : i32
        %lt3A_370 = arith.constant 0 : i32
        %lt3A_371 = arith.cmpi slt, %select_n3A_364, %lt3A_370 : i32
        %ne3A_372 = arith.xori %lt3A_369, %lt3A_371 : i1
        %and3A_373 = arith.andi %ne3A_372, %ne3A_367 : i1
        %add3A_374 = arith.addi %rem3A_365, %select_n3A_364 : i32
        %select_n3A_375 = arith.select %and3A_373, %add3A_374, %rem3A_365 : i32
        %dma_wait3A_376 = arith.constant 0 : i32
        %dma_wait3A_377 = arith.constant 0 : i32
        %dma_wait3A_378 = tpu.memref_slice %arg18[%select_n3A_375, %dma_wait3A_376, %dma_wait3A_377] : memref<4x32x128xf32, #tpu.memory_space<vmem>> -> memref<1x32x128xf32, #tpu.memory_space<vmem>>
        %dma_wait3A_379 = tpu.memref_squeeze %dma_wait3A_378 : memref<1x32x128xf32, #tpu.memory_space<vmem>> -> memref<32x128xf32, #tpu.memory_space<vmem>>
        %dma_wait3A_380 = arith.constant 0 : i32
        %dma_wait3A_381 = tpu.memref_slice %arg16[%dma_wait3A_380] : memref<992xi32, #tpu.memory_space<vmem>> -> memref<32xi32, #tpu.memory_space<vmem>>
        %dma_wait3A_382 = arith.constant 0 : i32
        %dma_wait3A_383 = arith.constant 0 : i32
        %dma_wait3A_384 = tpu.memref_slice %arg2[%select_n3A, %dma_wait3A_382, %dma_wait3A_383] : memref<8x50000x128xf32, #tpu.memory_space<hbm>> -> memref<1x50000x128xf32, #tpu.memory_space<hbm>>
        %dma_wait3A_385 = tpu.memref_squeeze %dma_wait3A_384 : memref<1x50000x128xf32, #tpu.memory_space<hbm>> -> memref<50000x128xf32, #tpu.memory_space<hbm>>
        %dma_wait3A_386 = arith.constant 0 : i32
        %dma_wait3A_387 = arith.constant 0 : i32
        %dma_wait3A_388 = tpu.memref_slice %dma_wait3A_385[%dma_wait3A_386, %dma_wait3A_387] : memref<50000x128xf32, #tpu.memory_space<hbm>> -> memref<50000x128xf32, #tpu.memory_space<hbm>>
        %dma_wait3A_389 = tpu.memref_slice %arg21[%select_n3A_375] : memref<4x!tpu.dma_semaphore, #tpu.memory_space<semaphore_mem>> -> memref<1x!tpu.dma_semaphore, #tpu.memory_space<semaphore_mem>>
        %dma_wait3A_390 = tpu.memref_squeeze %dma_wait3A_389 : memref<1x!tpu.dma_semaphore, #tpu.memory_space<semaphore_mem>> -> memref<!tpu.dma_semaphore, #tpu.memory_space<semaphore_mem>>
        tpu.wait_indirect_dma semaphore(%dma_wait3A_390 : memref<!tpu.dma_semaphore, #tpu.memory_space<semaphore_mem>>) src(%dma_wait3A_388 : memref<50000x128xf32, #tpu.memory_space<hbm>>) dst(%dma_wait3A_379 : memref<32x128xf32, #tpu.memory_space<vmem>>)
        %dma_start3A_391 = arith.constant 0 : i32
        %dma_start3A_392 = arith.constant 0 : i32
        %dma_start3A_393 = tpu.memref_slice %arg18[%select_n3A_375, %dma_start3A_391, %dma_start3A_392] : memref<4x32x128xf32, #tpu.memory_space<vmem>> -> memref<1x32x128xf32, #tpu.memory_space<vmem>>
        %dma_start3A_394 = tpu.memref_squeeze %dma_start3A_393 : memref<1x32x128xf32, #tpu.memory_space<vmem>> -> memref<32x128xf32, #tpu.memory_space<vmem>>
        %dma_start3A_395 = arith.constant 0 : i32
        %dma_start3A_396 = tpu.memref_slice %arg17[%while3A_358, %dma_start3A_395] : memref<30x32xi32, #tpu.memory_space<vmem>> -> memref<1x32xi32, #tpu.memory_space<vmem>>
        %dma_start3A_397 = tpu.memref_squeeze %dma_start3A_396 : memref<1x32xi32, #tpu.memory_space<vmem>> -> memref<32xi32, #tpu.memory_space<vmem>>
        %dma_start3A_398 = arith.constant 0 : i32
        %dma_start3A_399 = arith.constant 0 : i32
        %dma_start3A_400 = tpu.memref_slice %arg8[%dma_start3A_398, %dma_start3A_399] : memref<12576x128xf32, #tpu.memory_space<vmem_shared>> -> memref<12576x128xf32, #tpu.memory_space<vmem_shared>>
        %dma_start3A_401 = tpu.memref_slice %arg22[%select_n3A_375] : memref<4x!tpu.dma_semaphore, #tpu.memory_space<semaphore_mem>> -> memref<1x!tpu.dma_semaphore, #tpu.memory_space<semaphore_mem>>
        %dma_start3A_402 = tpu.memref_squeeze %dma_start3A_401 : memref<1x!tpu.dma_semaphore, #tpu.memory_space<semaphore_mem>> -> memref<!tpu.dma_semaphore, #tpu.memory_space<semaphore_mem>>
        tpu.enqueue_indirect_dma source(%dma_start3A_394 : memref<32x128xf32, #tpu.memory_space<vmem>>) target(%dma_start3A_400 : memref<12576x128xf32, #tpu.memory_space<vmem_shared>>) offsets(%dma_start3A_397 : memref<32xi32, #tpu.memory_space<vmem>>) semaphore(%dma_start3A_402 : memref<!tpu.dma_semaphore, #tpu.memory_space<semaphore_mem>>) {add = true}
        %dma_start3A_403 = arith.constant 0 : i32
        %dma_start3A_404 = tpu.memref_slice %arg17[%while3A_358, %dma_start3A_403] : memref<30x32xi32, #tpu.memory_space<vmem>> -> memref<1x32xi32, #tpu.memory_space<vmem>>
        %dma_start3A_405 = tpu.memref_squeeze %dma_start3A_404 : memref<1x32xi32, #tpu.memory_space<vmem>> -> memref<32xi32, #tpu.memory_space<vmem>>
        %dma_start3A_406 = arith.constant 0 : i32
        %dma_start3A_407 = tpu.memref_slice %arg9[%dma_start3A_406] : memref<12576xf32, #tpu.memory_space<vmem_shared>> -> memref<12576xf32, #tpu.memory_space<vmem_shared>>
        %dma_start3A_408 = tpu.memref_slice %arg22[%select_n3A_375] : memref<4x!tpu.dma_semaphore, #tpu.memory_space<semaphore_mem>> -> memref<1x!tpu.dma_semaphore, #tpu.memory_space<semaphore_mem>>
        %dma_start3A_409 = tpu.memref_squeeze %dma_start3A_408 : memref<1x!tpu.dma_semaphore, #tpu.memory_space<semaphore_mem>> -> memref<!tpu.dma_semaphore, #tpu.memory_space<semaphore_mem>>
        tpu.enqueue_indirect_dma source(%arg19 : memref<32xf32, #tpu.memory_space<vmem>>) target(%dma_start3A_407 : memref<12576xf32, #tpu.memory_space<vmem_shared>>) offsets(%dma_start3A_405 : memref<32xi32, #tpu.memory_space<vmem>>) semaphore(%dma_start3A_409 : memref<!tpu.dma_semaphore, #tpu.memory_space<semaphore_mem>>) {add = true}
        %add3A_410 = arith.constant 4 : i32
        %add3A_411 = arith.addi %while3A_358, %add3A_410 : i32
        %lt3A_412 = arith.cmpi slt, %add3A_411, %select_n3A_294 : i32
        %convert_element_type3A_413 = arith.extui %lt3A_412 : i1 to i32
        %cond3A_414 = arith.constant 0 : i32
        %cond3A_415 = arith.cmpi ne, %convert_element_type3A_413, %cond3A_414 : i32
        scf.if %cond3A_415 {
          %dma_wait3A_417 = arith.constant 0 : i32
          %dma_wait3A_418 = arith.constant 0 : i32
          %dma_wait3A_419 = tpu.memref_slice %arg18[%select_n3A_375, %dma_wait3A_417, %dma_wait3A_418] : memref<4x32x128xf32, #tpu.memory_space<vmem>> -> memref<1x32x128xf32, #tpu.memory_space<vmem>>
          %dma_wait3A_420 = tpu.memref_squeeze %dma_wait3A_419 : memref<1x32x128xf32, #tpu.memory_space<vmem>> -> memref<32x128xf32, #tpu.memory_space<vmem>>
          %dma_wait3A_421 = arith.constant 0 : i32
          %dma_wait3A_422 = tpu.memref_slice %arg17[%while3A_358, %dma_wait3A_421] : memref<30x32xi32, #tpu.memory_space<vmem>> -> memref<1x32xi32, #tpu.memory_space<vmem>>
          %dma_wait3A_423 = tpu.memref_squeeze %dma_wait3A_422 : memref<1x32xi32, #tpu.memory_space<vmem>> -> memref<32xi32, #tpu.memory_space<vmem>>
          %dma_wait3A_424 = arith.constant 0 : i32
          %dma_wait3A_425 = arith.constant 0 : i32
          %dma_wait3A_426 = tpu.memref_slice %arg8[%dma_wait3A_424, %dma_wait3A_425] : memref<12576x128xf32, #tpu.memory_space<vmem_shared>> -> memref<12576x128xf32, #tpu.memory_space<vmem_shared>>
          %dma_wait3A_427 = tpu.memref_slice %arg22[%select_n3A_375] : memref<4x!tpu.dma_semaphore, #tpu.memory_space<semaphore_mem>> -> memref<1x!tpu.dma_semaphore, #tpu.memory_space<semaphore_mem>>
          %dma_wait3A_428 = tpu.memref_squeeze %dma_wait3A_427 : memref<1x!tpu.dma_semaphore, #tpu.memory_space<semaphore_mem>> -> memref<!tpu.dma_semaphore, #tpu.memory_space<semaphore_mem>>
          tpu.wait_indirect_dma semaphore(%dma_wait3A_428 : memref<!tpu.dma_semaphore, #tpu.memory_space<semaphore_mem>>) src(%dma_wait3A_420 : memref<32x128xf32, #tpu.memory_space<vmem>>) dst(%dma_wait3A_426 : memref<12576x128xf32, #tpu.memory_space<vmem_shared>>)
          %dma_wait3A_429 = arith.constant 0 : i32
          %dma_wait3A_430 = tpu.memref_slice %arg17[%while3A_358, %dma_wait3A_429] : memref<30x32xi32, #tpu.memory_space<vmem>> -> memref<1x32xi32, #tpu.memory_space<vmem>>
          %dma_wait3A_431 = tpu.memref_squeeze %dma_wait3A_430 : memref<1x32xi32, #tpu.memory_space<vmem>> -> memref<32xi32, #tpu.memory_space<vmem>>
          %dma_wait3A_432 = arith.constant 0 : i32
          %dma_wait3A_433 = tpu.memref_slice %arg9[%dma_wait3A_432] : memref<12576xf32, #tpu.memory_space<vmem_shared>> -> memref<12576xf32, #tpu.memory_space<vmem_shared>>
          %dma_wait3A_434 = tpu.memref_slice %arg22[%select_n3A_375] : memref<4x!tpu.dma_semaphore, #tpu.memory_space<semaphore_mem>> -> memref<1x!tpu.dma_semaphore, #tpu.memory_space<semaphore_mem>>
          %dma_wait3A_435 = tpu.memref_squeeze %dma_wait3A_434 : memref<1x!tpu.dma_semaphore, #tpu.memory_space<semaphore_mem>> -> memref<!tpu.dma_semaphore, #tpu.memory_space<semaphore_mem>>
          tpu.wait_indirect_dma semaphore(%dma_wait3A_435 : memref<!tpu.dma_semaphore, #tpu.memory_space<semaphore_mem>>) src(%arg19 : memref<32xf32, #tpu.memory_space<vmem>>) dst(%dma_wait3A_433 : memref<12576xf32, #tpu.memory_space<vmem_shared>>)
          %add3A_436 = arith.constant 4 : i32
          %add3A_437 = arith.addi %while3A_358, %add3A_436 : i32
          %mul3A_438 = arith.constant 32 : i32
          %mul3A_439 = arith.muli %add3A_437, %mul3A_438 : i32
          %multiple_of3A_440 = tpu.assume_multiple %mul3A_439, 32 : i32
          %dma_start3A_441 = arith.constant 0 : i32
          %dma_start3A_442 = arith.constant 0 : i32
          %dma_start3A_443 = tpu.memref_slice %arg18[%select_n3A_375, %dma_start3A_441, %dma_start3A_442] : memref<4x32x128xf32, #tpu.memory_space<vmem>> -> memref<1x32x128xf32, #tpu.memory_space<vmem>>
          %dma_start3A_444 = tpu.memref_squeeze %dma_start3A_443 : memref<1x32x128xf32, #tpu.memory_space<vmem>> -> memref<32x128xf32, #tpu.memory_space<vmem>>
          %dma_start3A_445 = tpu.memref_slice %arg16[%multiple_of3A_440] : memref<992xi32, #tpu.memory_space<vmem>> -> memref<32xi32, #tpu.memory_space<vmem>>
          %dma_start3A_446 = arith.constant 0 : i32
          %dma_start3A_447 = arith.constant 0 : i32
          %dma_start3A_448 = tpu.memref_slice %arg2[%select_n3A, %dma_start3A_446, %dma_start3A_447] : memref<8x50000x128xf32, #tpu.memory_space<hbm>> -> memref<1x50000x128xf32, #tpu.memory_space<hbm>>
          %dma_start3A_449 = tpu.memref_squeeze %dma_start3A_448 : memref<1x50000x128xf32, #tpu.memory_space<hbm>> -> memref<50000x128xf32, #tpu.memory_space<hbm>>
          %dma_start3A_450 = arith.constant 0 : i32
          %dma_start3A_451 = arith.constant 0 : i32
          %dma_start3A_452 = tpu.memref_slice %dma_start3A_449[%dma_start3A_450, %dma_start3A_451] : memref<50000x128xf32, #tpu.memory_space<hbm>> -> memref<50000x128xf32, #tpu.memory_space<hbm>>
          %dma_start3A_453 = tpu.memref_slice %arg21[%select_n3A_375] : memref<4x!tpu.dma_semaphore, #tpu.memory_space<semaphore_mem>> -> memref<1x!tpu.dma_semaphore, #tpu.memory_space<semaphore_mem>>
          %dma_start3A_454 = tpu.memref_squeeze %dma_start3A_453 : memref<1x!tpu.dma_semaphore, #tpu.memory_space<semaphore_mem>> -> memref<!tpu.dma_semaphore, #tpu.memory_space<semaphore_mem>>
          tpu.enqueue_indirect_dma source(%dma_start3A_452 : memref<50000x128xf32, #tpu.memory_space<hbm>>) target(%dma_start3A_444 : memref<32x128xf32, #tpu.memory_space<vmem>>) offsets(%dma_start3A_445 : memref<32xi32, #tpu.memory_space<vmem>>) semaphore(%dma_start3A_454 : memref<!tpu.dma_semaphore, #tpu.memory_space<semaphore_mem>>)
        } else {
        }
        %while3A_416 = arith.constant 0 : i32
        scf.yield %while3A_416 : i32
      }
      %min3A = arith.constant 4 : i32
      %min3A_357 = arith.minsi %select_n3A_294, %min3A : i32
      scf.yield %min3A_357 : i32
    }
    %scan3A_117 = arith.constant 80 : i32
    %scan3A_118 = arith.constant 0 : i32
    %scan3A_119 = arith.constant 0 : i32
    %scan3A_120 = arith.constant 4 : i32
    %scan3A_121 = arith.addi %scan3A_119, %scan3A_120 : i32
    %scan3A_122 = arith.constant 1 : i32
    %scan3A_123 = scf.for %scan3A_148 = %scan3A_119 to %scan3A_121 step %scan3A_122 iter_args(%scan3A_149 = %scan3A_118) -> (i32)  : i32 {
      %lt3A = arith.cmpi slt, %scan3A_148, %scan3A_116 : i32
      %convert_element_type3A_150 = arith.extui %lt3A : i1 to i32
      %cond3A_151 = arith.constant 0 : i32
      %cond3A_152 = arith.cmpi ne, %convert_element_type3A_150, %cond3A_151 : i32
      scf.if %cond3A_152 {
        %dma_wait3A_154 = arith.constant 0 : i32
        %dma_wait3A_155 = arith.constant 0 : i32
        %dma_wait3A_156 = arith.constant 0 : i32
        %dma_wait3A_157 = tpu.memref_slice %arg18[%scan3A_148, %dma_wait3A_155, %dma_wait3A_156] : memref<4x32x128xf32, #tpu.memory_space<vmem>> -> memref<1x32x128xf32, #tpu.memory_space<vmem>>
        %dma_wait3A_158 = tpu.memref_squeeze %dma_wait3A_157 : memref<1x32x128xf32, #tpu.memory_space<vmem>> -> memref<32x128xf32, #tpu.memory_space<vmem>>
        %dma_wait3A_159 = arith.constant 0 : i32
        %dma_wait3A_160 = tpu.memref_slice %arg17[%dma_wait3A_154, %dma_wait3A_159] : memref<30x32xi32, #tpu.memory_space<vmem>> -> memref<1x32xi32, #tpu.memory_space<vmem>>
        %dma_wait3A_161 = tpu.memref_squeeze %dma_wait3A_160 : memref<1x32xi32, #tpu.memory_space<vmem>> -> memref<32xi32, #tpu.memory_space<vmem>>
        %dma_wait3A_162 = arith.constant 0 : i32
        %dma_wait3A_163 = arith.constant 0 : i32
        %dma_wait3A_164 = tpu.memref_slice %arg8[%dma_wait3A_162, %dma_wait3A_163] : memref<12576x128xf32, #tpu.memory_space<vmem_shared>> -> memref<12576x128xf32, #tpu.memory_space<vmem_shared>>
        %dma_wait3A_165 = tpu.memref_slice %arg22[%scan3A_148] : memref<4x!tpu.dma_semaphore, #tpu.memory_space<semaphore_mem>> -> memref<1x!tpu.dma_semaphore, #tpu.memory_space<semaphore_mem>>
        %dma_wait3A_166 = tpu.memref_squeeze %dma_wait3A_165 : memref<1x!tpu.dma_semaphore, #tpu.memory_space<semaphore_mem>> -> memref<!tpu.dma_semaphore, #tpu.memory_space<semaphore_mem>>
        tpu.wait_indirect_dma semaphore(%dma_wait3A_166 : memref<!tpu.dma_semaphore, #tpu.memory_space<semaphore_mem>>) src(%dma_wait3A_158 : memref<32x128xf32, #tpu.memory_space<vmem>>) dst(%dma_wait3A_164 : memref<12576x128xf32, #tpu.memory_space<vmem_shared>>)
        %dma_wait3A_167 = arith.constant 0 : i32
        %dma_wait3A_168 = arith.constant 0 : i32
        %dma_wait3A_169 = tpu.memref_slice %arg17[%dma_wait3A_167, %dma_wait3A_168] : memref<30x32xi32, #tpu.memory_space<vmem>> -> memref<1x32xi32, #tpu.memory_space<vmem>>
        %dma_wait3A_170 = tpu.memref_squeeze %dma_wait3A_169 : memref<1x32xi32, #tpu.memory_space<vmem>> -> memref<32xi32, #tpu.memory_space<vmem>>
        %dma_wait3A_171 = arith.constant 0 : i32
        %dma_wait3A_172 = tpu.memref_slice %arg9[%dma_wait3A_171] : memref<12576xf32, #tpu.memory_space<vmem_shared>> -> memref<12576xf32, #tpu.memory_space<vmem_shared>>
        %dma_wait3A_173 = tpu.memref_slice %arg22[%scan3A_148] : memref<4x!tpu.dma_semaphore, #tpu.memory_space<semaphore_mem>> -> memref<1x!tpu.dma_semaphore, #tpu.memory_space<semaphore_mem>>
        %dma_wait3A_174 = tpu.memref_squeeze %dma_wait3A_173 : memref<1x!tpu.dma_semaphore, #tpu.memory_space<semaphore_mem>> -> memref<!tpu.dma_semaphore, #tpu.memory_space<semaphore_mem>>
        tpu.wait_indirect_dma semaphore(%dma_wait3A_174 : memref<!tpu.dma_semaphore, #tpu.memory_space<semaphore_mem>>) src(%arg19 : memref<32xf32, #tpu.memory_space<vmem>>) dst(%dma_wait3A_172 : memref<12576xf32, #tpu.memory_space<vmem_shared>>)
      } else {
      }
      %scan3A_153 = arith.constant 0 : i32
      scf.yield %scan3A_153 : i32
    }
    %scan3A_124 = arith.constant 4 : i32
    %barrier3A_125 = arith.constant 0 : index
    tpu.barrier barrier_id(%barrier3A_125)
    %mul3A_126 = arith.constant 12544 : i32
    %mul3A_127 = arith.muli %add3A_79, %mul3A_126 : i32
    %add3A_128 = arith.addi %mul3A_127, %multiple_of3A_84 : i32
    %multiple_of3A_129 = tpu.assume_multiple %add3A_128, 16 : i32
    %eq3A_130 = arith.constant 3 : i32
    %eq3A_131 = arith.cmpi eq, %add3A_79, %eq3A_130 : i32
    %eq3A_132 = arith.constant 15 : i32
    %eq3A_133 = arith.cmpi eq, %arg1, %eq3A_132 : i32
    %and3A_134 = arith.andi %eq3A_131, %eq3A_133 : i1
    %not3A_135 = arith.constant true
    %not3A_136 = arith.xori %and3A_134, %not3A_135 : i1
    %convert_element_type3A_137 = arith.extui %not3A_136 : i1 to i32
    %cond3A_138 = arith.constant 0 : i32
    %cond3A_139 = arith.cmpi ne, %convert_element_type3A_137, %cond3A_138 : i32
    scf.if %cond3A_139 {
      "tpu.region"() ({
        %run_scoped3A = tpu.sem_alloc : memref<!tpu.dma_semaphore, #tpu.memory_space<semaphore_mem>>
        %dma_start3A_148 = arith.constant 0 : i32
        %dma_start3A_149 = tpu.memref_slice %arg6[%multiple_of3A_129, %dma_start3A_148] : memref<50000x128xf32, #tpu.memory_space<hbm>> -> memref<784x128xf32, #tpu.memory_space<hbm>>
        %dma_start3A_150 = arith.constant 0 : i32
        %dma_start3A_151 = tpu.memref_slice %arg8[%multiple_of3A_84, %dma_start3A_150] : memref<12576x128xf32, #tpu.memory_space<vmem_shared>> -> memref<784x128xf32, #tpu.memory_space<vmem_shared>>
        tpu.enqueue_dma source(%dma_start3A_151 : memref<784x128xf32, #tpu.memory_space<vmem_shared>>) target(%dma_start3A_149 : memref<784x128xf32, #tpu.memory_space<hbm>>) target_semaphore(%run_scoped3A : memref<!tpu.dma_semaphore, #tpu.memory_space<semaphore_mem>>)
        %dma_wait3A_152 = arith.constant 0 : i32
        %dma_wait3A_153 = tpu.memref_slice %arg6[%multiple_of3A_129, %dma_wait3A_152] : memref<50000x128xf32, #tpu.memory_space<hbm>> -> memref<784x128xf32, #tpu.memory_space<hbm>>
        %dma_wait3A_154 = arith.constant 0 : i32
        %dma_wait3A_155 = tpu.memref_slice %arg8[%multiple_of3A_84, %dma_wait3A_154] : memref<12576x128xf32, #tpu.memory_space<vmem_shared>> -> memref<784x128xf32, #tpu.memory_space<vmem_shared>>
        tpu.wait_dma2 semaphore(%run_scoped3A : memref<!tpu.dma_semaphore, #tpu.memory_space<semaphore_mem>>) src(%dma_wait3A_155 : memref<784x128xf32, #tpu.memory_space<vmem_shared>>) dst(%dma_wait3A_153 : memref<784x128xf32, #tpu.memory_space<hbm>>)
        tpu.yield
      }) : () -> ()
    } else {
    }
    %convert_element_type3A_140 = arith.extui %and3A_134 : i1 to i32
    %cond3A_141 = arith.constant 0 : i32
    %cond3A_142 = arith.cmpi ne, %convert_element_type3A_140, %cond3A_141 : i32
    scf.if %cond3A_142 {
      "tpu.region"() ({
        %run_scoped3A = tpu.sem_alloc : memref<!tpu.dma_semaphore, #tpu.memory_space<semaphore_mem>>
        %dma_start3A_148 = arith.constant 0 : i32
        %dma_start3A_149 = tpu.memref_slice %arg6[%multiple_of3A_129, %dma_start3A_148] : memref<50000x128xf32, #tpu.memory_space<hbm>> -> memref<608x128xf32, #tpu.memory_space<hbm>>
        %dma_start3A_150 = arith.constant 0 : i32
        %dma_start3A_151 = tpu.memref_slice %arg8[%multiple_of3A_84, %dma_start3A_150] : memref<12576x128xf32, #tpu.memory_space<vmem_shared>> -> memref<608x128xf32, #tpu.memory_space<vmem_shared>>
        tpu.enqueue_dma source(%dma_start3A_151 : memref<608x128xf32, #tpu.memory_space<vmem_shared>>) target(%dma_start3A_149 : memref<608x128xf32, #tpu.memory_space<hbm>>) target_semaphore(%run_scoped3A : memref<!tpu.dma_semaphore, #tpu.memory_space<semaphore_mem>>)
        %dma_wait3A_152 = arith.constant 0 : i32
        %dma_wait3A_153 = tpu.memref_slice %arg6[%multiple_of3A_129, %dma_wait3A_152] : memref<50000x128xf32, #tpu.memory_space<hbm>> -> memref<608x128xf32, #tpu.memory_space<hbm>>
        %dma_wait3A_154 = arith.constant 0 : i32
        %dma_wait3A_155 = tpu.memref_slice %arg8[%multiple_of3A_84, %dma_wait3A_154] : memref<12576x128xf32, #tpu.memory_space<vmem_shared>> -> memref<608x128xf32, #tpu.memory_space<vmem_shared>>
        tpu.wait_dma2 semaphore(%run_scoped3A : memref<!tpu.dma_semaphore, #tpu.memory_space<semaphore_mem>>) src(%dma_wait3A_155 : memref<608x128xf32, #tpu.memory_space<vmem_shared>>) dst(%dma_wait3A_153 : memref<608x128xf32, #tpu.memory_space<hbm>>)
        tpu.yield
      }) : () -> ()
    } else {
    }
    %dma_start3A_143 = arith.constant 0 : i32
    %dma_start3A_144 = tpu.memref_slice %arg9[%dma_start3A_143] : memref<12576xf32, #tpu.memory_space<vmem_shared>> -> memref<12576xf32, #tpu.memory_space<vmem_shared>>
    tpu.enqueue_indirect_dma source(%dma_start3A_144 : memref<12576xf32, #tpu.memory_space<vmem_shared>>) target(%arg12 : memref<784xf32, #tpu.memory_space<vmem>>) offsets(%arg10 : memref<784xi32, #tpu.memory_space<vmem>>) semaphore(%arg20 : memref<!tpu.dma_semaphore, #tpu.memory_space<semaphore_mem>>)
    %dma_wait3A_145 = arith.constant 0 : i32
    %dma_wait3A_146 = tpu.memref_slice %arg9[%dma_wait3A_145] : memref<12576xf32, #tpu.memory_space<vmem_shared>> -> memref<12576xf32, #tpu.memory_space<vmem_shared>>
    tpu.wait_indirect_dma semaphore(%arg20 : memref<!tpu.dma_semaphore, #tpu.memory_space<semaphore_mem>>) src(%dma_wait3A_146 : memref<12576xf32, #tpu.memory_space<vmem_shared>>) dst(%arg12 : memref<784xf32, #tpu.memory_space<vmem>>)
    "tpu.region"() ({
      %run_scoped3A = tpu.sem_alloc : memref<!tpu.dma_semaphore, #tpu.memory_space<semaphore_mem>>
      %dma_start3A_148 = tpu.memref_slice %arg7[%multiple_of3A_129] : memref<50176xf32, #tpu.memory_space<hbm>> -> memref<784xf32, #tpu.memory_space<hbm>>
      %dma_start3A_149 = tpu.memref_slice %arg7[%multiple_of3A_129] : memref<50176xf32, #tpu.memory_space<hbm>> -> memref<784xf32, #tpu.memory_space<hbm>>
      tpu.enqueue_dma source(%arg12 : memref<784xf32, #tpu.memory_space<vmem>>) target(%dma_start3A_149 : memref<784xf32, #tpu.memory_space<hbm>>) target_semaphore(%run_scoped3A : memref<!tpu.dma_semaphore, #tpu.memory_space<semaphore_mem>>)
      %dma_wait3A_150 = tpu.memref_slice %arg7[%multiple_of3A_129] : memref<50176xf32, #tpu.memory_space<hbm>> -> memref<784xf32, #tpu.memory_space<hbm>>
      %dma_wait3A_151 = tpu.memref_slice %arg7[%multiple_of3A_129] : memref<50176xf32, #tpu.memory_space<hbm>> -> memref<784xf32, #tpu.memory_space<hbm>>
      tpu.wait_dma2 semaphore(%run_scoped3A : memref<!tpu.dma_semaphore, #tpu.memory_space<semaphore_mem>>) src(%arg12 : memref<784xf32, #tpu.memory_space<vmem>>) dst(%dma_wait3A_151 : memref<784xf32, #tpu.memory_space<hbm>>)
      tpu.yield
    }) : () -> ()
    %barrier3A_147 = arith.constant 0 : index
    tpu.barrier barrier_id(%barrier3A_147)
    return
  }
}

module attributes {stable_mosaic.version = 14 : i64} {
  func.func @_mm_body(%arg0: i32, %arg1: i32, %arg2: memref<2000x128xf32, #tpu.memory_space<vmem>>, %arg3: memref<1x128x128xf32, #tpu.memory_space<vmem>>, %arg4: memref<1x1x128xf32, #tpu.memory_space<vmem>>, %arg5: memref<1x2000x128xf32, #tpu.memory_space<vmem>>) attributes {dimension_semantics = [#tpu.dimension_semantics<arbitrary>, #tpu.dimension_semantics<arbitrary>], iteration_bounds = array<i64: 25, 8>, scalar_prefetch = 0 : i64, scratch_operands = 0 : i64, tpu.core_type = #tpu.core_type<tc>, window_params = [{transform_indices = @transform_0, window_bounds = array<i64: 2000, 128>}, {transform_indices = @transform_1, window_bounds = array<i64: 1, 128, 128>}, {transform_indices = @transform_2, window_bounds = array<i64: 1, 1, 128>}, {transform_indices = @transform_3, window_bounds = array<i64: 1, 2000, 128>}]} {
    %get3A = arith.constant 0 : index
    %get3A_0 = arith.constant 0 : index
    %get3A_1 = vector.load %arg2[%get3A, %get3A_0] : memref<2000x128xf32, #tpu.memory_space<vmem>>, vector<2000x128xf32>
    %get3A_2 = arith.constant 0 : index
    %get3A_3 = arith.constant 0 : index
    %get3A_4 = arith.constant 0 : index
    %get3A_5 = vector.load %arg3[%get3A_2, %get3A_3, %get3A_4] : memref<1x128x128xf32, #tpu.memory_space<vmem>>, vector<1x128x128xf32>
    %get3A_6 = vector.shape_cast %get3A_5 : vector<1x128x128xf32> to vector<128x128xf32>
    %dot_general3A = arith.constant dense<0.000000e+00> : vector<2000x128xf32>
    %dot_general3A_7 = tpu.matmul %get3A_1, %get3A_6, %dot_general3A {dimension_numbers = #tpu.dot_dimension_numbers<[1], [0], [0], [1], [0, 0, 1, 1], [], []>, transpose_lhs_hint = false} : vector<2000x128xf32>, vector<128x128xf32>, vector<2000x128xf32> -> vector<2000x128xf32>
    %get3A_8 = arith.constant 0 : index
    %get3A_9 = arith.constant 0 : index
    %get3A_10 = arith.constant 0 : index
    %get3A_11 = vector.load %arg4[%get3A_8, %get3A_9, %get3A_10] : memref<1x1x128xf32, #tpu.memory_space<vmem>>, vector<1x1x128xf32>
    %get3A_12 = vector.shape_cast %get3A_11 : vector<1x1x128xf32> to vector<1x128xf32>
    %add3A = vector.broadcast %get3A_12 : vector<1x128xf32> to vector<2000x128xf32>
    %add3A_13 = arith.addf %dot_general3A_7, %add3A : vector<2000x128xf32>
    %swap3A = arith.constant 0 : index
    %swap3A_14 = arith.constant 0 : index
    %swap3A_15 = arith.constant 0 : index
    %swap3A_16 = vector.load %arg5[%swap3A, %swap3A_14, %swap3A_15] : memref<1x2000x128xf32, #tpu.memory_space<vmem>>, vector<1x2000x128xf32>
    %swap3A_17 = vector.shape_cast %swap3A_16 : vector<1x2000x128xf32> to vector<2000x128xf32>
    %swap3A_18 = vector.shape_cast %add3A_13 : vector<2000x128xf32> to vector<1x2000x128xf32>
    tpu.vector_store %arg5[%swap3A, %swap3A_14, %swap3A_15], %swap3A_18 {strides = array<i32>} : memref<1x2000x128xf32, #tpu.memory_space<vmem>>, vector<1x2000x128xf32>,
    return
  }
  func.func @transform_0(%arg0: i32, %arg1: i32) -> (i32, i32) {
    %c0_i32 = arith.constant 0 : i32
    %c0_i32_0 = arith.constant 0 : i32
    return %arg0, %c0_i32 : i32, i32
  }
  func.func @transform_1(%arg0: i32, %arg1: i32) -> (i32, i32, i32) {
    %c0_i32 = arith.constant 0 : i32
    %c0_i32_0 = arith.constant 0 : i32
    %c0_i32_1 = arith.constant 0 : i32
    return %arg1, %c0_i32, %c0_i32_0 : i32, i32, i32
  }
  func.func @transform_2(%arg0: i32, %arg1: i32) -> (i32, i32, i32) {
    %c0_i32 = arith.constant 0 : i32
    %c0_i32_0 = arith.constant 0 : i32
    %c0_i32_1 = arith.constant 0 : i32
    return %arg1, %c0_i32, %c0_i32_0 : i32, i32, i32
  }
  func.func @transform_3(%arg0: i32, %arg1: i32) -> (i32, i32, i32) {
    %c0_i32 = arith.constant 0 : i32
    %c0_i32_0 = arith.constant 0 : i32
    return %arg1, %arg0, %c0_i32 : i32, i32, i32
  }
}

module attributes {stable_mosaic.version = 14 : i64} {
  func.func @_norm_body(%arg0: i32, %arg1: memref<6272x128xf32, #tpu.memory_space<vmem>>, %arg2: memref<1x1x6272xf32, #tpu.memory_space<vmem>>, %arg3: memref<1x128xf32, #tpu.memory_space<vmem>>, %arg4: memref<6272x128xf32, #tpu.memory_space<vmem>>) attributes {dimension_semantics = [#tpu.dimension_semantics<arbitrary>], iteration_bounds = array<i64: 8>, scalar_prefetch = 0 : i64, scratch_operands = 0 : i64, tpu.core_type = #tpu.core_type<tc>, window_params = [{transform_indices = @transform_0, window_bounds = array<i64: 6272, 128>}, {transform_indices = @transform_1, window_bounds = array<i64: 1, 1, 6272>}, {pipeline_mode = #tpu.pipeline_mode<synchronous>, transform_indices = @transform_2, window_bounds = array<i64: 1, 128>}, {transform_indices = @transform_3, window_bounds = array<i64: 6272, 128>}]} {
    %get3A = arith.constant 0 : index
    %get3A_0 = arith.constant 0 : index
    %get3A_1 = arith.constant 0 : index
    %get3A_2 = vector.load %arg2[%get3A, %get3A_0, %get3A_1] : memref<1x1x6272xf32, #tpu.memory_space<vmem>>, vector<1x1x6272xf32>
    %get3A_3 = vector.shape_cast %get3A_2 : vector<1x1x6272xf32> to vector<1x6272xf32>
    %get3A_4 = arith.constant 0 : index
    %get3A_5 = arith.constant 0 : index
    %get3A_6 = vector.load %arg3[%get3A_4, %get3A_5] : memref<1x128xf32, #tpu.memory_space<vmem>>, vector<1x128xf32>
    %dot_general3A = arith.constant dense<0.000000e+00> : vector<6272x128xf32>
    %dot_general3A_7 = tpu.matmul %get3A_3, %get3A_6, %dot_general3A {dimension_numbers = #tpu.dot_dimension_numbers<[0], [0], [1], [1], [0, 1, 1, 1], [], []>, transpose_lhs_hint = false} : vector<1x6272xf32>, vector<1x128xf32>, vector<6272x128xf32> -> vector<6272x128xf32>
    %eq3A = arith.constant 0.000000e+00 : f32
    %eq3A_8 = vector.broadcast %eq3A : f32 to vector<6272x128xf32>
    %eq3A_9 = arith.cmpf oeq, %dot_general3A_7, %eq3A_8 : vector<6272x128xf32>
    %jit3A = arith.constant 1.000000e+00 : f32
    %broadcast_in_dim3A = vector.broadcast %jit3A : f32 to vector<6272x128xf32>
    %select_n3A = arith.select %eq3A_9, %broadcast_in_dim3A, %dot_general3A_7 : vector<6272x128xi1>, vector<6272x128xf32>
    %div3A = arith.constant 1.000000e+00 : f32
    %div3A_10 = vector.broadcast %div3A : f32 to vector<6272x128xf32>
    %div3A_11 = arith.divf %div3A_10, %select_n3A : vector<6272x128xf32>
    %get3A_12 = arith.constant 0 : index
    %get3A_13 = arith.constant 0 : index
    %get3A_14 = vector.load %arg1[%get3A_12, %get3A_13] : memref<6272x128xf32, #tpu.memory_space<vmem>>, vector<6272x128xf32>
    %mul3A = arith.mulf %get3A_14, %div3A_11 : vector<6272x128xf32>
    %swap3A = arith.constant 0 : index
    %swap3A_15 = arith.constant 0 : index
    %swap3A_16 = vector.load %arg4[%swap3A, %swap3A_15] : memref<6272x128xf32, #tpu.memory_space<vmem>>, vector<6272x128xf32>
    tpu.vector_store %arg4[%swap3A, %swap3A_15], %mul3A {strides = array<i32>} : memref<6272x128xf32, #tpu.memory_space<vmem>>, vector<6272x128xf32>,
    return
  }
  func.func @transform_0(%arg0: i32) -> (i32, i32) {
    %c0_i32 = arith.constant 0 : i32
    %c0_i32_0 = arith.constant 0 : i32
    return %arg0, %c0_i32 : i32, i32
  }
  func.func @transform_1(%arg0: i32) -> (i32, i32, i32) {
    %c0_i32 = arith.constant 0 : i32
    %c0_i32_0 = arith.constant 0 : i32
    %c0_i32_1 = arith.constant 0 : i32
    return %arg0, %c0_i32, %c0_i32_0 : i32, i32, i32
  }
  func.func @transform_2(%arg0: i32) -> (i32, i32) {
    %c0_i32 = arith.constant 0 : i32
    %c0_i32_0 = arith.constant 0 : i32
    %c0_i32_1 = arith.constant 0 : i32
    return %c0_i32, %c0_i32_0 : i32, i32
  }
  func.func @transform_3(%arg0: i32) -> (i32, i32) {
    %c0_i32 = arith.constant 0 : i32
    %c0_i32_0 = arith.constant 0 : i32
    return %arg0, %c0_i32 : i32, i32
  }
}

</mosaic_0001>

<sc_bundles>
// kernel: kernel.5.cloned.1.call-start
scs
__scs_entry_jumppad:
0x0: {  	(pc) =	sbr.rel $0x88, $3  }
0x1: {  	(tag) =	ssettag $0x0;
	lr =	simm.s32 $0x1  }
0x2: {  	[smem:$0x3F9A] =	sst lr;
	_ =	strace $0xD0000000  }
0x3: {  	_ = 	snop  }
0x4: {  	_ = 	snop  }
0x5: {  	_ = 	snop  }
0x6: {  	_ = 	snop  }
0x7: {  	_ = 	snop  }
__scs_overlays_trampoline_lowered:
0x8: {  	[smem:$0x3FA9] =	sst s0  }
0x9: {  	[smem:$0x3FAA] =	sst s1  }
0xa: {  	[smem:$0x3FAB] =	sst s2  }
0xb: {  	[smem:$0x3FAC] =	sst s3  }
0xc: {  	[smem:$0x3FAD] =	sst s4  }
0xd: {  	[smem:$0x3FAE] =	sst s5  }
0xe: {  	[smem:$0x3FAF] =	sst s6  }
0xf: {  	[smem:$0x3FB0] =	sst s7  }
0x10: {  	[smem:$0x3FB1] =	sst s8  }
0x11: {  	[smem:$0x3FB2] =	sst s9;
	s0 =	simm.s32 @!p0 $0x0  }
0x12: {  	s1 =	sld [smem:$0x3F98];
	s0 =	simm.s32 @p0 $0x1  }
0x13: {  	[smem:$0x3FB3] =	sst s0;
	s0 =	simm.s32 @!p1 $0x0  }
0x14: {  	s2 =	sld [smem:$0x3F97];
	s0 =	simm.s32 @p1 $0x1  }
0x15: {  	[smem:$0x3FB4] =	sst s0;
	s0 =	simm.s32 @!p2 $0x0  }
0x16: {  	s3 =	sld [smem:$0x3FDB];
	s0 =	simm.s32 @p2 $0x1  }
0x17: {  	s4 =	simm.s32 $0x1BF5;
	[smem:$0x3FB6] =	sst s0  }
0x18: {  	s0 =	sld [smem:$0x3F99];
	_ =	swait.ge [sflag:s4], $0x0  }
0x19: {  	s7 =	sld [smem:$0x3F9A]  }
0x1a: {  	s8 =	sadd.s32 $0xFFFFE003, lr  }
0x1b: {  	s9 =	sadd.s32 $0xFFFFFEF7, lr;
	s5 =	simm.s32 $0xFFFFFFFF;
	p2 =	slt.u32 s8, $0xFFFFF086  }
0x1c: {  	p1 =	slt.u32 s9, $0xF7A;
	s5 =	simm.s32 @!p2 $0x0  }
0x1d: {  	s5 =	simm.s32 @p1 $0x1;
	p0 =	seq.s32 s7, s2  }
0x1e: {  	s7 =	smul.u32 @!p0 $0xF7A, s2;
	p2 =	seq.s32 @!p0 s5, $0x0  }
0x1f: {  	s9 =	smul.u32 $0xF7A, s1;
	s8 =	simm.s32 @!p0 $0x1BF5;
	p2 =	por !p2, p0  }
0x20: {  	[sflag:s8] =	ssyncset.s32 @!p0 $0xFFFFF086;
	s6 =	sadd.s32 @!p0 s3, s7;
	s7 =	simm.s32 @!p0 $0x108  }
0x21: {  	s3 =	sadd.s32 s3, s9;
	s6 =	sadd.s32 @!p0 $0x88, s6;
	s7 =	simm.s32 @p2 $0x1082  }
0x22: {  	[simem:s7], [sflag:s8] =	dma.local @!p0 [hbm:s6], $0xF7A  }
0x23: {  	s9 =	sor.u32 $0xD0000000, s2;
	s6 =	simm.s32 $0x108;
	_ =	swait.ge @!p0 [sflag:s8], $0x0  }
0x24: {  	s3 =	sadd.s32 $0x88, s3;
	s6 =	simm.s32 @!p1 $0x1082;
	[sflag:s4] =	ssyncset.s32 $0xFFFFF086  }
0x25: {  	[simem:s6], [sflag:s4] =	dma.local [hbm:s3], $0xF7A  }
0x26: {  	[smem:$0x3F9A] =	sst s1;
	(tag) =	ssettag s2;
	_ =	strace s9  }
0x27: {  	s1 =	sld [smem:$0x3FAA]  }
0x28: {  	s2 =	sld [smem:$0x3FAB]  }
0x29: {  	s4 =	sld [smem:$0x3FAD]  }
0x2a: {  	p0 =	seq.s32 s5, $0x0;
	s5 =	sld [smem:$0x3FAE]  }
0x2b: {  	s6 =	sld [smem:$0x3FAF]  }
0x2c: {  	s7 =	sld [smem:$0x3FB0]  }
0x2d: {  	s3 =	simm.s32 $0x108;
	s8 =	sld [smem:$0x3FB1]  }
0x2e: {  	s3 =	simm.s32 @!p0 $0x1082;
	s9 =	sld [smem:$0x3FB2]  }
0x2f: {  	lr =	sadd.s32 s0, s3;
	s0 =	sld [smem:$0x3FA9]  }
0x30: {  	s3 =	sld [smem:$0x3FAC]  }
0x31: {  	[smem:$0x3FB5] =	sst s10  }
0x32: {  	s10 =	sld [smem:$0x3FB3];
	_ =	sdelay $0x3  }
0x33: {  	p0 =	seq.s32 s10, $0x1;
	s10 =	sld [smem:$0x3FB5];
	_ =	sdelay $0x3  }
0x34: {  	[smem:$0x3FB5] =	sst s10  }
0x35: {  	s10 =	sld [smem:$0x3FB4];
	_ =	sdelay $0x3  }
0x36: {  	p1 =	seq.s32 s10, $0x1;
	s10 =	sld [smem:$0x3FB5];
	_ =	sdelay $0x3  }
0x37: {  	[smem:$0x3FB5] =	sst s10  }
0x38: {  	s10 =	sld [smem:$0x3FB6]  }
0x39: {  	_ = 	snop;
	(pc) =	sbr.ind lr, $3  }
0x3a: {  	_ = 	snop  }
0x3b: {  	_ = 	snop  }
0x3c: {  	p2 =	seq.s32 s10, $0x1;
	s10 =	sld [smem:$0x3FB5]  }
0x3d: {  	_ =	shalt  }
0x3e: {  	_ =	shalt  }
0x3f: {  	_ =	shalt  }
0x40: {  	_ =	shalt  }
0x41: {  	_ =	shalt  }
0x42: {  	_ =	shalt  }
0x43: {  	_ =	shalt  }
0x44: {  	_ =	shalt  }
0x45: {  	_ =	shalt  }
0x46: {  	_ =	shalt  }
0x47: {  	_ =	shalt  }
0x48: {  	_ =	shalt  }
0x49: {  	_ =	shalt  }
0x4a: {  	_ =	shalt  }
0x4b: {  	_ =	shalt  }
0x4c: {  	_ =	shalt  }
0x4d: {  	_ =	shalt  }
0x4e: {  	_ =	shalt  }
0x4f: {  	_ =	shalt  }
0x50: {  	_ =	shalt  }
0x51: {  	_ =	shalt  }
0x52: {  	_ =	shalt  }
0x53: {  	_ =	shalt  }
0x54: {  	_ =	shalt  }
0x55: {  	_ =	shalt  }
0x56: {  	_ =	shalt  }
0x57: {  	_ =	shalt  }
0x58: {  	_ =	shalt  }
0x59: {  	_ =	shalt  }
0x5a: {  	_ =	shalt  }
0x5b: {  	_ =	shalt  }
0x5c: {  	_ =	shalt  }
0x5d: {  	_ =	shalt  }
0x5e: {  	_ =	shalt  }
0x5f: {  	_ =	shalt  }
0x60: {  	_ =	shalt  }
0x61: {  	_ =	shalt  }
0x62: {  	_ =	shalt  }
0x63: {  	_ =	shalt  }
0x64: {  	_ =	shalt  }
0x65: {  	_ =	shalt  }
0x66: {  	_ =	shalt  }
0x67: {  	_ =	shalt  }
0x68: {  	_ =	shalt  }
0x69: {  	_ =	shalt  }
0x6a: {  	_ =	shalt  }
0x6b: {  	_ =	shalt  }
0x6c: {  	_ =	shalt  }
0x6d: {  	_ =	shalt  }
0x6e: {  	_ =	shalt  }
0x6f: {  	_ =	shalt  }
0x70: {  	_ =	shalt  }
0x71: {  	_ =	shalt  }
0x72: {  	_ =	shalt  }
0x73: {  	_ =	shalt  }
0x74: {  	_ =	shalt  }
0x75: {  	_ =	shalt  }
0x76: {  	_ =	shalt  }
0x77: {  	_ =	shalt  }
0x78: {  	_ =	shalt  }
0x79: {  	_ =	shalt  }
0x7a: {  	_ =	shalt  }
0x7b: {  	_ =	shalt  }
0x7c: {  	_ =	shalt  }
0x7d: {  	_ =	shalt  }
0x7e: {  	_ =	shalt  }
0x7f: {  	_ =	shalt  }
0x80: {  	_ =	shalt  }
0x81: {  	_ =	shalt  }
0x82: {  	_ =	shalt  }
0x83: {  	_ =	shalt  }
0x84: {  	_ =	shalt  }
0x85: {  	_ =	shalt  }
0x86: {  	_ =	shalt  }
0x87: {  	_ =	shalt  }
.Lfunc_end0:
.L_simem_size_0:
called_computation_lowered:
.L_overlay_start_0:
0x88: {  	s2 =	sld [smem:$0x3FD9]  }
0x89: {  	s3 =	sld [smem:$0x3FFE];
	_ =	sdelay $0x1  }
0x8a: {  	s1 =	srdreg.scid  }
0x8b: {  	s0 =	sand.u32 $0x1, s1  }
0x8c: {  	s17 =	sshll.u32 s0, $0xA;
	s2 =	sadd.s32 s3, s2  }
0x8d: {  	s2 =	sadd.s32 s2, s17  }
0x8e: {  	[smem:$0x3FC1] =	sst s2  }
0x8f: {  	_ = 	snop  }
0x90: {  	s2 =	sld [smem:$0x3FD0];
	(tm) =	ssettm $0x1  }
0x91: {  	s18 =	sld [smem:$0x3FFB];
	_ =	sdelay $0x3  }
0x92: {  	_ =	strace s18  }
0x93: {  	s3 =	sld [smem:$0x3FFC];
	_ =	sdelay $0x3  }
0x94: {  	_ =	strace s3  }
0x95: {  	s3 =	sld [smem:$0x3FFD];
	_ =	sdelay $0x3  }
0x96: {  	_ =	strace s3  }
0x97: {  	_ =	strace $0x8FFFFFFF  }
0x98: {  	s19 =	sld [smem:$0x3FDB];
	_ =	sdelay $0x1  }
0x99: {  	s4 =	simm.s32 $_scs_section_size  }
0x9a: {  	s5 =	simm.s32 $_size__tile_overlayer_lowered;
	s6 =	simm.s32 $_tile_overlayer_lowered  }
0x9b: {  	s22 =	simm.s32 $0x1BFF;
	s21 =	sshll.u32 s6, $0x1;
	s3 =	sadd.s32 s4, s19  }
0x9c: {  	s7 =	simm.s32 $0x0;
	s20 =	sshll.u32 s5, $0x1;
	s5 =	sadd.s32 s21, s3  }
0x9d: {  	[timem:s7], [sflag:s22] =	dma.local [hbm:s5], s20  }
0x9e: {  	_ =	swait.ge [sflag:s22], s20  }
0x9f: {  	s4 =	ssub.s32 $0x0, s20;
	[sflag:s22] =	ssyncset.done $0x0  }
0xa0: {  	[sflag:s22] =	ssyncadd.s32 s4;
	_ =	sdelay $0x1  }
0xa1: {  	s23 =	simm.s32 $0x1B8B  }
0xa2: {  	_ =	swait.ge [sflag:s23], $0x1  }
0xa3: {  	[sflag:s23] =	ssyncset.done $0x0  }
0xa4: {  	s25 =	simm.s32 $0x1B8E;
	s24 =	sld [smem:$0x3FFE];
	[sflag:s23] =	ssyncadd.s32 $0xFFFFFFFF  }
0xa5: {  	s26 =	simm.s32 $execute0_lowered;
	[smem:$0x3FD2] =	sst s25  }
0xa6: {  	s5 =	sshll.u32 s26, $0x1;
	_ =	strace $0x80000046;
	[dreg:$0x1] =	wrdreg $0xFFFFFFFF  }
0xa7: {  	s28 =	simm.s32 $_size_execute0_lowered;
	s3 =	sadd.s32 s3, s5;
	[dreg:$0x0] =	wrdreg $0x0  }
0xa8: {  	s5 =	sshll.u32 s28, $0x1;
	[dreg:$0x2] =	wrdreg s3  }
0xa9: {  	[dreg:$0x3] =	wrdreg s5  }
0xaa: {  	[dreg:$0x4] =	wrdreg $0xC0  }
0xab: {  	_ =	task [dreg:s7], $0x5FFFF  }
0xac: {  	[dreg:$0x1] =	wrdreg $0xFFFFFFFF  }
0xad: {  	[dreg:$0x0] =	wrdreg $0x60  }
0xae: {  	[dreg:$0x2] =	wrdreg s24  }
0xaf: {  	[dreg:$0x3] =	wrdreg s2  }
0xb0: {  	[dreg:$0x4] =	wrdreg $0x0  }
0xb1: {  	[dreg:$0x5] =	wrdreg $0x189000  }
0xb2: {  	[dreg:$0x6] =	wrdreg $0x9  }
0xb3: {  	_ =	task.clear_ibuf [dreg:s7], $0x7FFFF;
	_ =	strace $0x90000046  }
0xb4: {  	s29 =	simm.s32 $0x9;
	_ =	strace $0x80000048  }
0xb5: {  	_ =	swait.ge [sflag:s29], $0x1  }
0xb6: {  	[sflag:s29] =	ssyncadd.s32 $0xFFFFFFFF  }
0xb7: {  	_ =	strace $0x90000048  }
0xb8: {  	_ =	sfence  }
0xb9: {  	s30 =	sld [smem:$0x0];
	_ =	sdelay $0x2  }
0xba: {  	s31 =	sshll.u32 s1, $0xD;
	s1 =	sshrl.u32 s1, $0x2  }
0xbb: {  	s3 =	sand.u32 $0x4000, s31;
	s1 =	sadd.s32 s1, s30  }
0xbc: {  	s0 =	sor.u32 s3, s0;
	s1 =	sshll.u32 s1, $0x11  }
0xbd: {  	s0 =	sor.u32 s1, s0  }
0xbe: {  	s0 =	sadd.s32 $0x8F2B, s0  }
0xbf: {  	[sflag:s0] =	ssyncadd.remote.s32 $0x1  }
0xc0: {  	_ =	sfence.sel $0xFFFF  }
0xc1: {  	[dreg:$0x0] =	wrdreg $0xFFFFFFFF;
	(pc) =	sbr.abs _section_cstart, $3  }
0xc2: {  	[dreg:$0x1] =	wrdreg $0xFFFFFFFF  }
0xc3: {  	_ =	task.clear_ibuf [dreg:s7], $0x2FFFF;
	_ =	strace $0x9FFFFFFF  }
0xc4: {  	(tm) =	ssettm $0x7FFFFFFF  }
0xc5: {  	_ =	shalt  }
tec
execute0_lowered:
.L_overlay_start_1:
0x0: {  	(tag) =	ssettag $0x1  }
0x1: {  	s0 =	rddreg [dreg:$0x0]  }
0x2: {  	s1 =	rddreg [dreg:$0x1]  }
0x3: {  	s2 =	rddreg [dreg:$0x2]  }
0x4: {  	s3 =	rddreg [dreg:$0x3];
	s4 =	simm.s32 $0x0;
	s22 =	srdreg.scid  }
0x5: {  	s5 =	stileid.u32;
	s20 =	simm.s32 $0xC;
	s28 =	simm.s32 $0x1A598  }
0x6: {  	s29 =	simm.s32 $0x1A998;
	s30 =	simm.s32 $0x20;
	s31 =	simm.s32 $0x1A9F8  }
0x7: {  	[smem:$0x7FF] =	sst s4;
	s6 =	sadd.s32 $0x27A00, s0;
	s8 =	sadd.s32 $0x642200, s0  }
0x8: {  	s7 =	sadd.s32 $0x2200, s0;
	s15 =	smul.u32 $0x310, s5;
	s9 =	sadd.s32 $0x646E00, s0  }
0x9: {  	s4 =	sand.u32 $0x1, s22;
	s11 =	smul.u32 $0x62000, s5;
	s12 =	sadd.s32 $0x645400, s0  }
0xa: {  	s13 =	sshll.u32 s5, $0x6;
	s14 =	smul.u32 $0x4B0, s5;
	p0 =	seq.s32 s5, $0xF  }
0xb: {  	s0 =	sadd.s32 $0x707D00, s0;
	_ =	strace $0x80000047;
	[dreg:$0x5] =	wrdreg s8  }
0xc: {  	s23 =	ssub.s32 $0x2, s4;
	s24 =	sor.u32 $0x1C0C, s13;
	p1 =	seq.s32 s4, $0x1  }
0xd: {  	[dreg:$0xe] =	wrdreg s0;
	s0 =	simm.s32 $0x1ED98;
	s10 =	sshrl.u32 s23, $0x1  }
0xe: {  	s11 =	sshrl.u32 s11, $0x2;
	[dreg:$0x8] =	wrdreg s24;
	s26 =	sadd.s32 s1, s14  }
0xf: {  	s17 =	sadd.s32 s7, s14;
	[dreg:$0x6] =	wrdreg s15;
	p0 =	por !p0, !p1  }
0x10: {  	s8 =	ssub.s32 s23, s10;
	s10 =	smul.u32 $0x6200, s4;
	[dreg:$0x9] =	wrdreg s26  }
0x11: {  	s16 =	sadd.s32 s11, s2;
	[dreg:$0xa] =	wrdreg s17;
	s26 =	smax.u32 s8, $0x1  }
0x12: {  	[dreg:$0x7] =	wrdreg s16;
	s25 =	sadd.s32 s15, s10;
	s19 =	sadd.s32 $0x3100, s10  }
0x13: {  	[dreg:$0x10] =	wrdreg s26;
	s18 =	sshll.u32 s25, $0x4;
	s11 =	sshrl.u32 s25, $0x3  }
.Ltmp0:
0x14: {  	v1 =	vlaneseq.u32;
	s21 =	sadd.s32 s15, s19;
	s13 =	sadd.s32 s9, s18;
	(pc) =	sbr.rel .LBB2_1-.Ltmp0, $4  }
0x15: {  	v9 =	vmul.u32 $0xBB8, v1;
	s22 =	sadd.s32 s12, s11;
	s23 =	sshll.u32 s21, $0x4;
	[dreg:$0xb] =	wrdreg s13  }
0x16: {  	v3 =	vimm.f32 $1.000000000e+00;
	v4 =	vimm.f32 $0.0e+00;
	v5 =	vimm.s32 $0x0;
	s24 =	sshrl.u32 s21, $0x3;
	[dreg:$0xc] =	wrdreg s22;
	s4 =	sadd.s32 s9, s23  }
0x17: {  	v6 =	vor.u32 $0x3100, v1;
	v8 =	vor.u32 $0x3110, v1;
	v7 =	vor.u32 $0x7, v9;
	p0 =	por !p0, !p0;
	s25 =	sadd.s32 s12, s24;
	[dreg:$0xd] =	wrdreg s4  }
0x18: {  	v9 =	vadd.s32 $0x2F5, v9;
	v0 =	vmov s10;
	v2 =	vmov s19;
	s11 =	simm.s32 $0x0;
	[dreg:$0xf] =	wrdreg s25;
	s4 =	simm.s32 $0x1FD98  }
.LBB2_45:
0x19: {  	p1 =	sgt.s32 s16, $0x0  }
0x1a: {  	s8 =	simm.s32 @p1 $0x6  }
0x1b: {  	_ =	swait.ge @p1 [sflag:s8], $0x1000  }
0x1c: {  	[sflag:s8] =	ssyncset.done @p1 $0x0  }
0x1d: {  	[sflag:s8] =	ssyncadd.s32 @p1 $0xFFFFF000  }
0x1e: {  	p2 =	seq.s32 @p1 s16, $0x1;
	_ =	swait.ge @p1 [sflag:s8], $0x20  }
0x1f: {  	p3 =	por p2, !p1;
	[sflag:s8] =	ssyncset.done @p1 $0x0  }
0x20: {  	[sflag:s8] =	ssyncadd.s32 @p1 $0xFFFFFFE0;
	s8 =	simm.s32 @!p3 $0x7  }
0x21: {  	_ =	swait.ge @!p3 [sflag:s8], $0x1000  }
0x22: {  	[sflag:s8] =	ssyncset.done @!p3 $0x0  }
0x23: {  	p4 =	slt.u32 @!p3 s16, $0x3;
	[sflag:s8] =	ssyncadd.s32 @!p3 $0xFFFFF000  }
0x24: {  	p5 =	por @p1 p4, p2;
	_ =	swait.ge @!p3 [sflag:s8], $0x20  }
0x25: {  	p5 =	por p5, !p1;
	[sflag:s8] =	ssyncset.done @!p3 $0x0  }
0x26: {  	[sflag:s8] =	ssyncadd.s32 @!p3 $0xFFFFFFE0;
	s8 =	simm.s32 @!p5 $0x8  }
0x27: {  	_ =	swait.ge @!p5 [sflag:s8], $0x1000  }
0x28: {  	p6 =	seq.s32 @!p5 s16, $0x3;
	[sflag:s8] =	ssyncset.done @!p5 $0x0  }
0x29: {  	p3 =	por @!p3 p6, p4;
	[sflag:s8] =	ssyncadd.s32 @!p5 $0xFFFFF000  }
0x2a: {  	p2 =	por @p1 p3, p2;
	_ =	swait.ge @!p5 [sflag:s8], $0x20  }
0x2b: {  	p1 =	por p2, !p1;
	[sflag:s8] =	ssyncset.done @!p5 $0x0  }
0x2c: {  	[sflag:s8] =	ssyncadd.s32 @!p5 $0xFFFFFFE0;
	s8 =	simm.s32 @!p1 $0x9  }
0x2d: {  	_ =	swait.ge @!p1 [sflag:s8], $0x1000  }
0x2e: {  	[sflag:s8] =	ssyncset.done @!p1 $0x0  }
0x2f: {  	[sflag:s8] =	ssyncadd.s32 @!p1 $0xFFFFF000  }
0x30: {  	_ =	swait.ge @!p1 [sflag:s8], $0x20  }
0x31: {  	[sflag:s8] =	ssyncset.done @!p1 $0x0  }
0x32: {  	[sflag:s8] =	ssyncadd.s32 @!p1 $0xFFFFFFE0  }
0x33: {  	s11 =	rddreg [dreg:$0x11];
	[bflag:$0x0] =	sbarrier.arrive $0xFFFF  }
0x34: {  	s16 =	rddreg [dreg:$0x7]  }
0x35: {  	s9 =	rddreg [dreg:$0x8]  }
0x36: {  	s10 =	rddreg [dreg:$0xd];
	s8 =	sshrl.u32 @!p0 s16, $0x3  }
0x37: {  	[hbm:s10], [sflag:s9] =	dma.local @!p0 [spmem:s8], $0x3100  }
0x38: {  	s8 =	simm.s32 @!p0 $0xC  }
0x39: {  	_ =	swait.ge @!p0 [sflag:s8], $0x3100  }
0x3a: {  	[sflag:s8] =	ssyncset.done @!p0 $0x0  }
0x3b: {  	s10 =	rddreg [dreg:$0xe];
	[sflag:s8] =	ssyncadd.s32 @!p0 $0xFFFFCF00;
	s8 =	sshrl.u32 @p0 s16, $0x3  }
0x3c: {  	[hbm:s10], [sflag:s9] =	dma.local @p0 [spmem:s8], $0x2600  }
0x3d: {  	s8 =	simm.s32 @p0 $0xC  }
0x3e: {  	_ =	swait.ge @p0 [sflag:s8], $0x2600  }
0x3f: {  	s19 =	simm.s32 $0x310;
	s21 =	simm.s32 $0x18C18;
	[sflag:s8] =	ssyncset.done @p0 $0x0  }
0x40: {  	s22 =	simm.s32 $0x19318;
	s23 =	simm.s32 $0x1;
	[sflag:s8] =	ssyncadd.s32 @p0 $0xFFFFDA00  }
0x41: {  	[tilespmem:s22], [sflag:$0x1] =	stream.indirect.gather [spmem:s3], $0x1, s21, s19, $0xb8;
	[tilespmem:$0x1FE18] =	vst v63  }
0x42: {  	_ =	swait.ge [sflag:s23], $0x310  }
0x43: {  	[sflag:s23] =	ssyncset.done $0x0  }
0x44: {  	s24 =	simm.s32 $0x0;
	s25 =	rddreg [dreg:$0xf];
	[sflag:s23] =	ssyncadd.s32 $0xFFFFFCF0  }
0x45: {  	[hbm4b:s25+s24] =	stream.linear.scatter [tilespmem:s22], [sflag:$0xC], $0x310, $0x38;
	[tilespmem:$0x1FE18] =	vst v63  }
0x46: {  	_ =	swait.ge [sflag:s20], $0x310  }
0x47: {  	s11 =	sadd.s32 $0x1, s11;
	s26 =	rddreg [dreg:$0x10]  }
0x48: {  	p1 =	sne.s32 s11, s26  }
.Ltmp1:
0x49: {  	_ = 	snop;
	(pc) =	sbr.rel @!p1 .LBB2_46-.Ltmp1, $3  }
0x4a: {  	[sflag:s20] =	ssyncset.done $0x0  }
0x4b: {  	[sflag:s20] =	ssyncadd.s32 $0xFFFFFCF0  }
0x4c: {  	[bflag:$0x0] =	sbarrier.arrive $0xFFFF;
	_ =	sdelay $0x1  }
.LBB2_1:
0x4d: {  	[tilespmem:$0x1FD98] =	vst v3;
	s9 =	rddreg [dreg:$0x6]  }
0x4e: {  	[dreg:$0x11] =	wrdreg s11;
	[tilespmem:$0x1FDA8] =	vst v3;
	s8 =	simm.s32 $0x40;
	s10 =	simm.s32 $0x0;
	v10 =	vor.u32 s9, v1  }
.LBB2_2:
0x4f: {  	p1 =	sne.s32 s8, $0xC00  }
0x50: {  	[tilespmem:s10+$0x18C18] =	vst v10;
	s9 =	sadd.s32 $0x10, s9;
	s11 =	smov.u32 s8;
	s8 =	sadd.s32 $0x40, s8  }
.Ltmp2:
0x51: {  	[tilespmem:s10+$0x18F98] =	vst v4;
	(pc) =	sbr.rel @p1 .LBB2_2-.Ltmp2, $2  }
0x52: {  	_ =	sdelay $0x2  }
0x53: {  	v10 =	vor.u32 s9, v1;
	s10 =	sshra.s32 s11, $0x2  }
0x54: {  	s8 =	rddreg [dreg:$0x5]  }
0x55: {  	[tilespmem:s10+$0x18C18] =	vst v10;
	s18 =	sshrl.u32 s16, $0x3;
	s9 =	rddreg [dreg:$0x8]  }
0x56: {  	[tilespmem:s10+$0x18F98] =	vst v4;
	[dreg:$0x12] =	wrdreg s18  }
0x57: {  	[spmem:s18], [sflag:s9] =	dma.local [hbm:s8], $0x3100  }
0x58: {  	_ =	swait.ge [sflag:s20], $0x3100  }
0x59: {  	s19 =	simm.s32 $0x310;
	[sflag:s20] =	ssyncset.done $0x0  }
0x5a: {  	s21 =	simm.s32 $0x18C18;
	s22 =	simm.s32 $0x18F98;
	[sflag:s20] =	ssyncadd.s32 $0xFFFFCF00  }
0x5b: {  	[spmem:s3] =	stream.indirect.scatter [tilespmem:s22], [sflag:$0xC], $0x1, s21, s19, $0xb8;
	[tilespmem:$0x1FE18] =	vst v63  }
0x5c: {  	_ =	swait.ge [sflag:s20], $0x310  }
0x5d: {  	[sflag:s20] =	ssyncset.done $0x0  }
0x5e: {  	[sflag:s20] =	ssyncadd.s32 $0xFFFFFCF0  }
0x5f: {  	s15 =	simm.s32 $0x0;
	[bflag:$0x0] =	sbarrier.arrive $0xFFFF  }
.Ltmp3:
0x60: {  	s24 =	simm.s32 $0x19698;
	s23 =	rddreg [dreg:$0x9];
	(pc) =	sbr.rel .LBB2_4-.Ltmp3, $4  }
0x61: {  	[tilespmem:s24], [sflag:$0xA] =	stream.linear.gather [hbm4b:s23+s15], $0x3C0, $0x38;
	[tilespmem:$0x1FE18] =	vst v63  }
0x62: {  	s26 =	simm.s32 $0x19E18;
	s25 =	rddreg [dreg:$0xa]  }
0x63: {  	[tilespmem:s26], [sflag:$0xA] =	stream.linear.gather [hbm4b:s25+s15], $0x3C0, $0x38;
	[tilespmem:$0x1FE18] =	vst v63  }
0x64: {  	p1 =	por $0x0, $0x0;
	s17 =	simm.s32 $0x0;
	s25 =	simm.s32 $0x0  }
.LBB2_17:
0x65: {  	_ = 	snop  }
.LBB2_22:
0x66: {  	p3 =	por p4, !p3  }
0x67: {  	[sflag:s21] =	ssyncadd.s32 @!p3 $0xFFFFFFE0  }
0x68: {  	[tilespmem:s13], [sflag:s23] =	stream.indirect.gather @!p3 [hbm4b:s17+s26], $0x80, s24, s26, $0xb8;
	[tilespmem:$0x1FE18] =	vst v63  }
0x69: {  	_ =	swait.ge [sflag:s11], $0x1000  }
0x6a: {  	s10 =	sadd.s32 $0x1BD98, s10;
	[sflag:s11] =	ssyncset.done $0x0  }
0x6b: {  	s12 =	sadd.s32 $0x6, s22;
	s9 =	sadd.s32 $0x4, s9;
	[sflag:s11] =	ssyncadd.s32 $0xFFFFF000  }
0x6c: {  	[spmem:s2] =	stream.indirect.scatter.add.f32 [tilespmem:s10], [sflag:s12], $0x80, s8, s30, $0xb8;
	[tilespmem:$0x1FE18] =	vst v63  }
0x6d: {  	p3 =	sge.s32 s9, s16  }
0x6e: {  	[spmem:s3] =	stream.indirect.scatter.add.f32 [tilespmem:s4], [sflag:s12], $0x1, s8, s30, $0xb8;
	[tilespmem:$0x1FE18] =	vst v63  }
0x6f: {  	_ =	swait.ge @!p3 [sflag:s12], $0x1000  }
0x70: {  	[sflag:s12] =	ssyncset.done @!p3 $0x0  }
0x71: {  	[sflag:s12] =	ssyncadd.s32 @!p3 $0xFFFFF000  }
0x72: {  	_ =	swait.ge @!p3 [sflag:s12], $0x20  }
0x73: {  	[sflag:s12] =	ssyncset.done @!p3 $0x0  }
0x74: {  	s8 =	simm.s32 @!p3 $0x20;
	[sflag:s12] =	ssyncadd.s32 @!p3 $0xFFFFFFE0  }
0x75: {  	[tilespmem:s10], [sflag:s11] =	stream.indirect.gather @!p3 [hbm4b:s17+s8], $0x80, s14, s8, $0xb8;
	[tilespmem:$0x1FE18] =	vst v63  }
.LBB2_23:
0x76: {  	p3 =	seq.s32 s25, $0x50  }
.Ltmp4:
0x77: {  	_ = 	snop;
	(pc) =	sbr.rel @p3 .LBB2_24-.Ltmp4, $3  }
0x78: {  	_ =	sdelay $0x1  }
0x79: {  	s17 =	smov.u32 s16  }
0x7a: {  	p1 =	por !p1, !p1;
	s17 =	simm.s32 @!p2 $0x4  }
.LBB2_4:
0x7b: {  	s8 =	smov.u32 s25  }
0x7c: {  	s25 =	sadd.s32 $0x1, s25;
	p2 =	seq.s32 s8, $0x4F  }
0x7d: {  	s9 =	smul.u32 @!p2 $0xCD, s25;
	_ =	sdelay $0x1  }
0x7e: {  	s9 =	sshrl.u32 @!p2 s9, $0xB  }
0x7f: {  	s9 =	sand.u32 @!p2 $0x1F, s9  }
0x80: {  	s10 =	ssub.s32 @!p2 s5, s9  }
0x81: {  	s10 =	smul.u32 @!p2 $0xA, s10;
	_ =	sdelay $0x1  }
0x82: {  	s9 =	smul.u32 @!p2 $0x25800, s9;
	s10 =	sadd.s32 @!p2 s25, s10  }
0x83: {  	s13 =	simm.s32 $0x1;
	s11 =	sand.u32 $0x1, s8;
	s10 =	smul.u32 @!p2 $0x3C0, s10  }
0x84: {  	s13 =	simm.s32 @!p1 $0x0;
	s12 =	sxor.u32 @!p2 $0x1, s11  }
0x85: {  	s18 =	simm.s32 @!p2 $0x0;
	s14 =	smul.u32 @!p2 $0x3C0, s12;
	s9 =	sadd.s32 @!p2 s9, s10  }
0x86: {  	s21 =	smul.u32 $0xF00, s13;
	s23 =	sor.u32 $0xA, s11;
	s9 =	sshrl.u32 @!p2 s9, $0x3  }
0x87: {  	s10 =	sor.u32 @!p2 $0xA, s12;
	s12 =	sadd.s32 @!p2 $0x19698, s14;
	s16 =	sadd.s32 @!p2 s1, s9  }
0x88: {  	[tilespmem:s12], [sflag:s10] =	stream.linear.gather @!p2 [hbm4b:s16+s18], $0x3C0, $0x38;
	[tilespmem:$0x1FE18] =	vst v63  }
0x89: {  	s22 =	sshrl.u32 s21, $0x2;
	s13 =	sadd.s32 @!p2 $0x19E18, s14;
	s9 =	sadd.s32 @!p2 s7, s9  }
0x8a: {  	[tilespmem:s13], [sflag:s10] =	stream.linear.gather @!p2 [hbm4b:s9+s18], $0x3C0, $0x38;
	[tilespmem:$0x1FE18] =	vst v63  }
0x8b: {  	s24 =	sadd.s32 $0x19698, s22;
	_ =	swait.ge [sflag:s23], $0x3C0  }
0x8c: {  	v11 =	vmov s24;
	[sflag:s23] =	ssyncset.done $0x0  }
0x8d: {  	[sflag:s23] =	ssyncadd.s32 $0xFFFFFC40  }
0x8e: {  	_ =	swait.ge [sflag:s23], $0x3C0  }
0x8f: {  	[sflag:s23] =	ssyncset.done $0x0  }
0x90: {  	s26 =	simm.s32 $0x0;
	[sflag:s23] =	ssyncadd.s32 $0xFFFFFC40  }
0x91: {  	v10 =	vld.idx.msk [tilespmem:v11+s26+$0x0 ss:$0x1], $0xffff;
	_ =	sdelay $0x4  }
0x92: {  	v12 =	vsub.s32 v10, v0  }
0x93: {  	vm0 =	vlt.u32 v12, $0x3100  }
0x94: {  	v10 =	vsel vm0, $0x1, v5  }
0x95: {  	(xrf0) =	vadd.scan.msk.s32 $0xffff, v10;
	_ =	sdelay $0x1  }
0x96: {  	s9 =	sadd.s32 $0x19E18, s22  }
0x97: {  	v10 =	vmov s9;
	_ =	sdelay $0x1  }
0x98: {  	v13 =	vsel vm0, $0xFFFFFFFF, v5  }
0x99: {  	v13 =	vadd.s32 s15, v13;
	v14, _, _ =	vpop (xrf0)  }
0x9a: {  	v13 =	vadd.s32 v14, v13;
	(v2sf) =	vpush v14, $0xF  }
0x9b: {  	v15 =	vld.idx.msk [tilespmem:v10+s26+$0x0 ss:$0x1], $0xffff  }
0x9c: {  	s8 =	smul.u32 $0xCD, s8;
	_ =	sdelay $0x1  }
0x9d: {  	s8 =	sshrl.u32 s8, $0xB  }
0x9e: {  	s18 =	sand.u32 $0x1F, s8;
	[tilespmem:v13+s28+$0x0] =	vst.idx.msk vm0, v12  }
0x9f: {  	s10 =	simm.s32 $0x80;
	s8 =	simm.s32 $0x0;
	s9 =	simm.s32 $0x10;
	[tilespmem:v13+s29+$0x0] =	vst.idx.msk vm0, v15  }
.LBB2_5:
0xa0: {  	p2 =	sne.s32 s10, $0xEC0;
	v12 =	vld.idx.msk [tilespmem:v11+s9+$0x0 ss:$0x1], $0xffff;
	_ =	sdelay $0x5  }
0xa1: {  	v12 =	vsub.s32 v12, v0  }
0xa2: {  	vm0 =	vlt.u32 v12, $0x3100  }
0xa3: {  	v13 =	vsel vm0, $0xFFFFFFFF, v5;
	v14 =	vsel vm0, $0x1, v5;
	s11 =	spop (v2sf)  }
0xa4: {  	(xrf0) =	vadd.scan.msk.s32 $0xffff, v14;
	s8 =	sadd.s32 s8, s11  }
0xa5: {  	v13 =	vadd.s32 s8, v13;
	_ =	sdelay $0x4  }
0xa6: {  	v14, _, _ =	vpop (xrf0)  }
0xa7: {  	v15 =	vld.idx.msk [tilespmem:v10+s9+$0x0 ss:$0x1], $0xffff;
	v13 =	vadd.s32 v14, v13;
	(v2sf) =	vpush v14, $0xF;
	_ =	sdelay $0x1  }
.Ltmp5:
0xa8: {  	(pc) =	sbr.rel @p2 .LBB2_5-.Ltmp5, $3  }
0xa9: {  	_ =	sdelay $0x1  }
0xaa: {  	[tilespmem:v13+s28+$0x0] =	vst.idx.msk vm0, v12  }
0xab: {  	s9 =	sshra.s32 s10, $0x2;
	s10 =	sadd.s32 $0x40, s10;
	[tilespmem:v13+s29+$0x0] =	vst.idx.msk vm0, v15  }
0xac: {  	_ =	sdelay $0x3  }
0xad: {  	v11 =	vld.idx.msk [tilespmem:v11+s9+$0x0 ss:$0x1], $0xffff;
	_ =	sdelay $0x4  }
0xae: {  	v11 =	vsub.s32 v11, v0  }
0xaf: {  	vm0 =	vlt.u32 v11, $0x3100  }
0xb0: {  	v12 =	vsel vm0, $0x1, v5  }
0xb1: {  	(xrf0) =	vadd.scan.msk.s32 $0xffff, v12;
	_ =	sdelay $0x5  }
0xb2: {  	v12, _, _ =	vpop (xrf0)  }
0xb3: {  	(v2sf) =	vpush v12, $0xF;
	_ =	sdelay $0xd  }
0xb4: {  	s10 =	spop (v2sf)  }
0xb5: {  	v13 =	vsel vm0, $0xFFFFFFFF, v5;
	s8 =	sadd.s32 s8, s10;
	s22 =	spop (v2sf)  }
0xb6: {  	v13 =	vadd.s32 s8, v13;
	s8 =	sadd.s32 s8, s22  }
0xb7: {  	s23 =	sadd.s32 $0x1F, s8  }
0xb8: {  	s24 =	sand.u32 $0x1F, s23  }
0xb9: {  	v12 =	vadd.s32 v12, v13;
	s26 =	sshra.s32 s23, $0x1F;
	p3 =	slt.s32 s23, $0x1;
	p2 =	sne.s32 s24, $0x0  }
0xba: {  	v10 =	vld.idx.msk [tilespmem:v10+s9+$0x0 ss:$0x1], $0xffff;
	s10 =	sshrl.u32 s26, $0x1B;
	p2 =	por !p3, !p2  }
0xbb: {  	s9 =	sadd.s32 s10, s23;
	s10 =	simm.s32 $0x1;
	p2 =	por !p2, !p2  }
0xbc: {  	s9 =	sshra.s32 s9, $0x5;
	s10 =	simm.s32 @!p2 $0x0  }
0xbd: {  	s16 =	ssub.s32 s9, s10  }
0xbe: {  	[tilespmem:v12+s28+$0x0] =	vst.idx.msk vm0, v11;
	p3 =	slt.s32 s16, $0x1  }
.Ltmp6:
0xbf: {  	[tilespmem:v12+s29+$0x0] =	vst.idx.msk vm0, v10;
	(pc) =	sbr.rel @p3 .LBB2_13-.Ltmp6, $4  }
0xc0: {  	[tilespmem:s8+$0x1A598] =	vst v6  }
0xc1: {  	[tilespmem:s8+$0x1A998] =	vst v7  }
0xc2: {  	[tilespmem:s8+$0x1A5A8] =	vst v8  }
0xc3: {  	[tilespmem:s8+$0x1A9A8] =	vst v9  }
0xc4: {  	p4 =	sne.s32 s16, $0x1  }
.Ltmp7:
0xc5: {  	_ = 	snop;
	(pc) =	sbr.rel @!p4 .LBB2_8-.Ltmp7, $3  }
0xc6: {  	_ =	sdelay $0x1  }
0xc7: {  	s9 =	simm.s32 $0x1A5A8  }
0xc8: {  	s8 =	simm.s32 $0x1ADA8;
	s10 =	sadd.s32 $0xFFFFFFFF, s16;
	p2 =	por $0x0, $0x0;
	v10 =	vld [tilespmem:s9+$0xFFFFFFF0]  }
0xc9: {  	_ =	sdelay $0x3  }
0xca: {  	[tilespmem:s8+$0xFFFFFFF0] =	vst v10  }
0xcb: {  	v10 =	vld [tilespmem:s9+$0x0]  }
0xcc: {  	p4 =	sne.s32 s10, $0x1  }
.Ltmp8:
0xcd: {  	_ = 	snop;
	(pc) =	sbr.rel @!p4 .LBB2_10-.Ltmp8, $3  }
0xce: {  	_ =	sdelay $0x1  }
0xcf: {  	s9 =	simm.s32 $0x1A5C8;
	[tilespmem:s8+$0x0] =	vst v10  }
0xd0: {  	s11 =	sadd.s32 $0xFFFFFFFF, s10;
	p2 =	por $0x1, $0x1;
	s10 =	simm.s32 $0x1ADA8;
	v10 =	vld [tilespmem:s9+$0xFFFFFFF0]  }
.LBB2_11:
0xd1: {  	p4 =	sne.s32 s11, $0x1;
	_ =	sdelay $0x2  }
0xd2: {  	s10 =	sadd.s32 $0x80, s10  }
0xd3: {  	[tilespmem:s10+$0xFFFFFFF0] =	vst v10  }
0xd4: {  	v10 =	vld [tilespmem:s9+$0x0];
	_ =	sdelay $0x1  }
.Ltmp9:
0xd5: {  	(pc) =	sbr.rel @p4 .LBB2_11-.Ltmp9, $3  }
0xd6: {  	_ =	sdelay $0x1  }
0xd7: {  	s9 =	sadd.s32 $0x20, s9;
	[tilespmem:s10+$0x0] =	vst v10  }
0xd8: {  	s11 =	sadd.s32 $0xFFFFFFFF, s11;
	v10 =	vld [tilespmem:s9+$0xFFFFFFF0]  }
.LBB2_12:
0xd9: {  	_ =	sdelay $0x1  }
0xda: {  	s10 =	sadd.s32 @p2 $0x80, s10  }
0xdb: {  	s8 =	smov.u32 @p2 s10  }
0xdc: {  	[tilespmem:s8+$0xFFFFFFF0] =	vst v10  }
0xdd: {  	v10 =	vld [tilespmem:s9+$0x0];
	_ =	sdelay $0x4  }
0xde: {  	[tilespmem:s8+$0x0] =	vst v10  }
.LBB2_13:
0xdf: {  	p2 =	slt.s32 s17, $0x1  }
0xe0: {  	s8 =	simm.s32 @!p2 $0x6  }
0xe1: {  	_ =	swait.ge @!p2 [sflag:s8], $0x1000  }
0xe2: {  	[sflag:s8] =	ssyncset.done @!p2 $0x0  }
0xe3: {  	[sflag:s8] =	ssyncadd.s32 @!p2 $0xFFFFF000  }
0xe4: {  	_ =	swait.ge @!p2 [sflag:s8], $0x20  }
0xe5: {  	s9 =	smul.u32 @!p3 $0xC3500, s18;
	[sflag:s8] =	ssyncset.done @!p2 $0x0  }
0xe6: {  	s10 =	simm.s32 @!p3 $0x1A998;
	s11 =	simm.s32 @!p3 $0x1BD98;
	[sflag:s8] =	ssyncadd.s32 @!p2 $0xFFFFFFE0  }
0xe7: {  	s8 =	sadd.s32 @!p3 s6, s9;
	s9 =	simm.s32 @!p3 $0x20;
	p2 =	slt.s32 s17, $0x2  }
0xe8: {  	[tilespmem:s11], [sflag:$0x2] =	stream.indirect.gather @!p3 [hbm4b:s8+s9], $0x80, s10, s9, $0xb8;
	[tilespmem:$0x1FE18] =	vst v63  }
0xe9: {  	s8 =	simm.s32 @!p2 $0x7  }
0xea: {  	_ =	swait.ge @!p2 [sflag:s8], $0x1000  }
0xeb: {  	[sflag:s8] =	ssyncset.done @!p2 $0x0  }
0xec: {  	[sflag:s8] =	ssyncadd.s32 @!p2 $0xFFFFF000  }
0xed: {  	p4 =	slt.s32 s16, $0x2;
	_ =	swait.ge @!p2 [sflag:s8], $0x20  }
0xee: {  	s9 =	smul.u32 @!p4 $0xC3500, s18;
	[sflag:s8] =	ssyncset.done @!p2 $0x0  }
0xef: {  	s10 =	simm.s32 @!p4 $0x1A9B8;
	s11 =	simm.s32 @!p4 $0x1CD98;
	[sflag:s8] =	ssyncadd.s32 @!p2 $0xFFFFFFE0  }
0xf0: {  	s8 =	sadd.s32 @!p4 s6, s9;
	s9 =	simm.s32 @!p4 $0x20;
	p2 =	slt.s32 s17, $0x3  }
0xf1: {  	[tilespmem:s11], [sflag:$0x3] =	stream.indirect.gather @!p4 [hbm4b:s8+s9], $0x80, s10, s9, $0xb8;
	[tilespmem:$0x1FE18] =	vst v63  }
0xf2: {  	s8 =	simm.s32 @!p2 $0x8  }
0xf3: {  	_ =	swait.ge @!p2 [sflag:s8], $0x1000  }
0xf4: {  	[sflag:s8] =	ssyncset.done @!p2 $0x0  }
0xf5: {  	p4 =	slt.s32 s16, $0x3;
	[sflag:s8] =	ssyncadd.s32 @!p2 $0xFFFFF000  }
0xf6: {  	s9 =	smul.u32 @!p4 $0xC3500, s18;
	_ =	swait.ge @!p2 [sflag:s8], $0x20  }
0xf7: {  	s10 =	simm.s32 @!p4 $0x1A9D8;
	s11 =	simm.s32 @!p4 $0x1DD98;
	[sflag:s8] =	ssyncset.done @!p2 $0x0  }
0xf8: {  	[sflag:s8] =	ssyncadd.s32 @!p2 $0xFFFFFFE0;
	s8 =	sadd.s32 @!p4 s6, s9;
	s9 =	simm.s32 @!p4 $0x20  }
0xf9: {  	[tilespmem:s11], [sflag:$0x4] =	stream.indirect.gather @!p4 [hbm4b:s8+s9], $0x80, s10, s9, $0xb8;
	[tilespmem:$0x1FE18] =	vst v63  }
0xfa: {  	p4 =	slt.s32 s17, $0x4  }
0xfb: {  	s8 =	simm.s32 @!p4 $0x9  }
0xfc: {  	p2 =	slt.s32 s16, $0x4;
	_ =	swait.ge @!p4 [sflag:s8], $0x1000  }
.Ltmp10:
0xfd: {  	[sflag:s8] =	ssyncset.done @!p4 $0x0;
	(pc) =	sbr.rel @p2 .LBB2_15-.Ltmp10, $4  }
0xfe: {  	[sflag:s8] =	ssyncadd.s32 @!p4 $0xFFFFF000  }
0xff: {  	s26 =	smul.u32 $0xC3500, s18;
	_ =	swait.ge @!p4 [sflag:s8], $0x20  }
0x100: {  	[sflag:s8] =	ssyncset.done @!p4 $0x0  }
0x101: {  	s17 =	sadd.s32 s6, s26;
	[sflag:s8] =	ssyncadd.s32 @!p4 $0xFFFFFFE0  }
.Ltmp11:
0x102: {  	(pc) =	sbr.rel .LBB2_16-.Ltmp11, $2  }
0x103: {  	_ =	sdelay $0x2  }
0x104: {  	[tilespmem:s0], [sflag:$0x5] =	stream.indirect.gather [hbm4b:s17+s30], $0x80, s31, s30, $0xb8;
	[tilespmem:$0x1FE18] =	vst v63  }
.LBB2_15:
.Ltmp12:
0x105: {  	(pc) =	sbr.rel @p3 .LBB2_23-.Ltmp12, $1  }
0x106: {  	_ =	sdelay $0x3  }
.LBB2_16:
0x107: {  	p4 =	sne.s32 s16, $0x1  }
.Ltmp13:
0x108: {  	_ = 	snop;
	(pc) =	sbr.rel @!p4 .LBB2_17-.Ltmp13, $4  }
0x109: {  	_ = 	snop  }
0x10a: {  	s9 =	simm.s32 $0x0;
	s14 =	simm.s32 $0x1AA18  }
0x10b: {  	s8 =	simm.s32 $0x1AD98;
	s12 =	simm.s32 $0x1;
	s22 =	sand.u32 $0x3, s9  }
0x10c: {  	p3 =	por $0x0, $0x0;
	s10 =	sshll.u32 s22, $0xC;
	s11 =	sadd.s32 $0x2, s22  }
0x10d: {  	_ =	swait.ge [sflag:s11], $0x1000  }
0x10e: {  	[sflag:s11] =	ssyncset.done $0x0  }
0x10f: {  	s13 =	sadd.s32 $0x1BD98, s10;
	s21 =	sadd.s32 $0x6, s22;
	[sflag:s11] =	ssyncadd.s32 $0xFFFFF000  }
0x110: {  	[spmem:s2] =	stream.indirect.scatter.add.f32 [tilespmem:s13], [sflag:s21], $0x80, s8, s30, $0xb8;
	[tilespmem:$0x1FE18] =	vst v63  }
0x111: {  	p4 =	sle.s32 s16, $0x4;
	p5 =	sne.s32 s16, $0x2  }
0x112: {  	[spmem:s3] =	stream.indirect.scatter.add.f32 [tilespmem:s4], [sflag:s21], $0x1, s8, s30, $0xb8;
	[tilespmem:$0x1FE18] =	vst v63  }
.Ltmp14:
0x113: {  	_ =	swait.ge @!p4 [sflag:s21], $0x1000;
	(pc) =	sbr.rel @!p5 .LBB2_19-.Ltmp14, $4  }
0x114: {  	s22 =	sand.u32 $0x3, s12;
	s9 =	simm.s32 $0x2;
	[sflag:s21] =	ssyncset.done @!p4 $0x0  }
0x115: {  	s18 =	simm.s32 $0x1AA38;
	p3 =	por $0x1, $0x1;
	[sflag:s21] =	ssyncadd.s32 @!p4 $0xFFFFF000  }
0x116: {  	s10 =	sshll.u32 s22, $0xC;
	s19 =	sadd.s32 $0x2, s22;
	_ =	swait.ge @!p4 [sflag:s21], $0x20  }
0x117: {  	s26 =	simm.s32 @!p4 $0x20;
	s8 =	simm.s32 $0x1AE18;
	[sflag:s21] =	ssyncset.done @!p4 $0x0  }
.LBB2_20:
0x118: {  	s23 =	sand.u32 $0x3, s9  }
0x119: {  	[sflag:s21] =	ssyncadd.s32 @!p4 $0xFFFFFFE0;
	s24 =	smov.u32 s9;
	s9 =	sadd.s32 $0x1, s9  }
0x11a: {  	[tilespmem:s13], [sflag:s11] =	stream.indirect.gather @!p4 [hbm4b:s17+s26], $0x80, s14, s26, $0xb8;
	[tilespmem:$0x1FE18] =	vst v63  }
0x11b: {  	s26 =	sshll.u32 s23, $0xC;
	p5 =	sne.s32 s16, s9;
	_ =	swait.ge [sflag:s19], $0x1000  }
0x11c: {  	s14 =	smov.u32 s18;
	s11 =	smov.u32 s19;
	[sflag:s19] =	ssyncset.done $0x0  }
0x11d: {  	s21 =	sadd.s32 $0x6, s22;
	s13 =	sadd.s32 $0x1BD98, s10;
	[sflag:s11] =	ssyncadd.s32 $0xFFFFF000  }
0x11e: {  	[spmem:s2] =	stream.indirect.scatter.add.f32 [tilespmem:s13], [sflag:s21], $0x80, s8, s30, $0xb8;
	[tilespmem:$0x1FE18] =	vst v63  }
0x11f: {  	s10 =	sadd.s32 $0x4, s12;
	s22 =	smov.u32 s23;
	s12 =	smov.u32 s24  }
0x120: {  	[spmem:s3] =	stream.indirect.scatter.add.f32 [tilespmem:s4], [sflag:s21], $0x1, s8, s30, $0xb8;
	[tilespmem:$0x1FE18] =	vst v63  }
0x121: {  	p4 =	sge.s32 s10, s16;
	s10 =	smov.u32 s26  }
.Ltmp15:
0x122: {  	_ =	swait.ge @!p4 [sflag:s21], $0x1000;
	(pc) =	sbr.rel @p5 .LBB2_20-.Ltmp15, $4  }
0x123: {  	[sflag:s21] =	ssyncset.done @!p4 $0x0  }
0x124: {  	[sflag:s21] =	ssyncadd.s32 @!p4 $0xFFFFF000  }
0x125: {  	s18 =	sadd.s32 $0x20, s18;
	s8 =	sadd.s32 $0x80, s8;
	_ =	swait.ge @!p4 [sflag:s21], $0x20  }
0x126: {  	s19 =	sadd.s32 $0x2, s22;
	s26 =	simm.s32 @!p4 $0x20;
	[sflag:s21] =	ssyncset.done @!p4 $0x0  }
.Ltmp16:
0x127: {  	(pc) =	sbr.rel .LBB2_22-.Ltmp16, $3  }
0x128: {  	_ =	sdelay $0x1  }
0x129: {  	s23 =	smov.u32 s11;
	s24 =	smov.u32 s14  }
0x12a: {  	s11 =	smov.u32 s19;
	s14 =	smov.u32 s18;
	s9 =	smov.u32 s12  }
.LBB2_19:
.Ltmp17:
0x12b: {  	(pc) =	sbr.rel .LBB2_22-.Ltmp17, $3  }
0x12c: {  	_ =	sdelay $0x1  }
0x12d: {  	s23 =	smov.u32 s11;
	s24 =	simm.s32 $0x1AA18  }
0x12e: {  	s11 =	smov.u32 s19;
	s14 =	simm.s32 $0x1AA38;
	s9 =	simm.s32 $0x1  }
.LBB2_8:
.Ltmp18:
0x12f: {  	(pc) =	sbr.rel .LBB2_12-.Ltmp18, $2  }
0x130: {  	_ =	sdelay $0x2  }
0x131: {  	s10 =	simm.s32 $0x1ADA8  }
.LBB2_10:
.Ltmp19:
0x132: {  	(pc) =	sbr.rel .LBB2_12-.Ltmp19, $2  }
0x133: {  	_ =	sdelay $0x2  }
0x134: {  	s10 =	simm.s32 $0x1ADA8  }
.LBB2_24:
0x135: {  	p1 =	sgt.s32 s16, $0x0  }
0x136: {  	s8 =	simm.s32 @p1 $0x6  }
0x137: {  	_ =	swait.ge @p1 [sflag:s8], $0x1000  }
0x138: {  	[sflag:s8] =	ssyncset.done @p1 $0x0  }
0x139: {  	[sflag:s8] =	ssyncadd.s32 @p1 $0xFFFFF000  }
0x13a: {  	p2 =	seq.s32 @p1 s16, $0x1;
	_ =	swait.ge @p1 [sflag:s8], $0x20  }
0x13b: {  	p3 =	por p2, !p1;
	[sflag:s8] =	ssyncset.done @p1 $0x0  }
0x13c: {  	[sflag:s8] =	ssyncadd.s32 @p1 $0xFFFFFFE0;
	s8 =	simm.s32 @!p3 $0x7  }
0x13d: {  	_ =	swait.ge @!p3 [sflag:s8], $0x1000  }
0x13e: {  	[sflag:s8] =	ssyncset.done @!p3 $0x0  }
0x13f: {  	p4 =	slt.u32 @!p3 s16, $0x3;
	[sflag:s8] =	ssyncadd.s32 @!p3 $0xFFFFF000  }
0x140: {  	p5 =	por @p1 p4, p2;
	_ =	swait.ge @!p3 [sflag:s8], $0x20  }
0x141: {  	p5 =	por p5, !p1;
	[sflag:s8] =	ssyncset.done @!p3 $0x0  }
0x142: {  	[sflag:s8] =	ssyncadd.s32 @!p3 $0xFFFFFFE0;
	s8 =	simm.s32 @!p5 $0x8  }
0x143: {  	_ =	swait.ge @!p5 [sflag:s8], $0x1000  }
0x144: {  	p6 =	seq.s32 @!p5 s16, $0x3;
	[sflag:s8] =	ssyncset.done @!p5 $0x0  }
0x145: {  	p3 =	por @!p3 p6, p4;
	[sflag:s8] =	ssyncadd.s32 @!p5 $0xFFFFF000  }
0x146: {  	p2 =	por @p1 p3, p2;
	_ =	swait.ge @!p5 [sflag:s8], $0x20  }
0x147: {  	p1 =	por p2, !p1;
	[sflag:s8] =	ssyncset.done @!p5 $0x0  }
0x148: {  	[sflag:s8] =	ssyncadd.s32 @!p5 $0xFFFFFFE0;
	s8 =	simm.s32 @!p1 $0x9  }
0x149: {  	_ =	swait.ge @!p1 [sflag:s8], $0x1000  }
0x14a: {  	[sflag:s8] =	ssyncset.done @!p1 $0x0  }
0x14b: {  	[sflag:s8] =	ssyncadd.s32 @!p1 $0xFFFFF000  }
0x14c: {  	_ =	swait.ge @!p1 [sflag:s8], $0x20  }
0x14d: {  	[sflag:s8] =	ssyncset.done @!p1 $0x0  }
0x14e: {  	[sflag:s8] =	ssyncadd.s32 @!p1 $0xFFFFFFE0  }
0x14f: {  	[bflag:$0x0] =	sbarrier.arrive $0xFFFF  }
0x150: {  	s9 =	rddreg [dreg:$0x8]  }
0x151: {  	s17 =	rddreg [dreg:$0xb]  }
0x152: {  	s13 =	rddreg [dreg:$0x12]  }
0x153: {  	[hbm:s17], [sflag:s9] =	dma.local [spmem:s13], $0x3100  }
0x154: {  	_ =	swait.ge [sflag:s20], $0x3100  }
0x155: {  	s10 =	simm.s32 $0x310;
	s11 =	simm.s32 $0x18C18;
	[sflag:s20] =	ssyncset.done $0x0  }
0x156: {  	s12 =	simm.s32 $0x19318;
	s18 =	simm.s32 $0x1;
	[sflag:s20] =	ssyncadd.s32 $0xFFFFCF00  }
0x157: {  	[tilespmem:s12], [sflag:$0x1] =	stream.indirect.gather [spmem:s3], $0x1, s11, s10, $0xb8;
	[tilespmem:$0x1FE18] =	vst v63  }
0x158: {  	_ =	swait.ge [sflag:s18], $0x310  }
0x159: {  	[sflag:s18] =	ssyncset.done $0x0  }
0x15a: {  	s15 =	simm.s32 $0x0;
	s19 =	rddreg [dreg:$0xc];
	[sflag:s18] =	ssyncadd.s32 $0xFFFFFCF0  }
0x15b: {  	[hbm4b:s19+s15] =	stream.linear.scatter [tilespmem:s12], [sflag:$0xC], $0x310, $0x38;
	[tilespmem:$0x1FE18] =	vst v63  }
0x15c: {  	_ =	swait.ge [sflag:s20], $0x310  }
0x15d: {  	[sflag:s20] =	ssyncset.done $0x0  }
0x15e: {  	[sflag:s20] =	ssyncadd.s32 $0xFFFFFCF0  }
0x15f: {  	[bflag:$0x0] =	sbarrier.arrive $0xFFFF  }
0x160: {  	s21 =	rddreg [dreg:$0x5]  }
0x161: {  	[spmem:s13], [sflag:s9] =	dma.local [hbm:s21], $0x3100  }
0x162: {  	_ =	swait.ge [sflag:s20], $0x3100  }
0x163: {  	[sflag:s20] =	ssyncset.done $0x0  }
0x164: {  	s22 =	simm.s32 $0x18F98;
	[sflag:s20] =	ssyncadd.s32 $0xFFFFCF00  }
0x165: {  	[spmem:s3] =	stream.indirect.scatter [tilespmem:s22], [sflag:$0xC], $0x1, s11, s10, $0xb8;
	[tilespmem:$0x1FE18] =	vst v63  }
0x166: {  	_ =	swait.ge [sflag:s20], $0x310  }
0x167: {  	[sflag:s20] =	ssyncset.done $0x0  }
0x168: {  	[sflag:s20] =	ssyncadd.s32 $0xFFFFFCF0  }
.Ltmp20:
0x169: {  	s24 =	simm.s32 $0x19698;
	[bflag:$0x0] =	sbarrier.arrive $0xFFFF;
	(pc) =	sbr.rel .LBB2_25-.Ltmp20, $4  }
0x16a: {  	s26 =	simm.s32 $0x19E18;
	p1 =	por $0x0, $0x0;
	s23 =	rddreg [dreg:$0x9]  }
0x16b: {  	[tilespmem:s24], [sflag:$0xA] =	stream.linear.gather [hbm4b:s23+s15], $0x3C0, $0x38;
	[tilespmem:$0x1FE18] =	vst v63  }
0x16c: {  	s17 =	simm.s32 $0x0;
	s25 =	rddreg [dreg:$0xa];
	s24 =	simm.s32 $0x0  }
0x16d: {  	[tilespmem:s26], [sflag:$0xA] =	stream.linear.gather [hbm4b:s25+s15], $0x3C0, $0x38;
	[tilespmem:$0x1FE18] =	vst v63  }
.LBB2_38:
0x16e: {  	_ = 	snop  }
.LBB2_43:
0x16f: {  	p3 =	por p4, !p3  }
0x170: {  	[sflag:s21] =	ssyncadd.s32 @!p3 $0xFFFFFFE0  }
0x171: {  	[tilespmem:s13], [sflag:s23] =	stream.indirect.gather @!p3 [hbm4b:s17+s25], $0x80, s26, s25, $0xb8;
	[tilespmem:$0x1FE18] =	vst v63  }
0x172: {  	_ =	swait.ge [sflag:s19], $0x1000  }
0x173: {  	s10 =	sadd.s32 $0x1BD98, s10;
	[sflag:s19] =	ssyncset.done $0x0  }
0x174: {  	s11 =	sadd.s32 $0x6, s22;
	s9 =	sadd.s32 $0x4, s9;
	[sflag:s19] =	ssyncadd.s32 $0xFFFFF000  }
0x175: {  	[spmem:s2] =	stream.indirect.scatter.add.f32 [tilespmem:s10], [sflag:s11], $0x80, s8, s30, $0xb8;
	[tilespmem:$0x1FE18] =	vst v63  }
0x176: {  	p3 =	sge.s32 s9, s16  }
0x177: {  	[spmem:s3] =	stream.indirect.scatter.add.f32 [tilespmem:s4], [sflag:s11], $0x1, s8, s30, $0xb8;
	[tilespmem:$0x1FE18] =	vst v63  }
0x178: {  	_ =	swait.ge @!p3 [sflag:s11], $0x1000  }
0x179: {  	[sflag:s11] =	ssyncset.done @!p3 $0x0  }
0x17a: {  	[sflag:s11] =	ssyncadd.s32 @!p3 $0xFFFFF000  }
0x17b: {  	_ =	swait.ge @!p3 [sflag:s11], $0x20  }
0x17c: {  	[sflag:s11] =	ssyncset.done @!p3 $0x0  }
0x17d: {  	s8 =	simm.s32 @!p3 $0x20;
	[sflag:s11] =	ssyncadd.s32 @!p3 $0xFFFFFFE0  }
0x17e: {  	[tilespmem:s10], [sflag:s19] =	stream.indirect.gather @!p3 [hbm4b:s17+s8], $0x80, s18, s8, $0xb8;
	[tilespmem:$0x1FE18] =	vst v63  }
.LBB2_44:
0x17f: {  	p3 =	seq.s32 s24, $0x50  }
.Ltmp21:
0x180: {  	_ = 	snop;
	(pc) =	sbr.rel @p3 .LBB2_45-.Ltmp21, $3  }
0x181: {  	_ =	sdelay $0x1  }
0x182: {  	s17 =	smov.u32 s16  }
0x183: {  	p1 =	por !p1, !p1;
	s17 =	simm.s32 @!p2 $0x4  }
.LBB2_25:
0x184: {  	s8 =	smov.u32 s24  }
0x185: {  	s24 =	sadd.s32 $0x1, s24;
	p2 =	seq.s32 s8, $0x4F  }
0x186: {  	s9 =	smul.u32 @!p2 $0xCD, s24;
	_ =	sdelay $0x1  }
0x187: {  	s9 =	sshrl.u32 @!p2 s9, $0xB  }
0x188: {  	s9 =	sand.u32 @!p2 $0x1F, s9  }
0x189: {  	s10 =	ssub.s32 @!p2 s5, s9  }
0x18a: {  	s10 =	smul.u32 @!p2 $0xA, s10;
	_ =	sdelay $0x1  }
0x18b: {  	s9 =	smul.u32 @!p2 $0x25800, s9;
	s10 =	sadd.s32 @!p2 s24, s10  }
0x18c: {  	s13 =	simm.s32 $0x1;
	s11 =	sand.u32 $0x1, s8;
	s10 =	smul.u32 @!p2 $0x3C0, s10  }
0x18d: {  	s13 =	simm.s32 @!p1 $0x0;
	s12 =	sxor.u32 @!p2 $0x1, s11  }
0x18e: {  	s18 =	simm.s32 @!p2 $0x0;
	s14 =	smul.u32 @!p2 $0x3C0, s12;
	s9 =	sadd.s32 @!p2 s9, s10  }
0x18f: {  	s21 =	smul.u32 $0xF00, s13;
	s23 =	sor.u32 $0xA, s11;
	s9 =	sshrl.u32 @!p2 s9, $0x3  }
0x190: {  	s10 =	sor.u32 @!p2 $0xA, s12;
	s12 =	sadd.s32 @!p2 $0x19698, s14;
	s16 =	sadd.s32 @!p2 s1, s9  }
0x191: {  	[tilespmem:s12], [sflag:s10] =	stream.linear.gather @!p2 [hbm4b:s16+s18], $0x3C0, $0x38;
	[tilespmem:$0x1FE18] =	vst v63  }
0x192: {  	s22 =	sshrl.u32 s21, $0x2;
	s13 =	sadd.s32 @!p2 $0x19E18, s14;
	s9 =	sadd.s32 @!p2 s7, s9  }
0x193: {  	[tilespmem:s13], [sflag:s10] =	stream.linear.gather @!p2 [hbm4b:s9+s18], $0x3C0, $0x38;
	[tilespmem:$0x1FE18] =	vst v63  }
0x194: {  	s25 =	sadd.s32 $0x19698, s22;
	_ =	swait.ge [sflag:s23], $0x3C0  }
0x195: {  	v11 =	vmov s25;
	[sflag:s23] =	ssyncset.done $0x0  }
0x196: {  	[sflag:s23] =	ssyncadd.s32 $0xFFFFFC40  }
0x197: {  	_ =	swait.ge [sflag:s23], $0x3C0  }
0x198: {  	[sflag:s23] =	ssyncset.done $0x0  }
0x199: {  	s26 =	simm.s32 $0x0;
	[sflag:s23] =	ssyncadd.s32 $0xFFFFFC40  }
0x19a: {  	v10 =	vld.idx.msk [tilespmem:v11+s26+$0x0 ss:$0x1], $0xffff;
	_ =	sdelay $0x4  }
0x19b: {  	v12 =	vsub.s32 v10, v2  }
0x19c: {  	vm0 =	vlt.u32 v12, $0x3100  }
0x19d: {  	v10 =	vsel vm0, $0x1, v5  }
0x19e: {  	(xrf0) =	vadd.scan.msk.s32 $0xffff, v10;
	_ =	sdelay $0x1  }
0x19f: {  	s9 =	sadd.s32 $0x19E18, s22  }
0x1a0: {  	v10 =	vmov s9;
	_ =	sdelay $0x1  }
0x1a1: {  	v13 =	vsel vm0, $0xFFFFFFFF, v5  }
0x1a2: {  	v13 =	vadd.s32 s15, v13;
	v14, _, _ =	vpop (xrf0)  }
0x1a3: {  	v13 =	vadd.s32 v14, v13;
	(v2sf) =	vpush v14, $0xF  }
0x1a4: {  	v15 =	vld.idx.msk [tilespmem:v10+s26+$0x0 ss:$0x1], $0xffff  }
0x1a5: {  	s8 =	smul.u32 $0xCD, s8;
	_ =	sdelay $0x1  }
0x1a6: {  	s8 =	sshrl.u32 s8, $0xB  }
0x1a7: {  	s18 =	sand.u32 $0x1F, s8;
	[tilespmem:v13+s28+$0x0] =	vst.idx.msk vm0, v12  }
0x1a8: {  	s10 =	simm.s32 $0x80;
	s8 =	simm.s32 $0x0;
	s9 =	simm.s32 $0x10;
	[tilespmem:v13+s29+$0x0] =	vst.idx.msk vm0, v15  }
.LBB2_26:
0x1a9: {  	p2 =	sne.s32 s10, $0xEC0;
	v12 =	vld.idx.msk [tilespmem:v11+s9+$0x0 ss:$0x1], $0xffff;
	_ =	sdelay $0x5  }
0x1aa: {  	v12 =	vsub.s32 v12, v2  }
0x1ab: {  	vm0 =	vlt.u32 v12, $0x3100  }
0x1ac: {  	v13 =	vsel vm0, $0xFFFFFFFF, v5;
	v14 =	vsel vm0, $0x1, v5;
	s11 =	spop (v2sf)  }
0x1ad: {  	(xrf0) =	vadd.scan.msk.s32 $0xffff, v14;
	s8 =	sadd.s32 s8, s11  }
0x1ae: {  	v13 =	vadd.s32 s8, v13;
	_ =	sdelay $0x4  }
0x1af: {  	v14, _, _ =	vpop (xrf0)  }
0x1b0: {  	v15 =	vld.idx.msk [tilespmem:v10+s9+$0x0 ss:$0x1], $0xffff;
	v13 =	vadd.s32 v14, v13;
	(v2sf) =	vpush v14, $0xF;
	_ =	sdelay $0x1  }
.Ltmp22:
0x1b1: {  	(pc) =	sbr.rel @p2 .LBB2_26-.Ltmp22, $3  }
0x1b2: {  	_ =	sdelay $0x1  }
0x1b3: {  	[tilespmem:v13+s28+$0x0] =	vst.idx.msk vm0, v12  }
0x1b4: {  	s9 =	sshra.s32 s10, $0x2;
	s10 =	sadd.s32 $0x40, s10;
	[tilespmem:v13+s29+$0x0] =	vst.idx.msk vm0, v15  }
0x1b5: {  	_ =	sdelay $0x3  }
0x1b6: {  	v11 =	vld.idx.msk [tilespmem:v11+s9+$0x0 ss:$0x1], $0xffff;
	_ =	sdelay $0x4  }
0x1b7: {  	v11 =	vsub.s32 v11, v2  }
0x1b8: {  	vm0 =	vlt.u32 v11, $0x3100  }
0x1b9: {  	v12 =	vsel vm0, $0x1, v5  }
0x1ba: {  	(xrf0) =	vadd.scan.msk.s32 $0xffff, v12;
	_ =	sdelay $0x5  }
0x1bb: {  	v12, _, _ =	vpop (xrf0)  }
0x1bc: {  	(v2sf) =	vpush v12, $0xF;
	_ =	sdelay $0xd  }
0x1bd: {  	s10 =	spop (v2sf)  }
0x1be: {  	v13 =	vsel vm0, $0xFFFFFFFF, v5;
	s8 =	sadd.s32 s8, s10;
	s22 =	spop (v2sf)  }
0x1bf: {  	v13 =	vadd.s32 s8, v13;
	s8 =	sadd.s32 s8, s22  }
0x1c0: {  	s23 =	sadd.s32 $0x1F, s8  }
0x1c1: {  	s25 =	sand.u32 $0x1F, s23  }
0x1c2: {  	v12 =	vadd.s32 v12, v13;
	s26 =	sshra.s32 s23, $0x1F;
	p3 =	slt.s32 s23, $0x1;
	p2 =	sne.s32 s25, $0x0  }
0x1c3: {  	v10 =	vld.idx.msk [tilespmem:v10+s9+$0x0 ss:$0x1], $0xffff;
	s10 =	sshrl.u32 s26, $0x1B;
	p2 =	por !p3, !p2  }
0x1c4: {  	s9 =	sadd.s32 s10, s23;
	s10 =	simm.s32 $0x1;
	p2 =	por !p2, !p2  }
0x1c5: {  	s9 =	sshra.s32 s9, $0x5;
	s10 =	simm.s32 @!p2 $0x0  }
0x1c6: {  	s16 =	ssub.s32 s9, s10  }
0x1c7: {  	[tilespmem:v12+s28+$0x0] =	vst.idx.msk vm0, v11;
	p3 =	slt.s32 s16, $0x1  }
.Ltmp23:
0x1c8: {  	[tilespmem:v12+s29+$0x0] =	vst.idx.msk vm0, v10;
	(pc) =	sbr.rel @p3 .LBB2_34-.Ltmp23, $4  }
0x1c9: {  	[tilespmem:s8+$0x1A598] =	vst v6  }
0x1ca: {  	[tilespmem:s8+$0x1A998] =	vst v7  }
0x1cb: {  	[tilespmem:s8+$0x1A5A8] =	vst v8  }
0x1cc: {  	[tilespmem:s8+$0x1A9A8] =	vst v9  }
0x1cd: {  	p4 =	sne.s32 s16, $0x1  }
.Ltmp24:
0x1ce: {  	_ = 	snop;
	(pc) =	sbr.rel @!p4 .LBB2_29-.Ltmp24, $3  }
0x1cf: {  	_ =	sdelay $0x1  }
0x1d0: {  	s9 =	simm.s32 $0x1A5A8  }
0x1d1: {  	s8 =	simm.s32 $0x1ADA8;
	s10 =	sadd.s32 $0xFFFFFFFF, s16;
	p2 =	por $0x0, $0x0;
	v10 =	vld [tilespmem:s9+$0xFFFFFFF0]  }
0x1d2: {  	_ =	sdelay $0x3  }
0x1d3: {  	[tilespmem:s8+$0xFFFFFFF0] =	vst v10  }
0x1d4: {  	v10 =	vld [tilespmem:s9+$0x0]  }
0x1d5: {  	p4 =	sne.s32 s10, $0x1  }
.Ltmp25:
0x1d6: {  	_ = 	snop;
	(pc) =	sbr.rel @!p4 .LBB2_31-.Ltmp25, $3  }
0x1d7: {  	_ =	sdelay $0x1  }
0x1d8: {  	s9 =	simm.s32 $0x1A5C8;
	[tilespmem:s8+$0x0] =	vst v10  }
0x1d9: {  	s11 =	sadd.s32 $0xFFFFFFFF, s10;
	p2 =	por $0x1, $0x1;
	s10 =	simm.s32 $0x1ADA8;
	v10 =	vld [tilespmem:s9+$0xFFFFFFF0]  }
.LBB2_32:
0x1da: {  	p4 =	sne.s32 s11, $0x1;
	_ =	sdelay $0x2  }
0x1db: {  	s10 =	sadd.s32 $0x80, s10  }
0x1dc: {  	[tilespmem:s10+$0xFFFFFFF0] =	vst v10  }
0x1dd: {  	v10 =	vld [tilespmem:s9+$0x0];
	_ =	sdelay $0x1  }
.Ltmp26:
0x1de: {  	(pc) =	sbr.rel @p4 .LBB2_32-.Ltmp26, $3  }
0x1df: {  	_ =	sdelay $0x1  }
0x1e0: {  	s9 =	sadd.s32 $0x20, s9;
	[tilespmem:s10+$0x0] =	vst v10  }
0x1e1: {  	s11 =	sadd.s32 $0xFFFFFFFF, s11;
	v10 =	vld [tilespmem:s9+$0xFFFFFFF0]  }
.LBB2_33:
0x1e2: {  	_ =	sdelay $0x1  }
0x1e3: {  	s10 =	sadd.s32 @p2 $0x80, s10  }
0x1e4: {  	s8 =	smov.u32 @p2 s10  }
0x1e5: {  	[tilespmem:s8+$0xFFFFFFF0] =	vst v10  }
0x1e6: {  	v10 =	vld [tilespmem:s9+$0x0];
	_ =	sdelay $0x4  }
0x1e7: {  	[tilespmem:s8+$0x0] =	vst v10  }
.LBB2_34:
0x1e8: {  	p2 =	slt.s32 s17, $0x1  }
0x1e9: {  	s8 =	simm.s32 @!p2 $0x6  }
0x1ea: {  	_ =	swait.ge @!p2 [sflag:s8], $0x1000  }
0x1eb: {  	[sflag:s8] =	ssyncset.done @!p2 $0x0  }
0x1ec: {  	[sflag:s8] =	ssyncadd.s32 @!p2 $0xFFFFF000  }
0x1ed: {  	_ =	swait.ge @!p2 [sflag:s8], $0x20  }
0x1ee: {  	s9 =	smul.u32 @!p3 $0xC3500, s18;
	[sflag:s8] =	ssyncset.done @!p2 $0x0  }
0x1ef: {  	s10 =	simm.s32 @!p3 $0x1A998;
	s11 =	simm.s32 @!p3 $0x1BD98;
	[sflag:s8] =	ssyncadd.s32 @!p2 $0xFFFFFFE0  }
0x1f0: {  	s8 =	sadd.s32 @!p3 s6, s9;
	s9 =	simm.s32 @!p3 $0x20;
	p2 =	slt.s32 s17, $0x2  }
0x1f1: {  	[tilespmem:s11], [sflag:$0x2] =	stream.indirect.gather @!p3 [hbm4b:s8+s9], $0x80, s10, s9, $0xb8;
	[tilespmem:$0x1FE18] =	vst v63  }
0x1f2: {  	s8 =	simm.s32 @!p2 $0x7  }
0x1f3: {  	_ =	swait.ge @!p2 [sflag:s8], $0x1000  }
0x1f4: {  	[sflag:s8] =	ssyncset.done @!p2 $0x0  }
0x1f5: {  	[sflag:s8] =	ssyncadd.s32 @!p2 $0xFFFFF000  }
0x1f6: {  	p4 =	slt.s32 s16, $0x2;
	_ =	swait.ge @!p2 [sflag:s8], $0x20  }
0x1f7: {  	s9 =	smul.u32 @!p4 $0xC3500, s18;
	[sflag:s8] =	ssyncset.done @!p2 $0x0  }
0x1f8: {  	s10 =	simm.s32 @!p4 $0x1A9B8;
	s11 =	simm.s32 @!p4 $0x1CD98;
	[sflag:s8] =	ssyncadd.s32 @!p2 $0xFFFFFFE0  }
0x1f9: {  	s8 =	sadd.s32 @!p4 s6, s9;
	s9 =	simm.s32 @!p4 $0x20;
	p2 =	slt.s32 s17, $0x3  }
0x1fa: {  	[tilespmem:s11], [sflag:$0x3] =	stream.indirect.gather @!p4 [hbm4b:s8+s9], $0x80, s10, s9, $0xb8;
	[tilespmem:$0x1FE18] =	vst v63  }
0x1fb: {  	s8 =	simm.s32 @!p2 $0x8  }
0x1fc: {  	_ =	swait.ge @!p2 [sflag:s8], $0x1000  }
0x1fd: {  	[sflag:s8] =	ssyncset.done @!p2 $0x0  }
0x1fe: {  	p4 =	slt.s32 s16, $0x3;
	[sflag:s8] =	ssyncadd.s32 @!p2 $0xFFFFF000  }
0x1ff: {  	s9 =	smul.u32 @!p4 $0xC3500, s18;
	_ =	swait.ge @!p2 [sflag:s8], $0x20  }
0x200: {  	s10 =	simm.s32 @!p4 $0x1A9D8;
	s11 =	simm.s32 @!p4 $0x1DD98;
	[sflag:s8] =	ssyncset.done @!p2 $0x0  }
0x201: {  	[sflag:s8] =	ssyncadd.s32 @!p2 $0xFFFFFFE0;
	s8 =	sadd.s32 @!p4 s6, s9;
	s9 =	simm.s32 @!p4 $0x20  }
0x202: {  	[tilespmem:s11], [sflag:$0x4] =	stream.indirect.gather @!p4 [hbm4b:s8+s9], $0x80, s10, s9, $0xb8;
	[tilespmem:$0x1FE18] =	vst v63  }
0x203: {  	p4 =	slt.s32 s17, $0x4  }
0x204: {  	s8 =	simm.s32 @!p4 $0x9  }
0x205: {  	p2 =	slt.s32 s16, $0x4;
	_ =	swait.ge @!p4 [sflag:s8], $0x1000  }
.Ltmp27:
0x206: {  	[sflag:s8] =	ssyncset.done @!p4 $0x0;
	(pc) =	sbr.rel @p2 .LBB2_36-.Ltmp27, $4  }
0x207: {  	[sflag:s8] =	ssyncadd.s32 @!p4 $0xFFFFF000  }
0x208: {  	s26 =	smul.u32 $0xC3500, s18;
	_ =	swait.ge @!p4 [sflag:s8], $0x20  }
0x209: {  	[sflag:s8] =	ssyncset.done @!p4 $0x0  }
0x20a: {  	s17 =	sadd.s32 s6, s26;
	[sflag:s8] =	ssyncadd.s32 @!p4 $0xFFFFFFE0  }
.Ltmp28:
0x20b: {  	(pc) =	sbr.rel .LBB2_37-.Ltmp28, $2  }
0x20c: {  	_ =	sdelay $0x2  }
0x20d: {  	[tilespmem:s0], [sflag:$0x5] =	stream.indirect.gather [hbm4b:s17+s30], $0x80, s31, s30, $0xb8;
	[tilespmem:$0x1FE18] =	vst v63  }
.LBB2_36:
.Ltmp29:
0x20e: {  	(pc) =	sbr.rel @p3 .LBB2_44-.Ltmp29, $1  }
0x20f: {  	_ =	sdelay $0x3  }
.LBB2_37:
0x210: {  	p4 =	sne.s32 s16, $0x1  }
.Ltmp30:
0x211: {  	_ = 	snop;
	(pc) =	sbr.rel @!p4 .LBB2_38-.Ltmp30, $4  }
0x212: {  	_ = 	snop  }
0x213: {  	s9 =	simm.s32 $0x0;
	s18 =	simm.s32 $0x1AA18  }
0x214: {  	s8 =	simm.s32 $0x1AD98;
	s12 =	simm.s32 $0x1;
	s22 =	sand.u32 $0x3, s9  }
0x215: {  	p3 =	por $0x0, $0x0;
	s10 =	sshll.u32 s22, $0xC;
	s19 =	sadd.s32 $0x2, s22  }
0x216: {  	_ =	swait.ge [sflag:s19], $0x1000  }
0x217: {  	[sflag:s19] =	ssyncset.done $0x0  }
0x218: {  	s13 =	sadd.s32 $0x1BD98, s10;
	s21 =	sadd.s32 $0x6, s22;
	[sflag:s19] =	ssyncadd.s32 $0xFFFFF000  }
0x219: {  	[spmem:s2] =	stream.indirect.scatter.add.f32 [tilespmem:s13], [sflag:s21], $0x80, s8, s30, $0xb8;
	[tilespmem:$0x1FE18] =	vst v63  }
0x21a: {  	p4 =	sle.s32 s16, $0x4;
	p5 =	sne.s32 s16, $0x2  }
0x21b: {  	[spmem:s3] =	stream.indirect.scatter.add.f32 [tilespmem:s4], [sflag:s21], $0x1, s8, s30, $0xb8;
	[tilespmem:$0x1FE18] =	vst v63  }
.Ltmp31:
0x21c: {  	_ =	swait.ge @!p4 [sflag:s21], $0x1000;
	(pc) =	sbr.rel @!p5 .LBB2_40-.Ltmp31, $4  }
0x21d: {  	s22 =	sand.u32 $0x3, s12;
	s9 =	simm.s32 $0x2;
	[sflag:s21] =	ssyncset.done @!p4 $0x0  }
0x21e: {  	s14 =	simm.s32 $0x1AA38;
	p3 =	por $0x1, $0x1;
	[sflag:s21] =	ssyncadd.s32 @!p4 $0xFFFFF000  }
0x21f: {  	s10 =	sshll.u32 s22, $0xC;
	s11 =	sadd.s32 $0x2, s22;
	_ =	swait.ge @!p4 [sflag:s21], $0x20  }
0x220: {  	s25 =	simm.s32 @!p4 $0x20;
	s8 =	simm.s32 $0x1AE18;
	[sflag:s21] =	ssyncset.done @!p4 $0x0  }
.LBB2_41:
0x221: {  	s23 =	sand.u32 $0x3, s9  }
0x222: {  	[sflag:s21] =	ssyncadd.s32 @!p4 $0xFFFFFFE0;
	s26 =	smov.u32 s9;
	s9 =	sadd.s32 $0x1, s9  }
0x223: {  	[tilespmem:s13], [sflag:s19] =	stream.indirect.gather @!p4 [hbm4b:s17+s25], $0x80, s18, s25, $0xb8;
	[tilespmem:$0x1FE18] =	vst v63  }
0x224: {  	s25 =	sshll.u32 s23, $0xC;
	p5 =	sne.s32 s16, s9;
	_ =	swait.ge [sflag:s11], $0x1000  }
0x225: {  	s18 =	smov.u32 s14;
	s19 =	smov.u32 s11;
	[sflag:s11] =	ssyncset.done $0x0  }
0x226: {  	s21 =	sadd.s32 $0x6, s22;
	s13 =	sadd.s32 $0x1BD98, s10;
	[sflag:s19] =	ssyncadd.s32 $0xFFFFF000  }
0x227: {  	[spmem:s2] =	stream.indirect.scatter.add.f32 [tilespmem:s13], [sflag:s21], $0x80, s8, s30, $0xb8;
	[tilespmem:$0x1FE18] =	vst v63  }
0x228: {  	s10 =	sadd.s32 $0x4, s12;
	s22 =	smov.u32 s23;
	s12 =	smov.u32 s26  }
0x229: {  	[spmem:s3] =	stream.indirect.scatter.add.f32 [tilespmem:s4], [sflag:s21], $0x1, s8, s30, $0xb8;
	[tilespmem:$0x1FE18] =	vst v63  }
0x22a: {  	p4 =	sge.s32 s10, s16;
	s10 =	smov.u32 s25  }
.Ltmp32:
0x22b: {  	_ =	swait.ge @!p4 [sflag:s21], $0x1000;
	(pc) =	sbr.rel @p5 .LBB2_41-.Ltmp32, $4  }
0x22c: {  	[sflag:s21] =	ssyncset.done @!p4 $0x0  }
0x22d: {  	[sflag:s21] =	ssyncadd.s32 @!p4 $0xFFFFF000  }
0x22e: {  	s14 =	sadd.s32 $0x20, s14;
	s8 =	sadd.s32 $0x80, s8;
	_ =	swait.ge @!p4 [sflag:s21], $0x20  }
0x22f: {  	s11 =	sadd.s32 $0x2, s22;
	s25 =	simm.s32 @!p4 $0x20;
	[sflag:s21] =	ssyncset.done @!p4 $0x0  }
.Ltmp33:
0x230: {  	(pc) =	sbr.rel .LBB2_43-.Ltmp33, $3  }
0x231: {  	_ =	sdelay $0x1  }
0x232: {  	s23 =	smov.u32 s19;
	s26 =	smov.u32 s18  }
0x233: {  	s19 =	smov.u32 s11;
	s18 =	smov.u32 s14;
	s9 =	smov.u32 s12  }
.LBB2_40:
.Ltmp34:
0x234: {  	(pc) =	sbr.rel .LBB2_43-.Ltmp34, $3  }
0x235: {  	_ =	sdelay $0x1  }
0x236: {  	s23 =	smov.u32 s19;
	s26 =	simm.s32 $0x1AA18  }
0x237: {  	s19 =	smov.u32 s11;
	s18 =	simm.s32 $0x1AA38;
	s9 =	simm.s32 $0x1  }
.LBB2_29:
.Ltmp35:
0x238: {  	(pc) =	sbr.rel .LBB2_33-.Ltmp35, $2  }
0x239: {  	_ =	sdelay $0x2  }
0x23a: {  	s10 =	simm.s32 $0x1ADA8  }
.LBB2_31:
.Ltmp36:
0x23b: {  	(pc) =	sbr.rel .LBB2_33-.Ltmp36, $2  }
0x23c: {  	_ =	sdelay $0x2  }
0x23d: {  	s10 =	simm.s32 $0x1ADA8  }
.LBB2_46:
0x23e: {  	_ =	sfence.sel $0x180000  }
0x23f: {  	[bflag:$0x0] =	sbarrier.arrive $0xFFFF  }
0x240: {  	_ =	strace $0x90000047  }
0x241: {  	[bflag:$0x2] =	sbarrier.arrive $0xFFFF  }
0x242: {  	p0 =	sne.s32 s5, $0x0;
	s0 =	rddreg [dreg:$0x4]  }
0x243: {  	s0 =	sadd.s32 @!p0 $0x100000, s0  }
0x244: {  	[sflag:s0] =	ssyncadd.tile.s32 @!p0 $0x1;
	_ =	shalt  }
.Lfunc_end2:
_tile_overlayer_lowered:
.L_overlay_start_2:
0x245: {  	(tag) =	ssettag $0x2  }
0x246: {  	s0 =	rddreg [dreg:$0x0];
	s2 =	stileid.u32  }
0x247: {  	s1 =	rddreg [dreg:$0x1];
	p0 =	sne.s32 s2, $0x0  }
0x248: {  	s3 =	rddreg [dreg:$0x2];
	[bflag:$0x3] =	sbarrier.arrive $0xFFFF;
	s2 =	simm.s32 @!p0 $0x1C0C  }
0x249: {  	[timem:s3], [sflag:s2] =	dma.local @!p0 [hbm:s0], s1  }
0x24a: {  	s0 =	simm.s32 @!p0 $0xC  }
0x24b: {  	_ =	swait.ge @!p0 [sflag:s0], s1  }
0x24c: {  	s1 =	ssub.s32 @!p0 $0x0, s1;
	[sflag:s0] =	ssyncset.done @!p0 $0x0  }
0x24d: {  	[sflag:s0] =	ssyncadd.s32 @!p0 s1  }
0x24e: {  	[bflag:$0x3] =	sbarrier.arrive $0xFFFF  }
0x24f: {  	_ =	shalt  }

</sc_bundles>
